<compile_context>
chip_gen: v7x
topology: tpu7x:2x2x1
jax: 0.10.2.dev20260603
libtpu: 0.0.44.dev20260713+nightly
codegen_flags: <defaults>
</compile_context>

<pallas_src>
import functools

import jax
import jax.numpy as jnp
import numpy as np
from jax import lax
from jax.experimental import pallas as pl

BBOX_XFORM_CLIP = float(np.log(1000.0 / 16.0))
PRE_NMS_TOP_K = 1000
NUM_PROPOSALS = 1000
NMS_IOU = 0.7


def _sigmoid_body(x_ref, o_ref):
    o_ref[...] = jax.nn.sigmoid(x_ref[...])


def _sigmoid_pallas(x):
    return pl.pallas_call(
        _sigmoid_body,
        out_shape=jax.ShapeDtypeStruct(x.shape, x.dtype),
    )(x)


def _decode_boxes(boxes, anchors):
    ay1 = anchors[..., 0]; ax1 = anchors[..., 1]; ay2 = anchors[..., 2]; ax2 = anchors[..., 3]
    ah = ay2 - ay1; aw = ax2 - ax1
    ayc = ay1 + 0.5 * ah; axc = ax1 + 0.5 * aw
    dy = boxes[..., 0]; dx = boxes[..., 1]
    dh = jnp.minimum(boxes[..., 2], BBOX_XFORM_CLIP)
    dw = jnp.minimum(boxes[..., 3], BBOX_XFORM_CLIP)
    nyc = dy * ah + ayc; nxc = dx * aw + axc
    nh = jnp.exp(dh) * ah; nw = jnp.exp(dw) * aw
    return jnp.stack([nyc - 0.5 * nh, nxc - 0.5 * nw, nyc + 0.5 * nh, nxc + 0.5 * nw], axis=-1)


def _clip_boxes(boxes, image_shape):
    h = image_shape[..., 0:1]; w = image_shape[..., 1:2]
    maxes = jnp.concatenate([h, w, h, w], axis=-1)
    return jnp.clip(boxes, 0.0, maxes)


def _top_k_boxes(boxes, scores, k):
    sc, idx = lax.top_k(scores, k)
    bx = jnp.take_along_axis(boxes, idx[..., None], axis=1)
    return bx, sc


def _self_iou(boxes):
    y1 = boxes[..., 0]; x1 = boxes[..., 1]; y2 = boxes[..., 2]; x2 = boxes[..., 3]
    area = jnp.maximum(y2 - y1, 0.0) * jnp.maximum(x2 - x1, 0.0)
    iy1 = jnp.maximum(y1[:, :, None], y1[:, None, :])
    ix1 = jnp.maximum(x1[:, :, None], x1[:, None, :])
    iy2 = jnp.minimum(y2[:, :, None], y2[:, None, :])
    ix2 = jnp.minimum(x2[:, :, None], x2[:, None, :])
    inter = jnp.maximum(iy2 - iy1, 0.0) * jnp.maximum(ix2 - ix1, 0.0)
    union = area[:, :, None] + area[:, None, :] - inter
    return inter / (union + 1e-8)


def _sorted_nms_padded(scores, boxes, max_output_size, iou_threshold):
    B, K = scores.shape
    iou = _self_iou(boxes)
    idxs = jnp.arange(K)

    def body(keep, i):
        keep_i = keep[:, i]
        suppress = (iou[:, i, :] > iou_threshold) & keep_i[:, None] & (idxs[None, :] > i)
        return keep & ~suppress, None

    keep, _ = lax.scan(body, jnp.ones((B, K), dtype=bool), idxs)
    masked = jnp.where(keep, scores, -1.0)
    sel_masked, idx = lax.top_k(masked, max_output_size)
    valid = sel_masked > -0.5
    sel_sc = jnp.where(valid, jnp.take_along_axis(scores, idx, axis=1), 0.0)
    sel_bx = jnp.where(valid[..., None], jnp.take_along_axis(boxes, idx[..., None], axis=1), 0.0)
    return sel_sc, sel_bx


def kernel(raw_boxes_l3, raw_scores_l3, anchor_boxes_l3,
           raw_boxes_l4, raw_scores_l4, anchor_boxes_l4,
           raw_boxes_l5, raw_scores_l5, anchor_boxes_l5,
           image_shape):
    levels = [
        (raw_boxes_l3, raw_scores_l3, anchor_boxes_l3),
        (raw_boxes_l4, raw_scores_l4, anchor_boxes_l4),
        (raw_boxes_l5, raw_scores_l5, anchor_boxes_l5),
    ]
    img = image_shape[:, None, :]
    rois_list, score_list = [], []
    for rb, rs, ab in levels:
        B, fh, fw, na = rs.shape
        nb = fh * fw * na
        sc = _sigmoid_pallas(jnp.reshape(rs, (B, nb)))
        bx = jnp.reshape(rb, (B, nb, 4))
        an = jnp.reshape(ab, (B, nb, 4)).astype(sc.dtype)
        bx = _decode_boxes(bx, an)
        bx = _clip_boxes(bx, img)
        pre_k = min(nb, PRE_NMS_TOP_K)
        post_k = min(nb, NUM_PROPOSALS)
        bx, sc = _top_k_boxes(bx, sc, pre_k)
        sc, bx = _sorted_nms_padded(sc, bx, post_k, NMS_IOU)
        rois_list.append(bx)
        score_list.append(sc)
    all_rois = jnp.concatenate(rois_list, axis=1)
    all_scores = jnp.concatenate(score_list, axis=1)
    k = min(all_scores.shape[1], NUM_PROPOSALS)
    selected_rois, selected_scores = _top_k_boxes(all_rois, all_scores, k)
    return (selected_rois, selected_scores)

# --- scband reference (transcript-rebuilt; emitter-appended) ---
"""Pipeline reference for scband-multi-level-ro-igenerator-32719060861127 (READ-ONLY COPY).

The authoritative reference and input builder live on the scoring server;
editing this copy changes nothing except your own understanding.
"""

import jax, jax.numpy as jnp
import numpy as np
from jax import lax

BBOX_XFORM_CLIP = float(np.log(1000.0 / 16.0))
PRE_NMS_TOP_K = 1000
NUM_PROPOSALS = 1000
NMS_IOU = 0.7


def decode_boxes(boxes, anchors):
    ay1 = anchors[..., 0]; ax1 = anchors[..., 1]; ay2 = anchors[..., 2]; ax2 = anchors[..., 3]
    ah = ay2 - ay1; aw = ax2 - ax1
    ayc = ay1 + 0.5 * ah; axc = ax1 + 0.5 * aw
    dy = boxes[..., 0]; dx = boxes[..., 1]
    dh = jnp.minimum(boxes[..., 2], BBOX_XFORM_CLIP)
    dw = jnp.minimum(boxes[..., 3], BBOX_XFORM_CLIP)
    nyc = dy * ah + ayc; nxc = dx * aw + axc
    nh = jnp.exp(dh) * ah; nw = jnp.exp(dw) * aw
    return jnp.stack([nyc - 0.5 * nh, nxc - 0.5 * nw, nyc + 0.5 * nh, nxc + 0.5 * nw], axis=-1)


def clip_boxes(boxes, image_shape):
    h = image_shape[..., 0:1]; w = image_shape[..., 1:2]
    maxes = jnp.concatenate([h, w, h, w], axis=-1)
    return jnp.clip(boxes, 0.0, maxes)


def top_k_boxes(boxes, scores, k):
    sc, idx = lax.top_k(scores, k)
    bx = jnp.take_along_axis(boxes, idx[..., None], axis=1)
    return bx, sc


def self_iou(boxes):
    y1 = boxes[..., 0]; x1 = boxes[..., 1]; y2 = boxes[..., 2]; x2 = boxes[..., 3]
    area = jnp.maximum(y2 - y1, 0.0) * jnp.maximum(x2 - x1, 0.0)
    iy1 = jnp.maximum(y1[:, :, None], y1[:, None, :])
    ix1 = jnp.maximum(x1[:, :, None], x1[:, None, :])
    iy2 = jnp.minimum(y2[:, :, None], y2[:, None, :])
    ix2 = jnp.minimum(x2[:, :, None], x2[:, None, :])
    inter = jnp.maximum(iy2 - iy1, 0.0) * jnp.maximum(ix2 - ix1, 0.0)
    union = area[:, :, None] + area[:, None, :] - inter
    return inter / (union + 1e-8)


def sorted_nms_padded(scores, boxes, max_output_size, iou_threshold):
    B, K = scores.shape
    iou = lax.stop_gradient(self_iou(boxes))
    idxs = jnp.arange(K)

    def body(keep, i):
        keep_i = keep[:, i]
        suppress = (iou[:, i, :] > iou_threshold) & keep_i[:, None] & (idxs[None, :] > i)
        return keep & ~suppress, None

    keep, _ = lax.scan(body, jnp.ones((B, K), dtype=bool), idxs)
    masked = jnp.where(keep, lax.stop_gradient(scores), -1.0)
    sel_masked, idx = lax.top_k(masked, max_output_size)
    valid = sel_masked > -0.5
    sel_sc = jnp.where(valid, jnp.take_along_axis(scores, idx, axis=1), 0.0)
    sel_bx = jnp.where(valid[..., None], jnp.take_along_axis(boxes, idx[..., None], axis=1), 0.0)
    return sel_sc, sel_bx


def reference(raw_boxes_l3, raw_scores_l3, anchor_boxes_l3,
              raw_boxes_l4, raw_scores_l4, anchor_boxes_l4,
              raw_boxes_l5, raw_scores_l5, anchor_boxes_l5,
              image_shape):
    levels = [
        (raw_boxes_l3, raw_scores_l3, anchor_boxes_l3),
        (raw_boxes_l4, raw_scores_l4, anchor_boxes_l4),
        (raw_boxes_l5, raw_scores_l5, anchor_boxes_l5),
    ]
    img = image_shape[:, None, :]
    rois_list, score_list = [], []
    for rb, rs, ab in levels:
        B, fh, fw, na = rs.shape
        nb = fh * fw * na
        sc = jax.nn.sigmoid(jnp.reshape(rs, (B, nb)))
        bx = jnp.reshape(rb, (B, nb, 4))
        an = jnp.reshape(ab, (B, nb, 4)).astype(sc.dtype)
        bx = decode_boxes(bx, an)
        bx = clip_boxes(bx, img)
        pre_k = min(nb, PRE_NMS_TOP_K)
        post_k = min(nb, NUM_PROPOSALS)
        bx, sc = top_k_boxes(bx, sc, pre_k)
        sc, bx = sorted_nms_padded(sc, bx, post_k, NMS_IOU)
        rois_list.append(bx)
        score_list.append(sc)
    all_rois = jnp.concatenate(rois_list, axis=1)
    all_scores = jnp.concatenate(score_list, axis=1)
    k = min(all_scores.shape[1], NUM_PROPOSALS)
    selected_rois, selected_scores = top_k_boxes(all_rois, all_scores, k)
    return (selected_rois, selected_scores)


def setup_inputs(seed: int = 0) -> dict:
    key = jax.random.key(seed)
    ks = jax.random.split(key, 9)
    inp = {
        'raw_boxes_l3': jax.random.normal(ks[0], (4, 64, 64, 12), dtype=jnp.float32),
        'raw_scores_l3': jax.random.normal(ks[1], (4, 64, 64, 3), dtype=jnp.float32),
        'anchor_boxes_l3': jax.random.uniform(ks[2], (4, 12288, 4), dtype=jnp.float32),
        'raw_boxes_l4': jax.random.normal(ks[3], (4, 32, 32, 12), dtype=jnp.float32),
        'raw_scores_l4': jax.random.normal(ks[4], (4, 32, 32, 3), dtype=jnp.float32),
        'anchor_boxes_l4': jax.random.uniform(ks[5], (4, 3072, 4), dtype=jnp.float32),
        'raw_boxes_l5': jax.random.normal(ks[6], (4, 16, 16, 12), dtype=jnp.float32),
        'raw_scores_l5': jax.random.normal(ks[7], (4, 16, 16, 3), dtype=jnp.float32),
        'anchor_boxes_l5': jax.random.uniform(ks[8], (4, 768, 4), dtype=jnp.float32),
        'image_shape': jnp.ones((4, 2), dtype=jnp.float32),
    }
    return inp

if __name__ == "__main__":
    import jax
    _d = setup_inputs()
    print(jax.jit(kernel)(*tuple(_d.values())))

</pallas_src>

<mosaic_0001>
module attributes {stable_mosaic.version = 14 : i64} {
  func.func @_sigmoid_body(%arg0: memref<4x12288xf32, #tpu.memory_space<vmem>>, %arg1: memref<4x12288xf32, #tpu.memory_space<vmem>>) attributes {dimension_semantics = [], scalar_prefetch = 0 : i64, scratch_operands = 0 : i64, tpu.core_type = #tpu.core_type<tc>} {
    %get3A = arith.constant 0 : index
    %get3A_0 = arith.constant 0 : index
    %get3A_1 = vector.load %arg0[%get3A, %get3A_0] : memref<4x12288xf32, #tpu.memory_space<vmem>>, vector<4x12288xf32>
    %logistic3A = arith.negf %get3A_1 : vector<4x12288xf32>
    %logistic3A_2 = math.exp %logistic3A : vector<4x12288xf32>
    %logistic3A_3 = arith.constant 1.000000e+00 : f32
    %logistic3A_4 = vector.broadcast %logistic3A_3 : f32 to vector<4x12288xf32>
    %logistic3A_5 = arith.addf %logistic3A_4, %logistic3A_2 : vector<4x12288xf32>
    %logistic3A_6 = arith.divf %logistic3A_4, %logistic3A_5 : vector<4x12288xf32>
    %swap3A = arith.constant 0 : index
    %swap3A_7 = arith.constant 0 : index
    %swap3A_8 = vector.load %arg1[%swap3A, %swap3A_7] : memref<4x12288xf32, #tpu.memory_space<vmem>>, vector<4x12288xf32>
    tpu.vector_store %arg1[%swap3A, %swap3A_7], %logistic3A_6 {strides = array<i32>} : memref<4x12288xf32, #tpu.memory_space<vmem>>, vector<4x12288xf32>,
    return
  }
}

module attributes {stable_mosaic.version = 14 : i64} {
  func.func @_sigmoid_body(%arg0: memref<4x3072xf32, #tpu.memory_space<vmem>>, %arg1: memref<4x3072xf32, #tpu.memory_space<vmem>>) attributes {dimension_semantics = [], scalar_prefetch = 0 : i64, scratch_operands = 0 : i64, tpu.core_type = #tpu.core_type<tc>} {
    %get3A = arith.constant 0 : index
    %get3A_0 = arith.constant 0 : index
    %get3A_1 = vector.load %arg0[%get3A, %get3A_0] : memref<4x3072xf32, #tpu.memory_space<vmem>>, vector<4x3072xf32>
    %logistic3A = arith.negf %get3A_1 : vector<4x3072xf32>
    %logistic3A_2 = math.exp %logistic3A : vector<4x3072xf32>
    %logistic3A_3 = arith.constant 1.000000e+00 : f32
    %logistic3A_4 = vector.broadcast %logistic3A_3 : f32 to vector<4x3072xf32>
    %logistic3A_5 = arith.addf %logistic3A_4, %logistic3A_2 : vector<4x3072xf32>
    %logistic3A_6 = arith.divf %logistic3A_4, %logistic3A_5 : vector<4x3072xf32>
    %swap3A = arith.constant 0 : index
    %swap3A_7 = arith.constant 0 : index
    %swap3A_8 = vector.load %arg1[%swap3A, %swap3A_7] : memref<4x3072xf32, #tpu.memory_space<vmem>>, vector<4x3072xf32>
    tpu.vector_store %arg1[%swap3A, %swap3A_7], %logistic3A_6 {strides = array<i32>} : memref<4x3072xf32, #tpu.memory_space<vmem>>, vector<4x3072xf32>,
    return
  }
}

module attributes {stable_mosaic.version = 14 : i64} {
  func.func @_sigmoid_body(%arg0: memref<4x768xf32, #tpu.memory_space<vmem>>, %arg1: memref<4x768xf32, #tpu.memory_space<vmem>>) attributes {dimension_semantics = [], scalar_prefetch = 0 : i64, scratch_operands = 0 : i64, tpu.core_type = #tpu.core_type<tc>} {
    %get3A = arith.constant 0 : index
    %get3A_0 = arith.constant 0 : index
    %get3A_1 = vector.load %arg0[%get3A, %get3A_0] : memref<4x768xf32, #tpu.memory_space<vmem>>, vector<4x768xf32>
    %logistic3A = arith.negf %get3A_1 : vector<4x768xf32>
    %logistic3A_2 = math.exp %logistic3A : vector<4x768xf32>
    %logistic3A_3 = arith.constant 1.000000e+00 : f32
    %logistic3A_4 = vector.broadcast %logistic3A_3 : f32 to vector<4x768xf32>
    %logistic3A_5 = arith.addf %logistic3A_4, %logistic3A_2 : vector<4x768xf32>
    %logistic3A_6 = arith.divf %logistic3A_4, %logistic3A_5 : vector<4x768xf32>
    %swap3A = arith.constant 0 : index
    %swap3A_7 = arith.constant 0 : index
    %swap3A_8 = vector.load %arg1[%swap3A, %swap3A_7] : memref<4x768xf32, #tpu.memory_space<vmem>>, vector<4x768xf32>
    tpu.vector_store %arg1[%swap3A, %swap3A_7], %logistic3A_6 {strides = array<i32>} : memref<4x768xf32, #tpu.memory_space<vmem>>, vector<4x768xf32>,
    return
  }
}

</mosaic_0001>

<sc_bundles>
// kernel: gather_offload_async_start.1
scs
__scs_entry_jumppad:
0x0: {  	(pc) =	sbr.rel $0x88, $3  }
0x1: {  	(tag) =	ssettag $0x0;
	lr =	simm.s32 $0x1  }
0x2: {  	[smem:$0x3F97] =	sst lr;
	_ =	strace $0xD0000000  }
0x3: {  	_ = 	snop  }
0x4: {  	_ = 	snop  }
0x5: {  	_ = 	snop  }
0x6: {  	_ = 	snop  }
0x7: {  	_ = 	snop  }
__scs_overlays_trampoline_lowered:
0x8: {  	[smem:$0x3FA6] =	sst s0  }
0x9: {  	[smem:$0x3FA7] =	sst s1  }
0xa: {  	[smem:$0x3FA8] =	sst s2  }
0xb: {  	[smem:$0x3FA9] =	sst s3  }
0xc: {  	[smem:$0x3FAA] =	sst s4  }
0xd: {  	[smem:$0x3FAB] =	sst s5  }
0xe: {  	[smem:$0x3FAC] =	sst s6  }
0xf: {  	[smem:$0x3FAD] =	sst s7  }
0x10: {  	[smem:$0x3FAE] =	sst s8  }
0x11: {  	[smem:$0x3FAF] =	sst s9;
	s0 =	simm.s32 @!p0 $0x0  }
0x12: {  	s1 =	sld [smem:$0x3F95];
	s0 =	simm.s32 @p0 $0x1  }
0x13: {  	[smem:$0x3FB0] =	sst s0;
	s0 =	simm.s32 @!p1 $0x0  }
0x14: {  	s2 =	sld [smem:$0x3F94];
	s0 =	simm.s32 @p1 $0x1  }
0x15: {  	[smem:$0x3FB1] =	sst s0;
	s0 =	simm.s32 @!p2 $0x0  }
0x16: {  	s3 =	sld [smem:$0x3FDB];
	s0 =	simm.s32 @p2 $0x1  }
0x17: {  	s4 =	simm.s32 $0x1BF5;
	[smem:$0x3FB3] =	sst s0  }
0x18: {  	s0 =	sld [smem:$0x3F96];
	_ =	swait.ge [sflag:s4], $0x0  }
0x19: {  	s7 =	sld [smem:$0x3F97]  }
0x1a: {  	s8 =	sadd.s32 $0xFFFFE003, lr  }
0x1b: {  	s9 =	sadd.s32 $0xFFFFFEF7, lr;
	s5 =	simm.s32 $0xFFFFFFFF;
	p2 =	slt.u32 s8, $0xFFFFF086  }
0x1c: {  	p1 =	slt.u32 s9, $0xF7A;
	s5 =	simm.s32 @!p2 $0x0  }
0x1d: {  	s5 =	simm.s32 @p1 $0x1;
	p0 =	seq.s32 s7, s2  }
0x1e: {  	s7 =	smul.u32 @!p0 $0xF7A, s2;
	p2 =	seq.s32 @!p0 s5, $0x0  }
0x1f: {  	s9 =	smul.u32 $0xF7A, s1;
	s8 =	simm.s32 @!p0 $0x1BF5;
	p2 =	por !p2, p0  }
0x20: {  	[sflag:s8] =	ssyncset.s32 @!p0 $0xFFFFF086;
	s6 =	sadd.s32 @!p0 s3, s7;
	s7 =	simm.s32 @!p0 $0x108  }
0x21: {  	s3 =	sadd.s32 s3, s9;
	s6 =	sadd.s32 @!p0 $0x88, s6;
	s7 =	simm.s32 @p2 $0x1082  }
0x22: {  	[simem:s7], [sflag:s8] =	dma.local @!p0 [hbm:s6], $0xF7A  }
0x23: {  	s9 =	sor.u32 $0xD0000000, s2;
	s6 =	simm.s32 $0x108;
	_ =	swait.ge @!p0 [sflag:s8], $0x0  }
0x24: {  	s3 =	sadd.s32 $0x88, s3;
	s6 =	simm.s32 @!p1 $0x1082;
	[sflag:s4] =	ssyncset.s32 $0xFFFFF086  }
0x25: {  	[simem:s6], [sflag:s4] =	dma.local [hbm:s3], $0xF7A  }
0x26: {  	[smem:$0x3F97] =	sst s1;
	(tag) =	ssettag s2;
	_ =	strace s9  }
0x27: {  	s1 =	sld [smem:$0x3FA7]  }
0x28: {  	s2 =	sld [smem:$0x3FA8]  }
0x29: {  	s4 =	sld [smem:$0x3FAA]  }
0x2a: {  	p0 =	seq.s32 s5, $0x0;
	s5 =	sld [smem:$0x3FAB]  }
0x2b: {  	s6 =	sld [smem:$0x3FAC]  }
0x2c: {  	s7 =	sld [smem:$0x3FAD]  }
0x2d: {  	s3 =	simm.s32 $0x108;
	s8 =	sld [smem:$0x3FAE]  }
0x2e: {  	s3 =	simm.s32 @!p0 $0x1082;
	s9 =	sld [smem:$0x3FAF]  }
0x2f: {  	lr =	sadd.s32 s0, s3;
	s0 =	sld [smem:$0x3FA6]  }
0x30: {  	s3 =	sld [smem:$0x3FA9]  }
0x31: {  	[smem:$0x3FB2] =	sst s10  }
0x32: {  	s10 =	sld [smem:$0x3FB0];
	_ =	sdelay $0x3  }
0x33: {  	p0 =	seq.s32 s10, $0x1;
	s10 =	sld [smem:$0x3FB2];
	_ =	sdelay $0x3  }
0x34: {  	[smem:$0x3FB2] =	sst s10  }
0x35: {  	s10 =	sld [smem:$0x3FB1];
	_ =	sdelay $0x3  }
0x36: {  	p1 =	seq.s32 s10, $0x1;
	s10 =	sld [smem:$0x3FB2];
	_ =	sdelay $0x3  }
0x37: {  	[smem:$0x3FB2] =	sst s10  }
0x38: {  	s10 =	sld [smem:$0x3FB3]  }
0x39: {  	_ = 	snop;
	(pc) =	sbr.ind lr, $3  }
0x3a: {  	_ = 	snop  }
0x3b: {  	_ = 	snop  }
0x3c: {  	p2 =	seq.s32 s10, $0x1;
	s10 =	sld [smem:$0x3FB2]  }
0x3d: {  	_ =	shalt  }
0x3e: {  	_ =	shalt  }
0x3f: {  	_ =	shalt  }
0x40: {  	_ =	shalt  }
0x41: {  	_ =	shalt  }
0x42: {  	_ =	shalt  }
0x43: {  	_ =	shalt  }
0x44: {  	_ =	shalt  }
0x45: {  	_ =	shalt  }
0x46: {  	_ =	shalt  }
0x47: {  	_ =	shalt  }
0x48: {  	_ =	shalt  }
0x49: {  	_ =	shalt  }
0x4a: {  	_ =	shalt  }
0x4b: {  	_ =	shalt  }
0x4c: {  	_ =	shalt  }
0x4d: {  	_ =	shalt  }
0x4e: {  	_ =	shalt  }
0x4f: {  	_ =	shalt  }
0x50: {  	_ =	shalt  }
0x51: {  	_ =	shalt  }
0x52: {  	_ =	shalt  }
0x53: {  	_ =	shalt  }
0x54: {  	_ =	shalt  }
0x55: {  	_ =	shalt  }
0x56: {  	_ =	shalt  }
0x57: {  	_ =	shalt  }
0x58: {  	_ =	shalt  }
0x59: {  	_ =	shalt  }
0x5a: {  	_ =	shalt  }
0x5b: {  	_ =	shalt  }
0x5c: {  	_ =	shalt  }
0x5d: {  	_ =	shalt  }
0x5e: {  	_ =	shalt  }
0x5f: {  	_ =	shalt  }
0x60: {  	_ =	shalt  }
0x61: {  	_ =	shalt  }
0x62: {  	_ =	shalt  }
0x63: {  	_ =	shalt  }
0x64: {  	_ =	shalt  }
0x65: {  	_ =	shalt  }
0x66: {  	_ =	shalt  }
0x67: {  	_ =	shalt  }
0x68: {  	_ =	shalt  }
0x69: {  	_ =	shalt  }
0x6a: {  	_ =	shalt  }
0x6b: {  	_ =	shalt  }
0x6c: {  	_ =	shalt  }
0x6d: {  	_ =	shalt  }
0x6e: {  	_ =	shalt  }
0x6f: {  	_ =	shalt  }
0x70: {  	_ =	shalt  }
0x71: {  	_ =	shalt  }
0x72: {  	_ =	shalt  }
0x73: {  	_ =	shalt  }
0x74: {  	_ =	shalt  }
0x75: {  	_ =	shalt  }
0x76: {  	_ =	shalt  }
0x77: {  	_ =	shalt  }
0x78: {  	_ =	shalt  }
0x79: {  	_ =	shalt  }
0x7a: {  	_ =	shalt  }
0x7b: {  	_ =	shalt  }
0x7c: {  	_ =	shalt  }
0x7d: {  	_ =	shalt  }
0x7e: {  	_ =	shalt  }
0x7f: {  	_ =	shalt  }
0x80: {  	_ =	shalt  }
0x81: {  	_ =	shalt  }
0x82: {  	_ =	shalt  }
0x83: {  	_ =	shalt  }
0x84: {  	_ =	shalt  }
0x85: {  	_ =	shalt  }
0x86: {  	_ =	shalt  }
0x87: {  	_ =	shalt  }
.Lfunc_end0:
.L_simem_size_0:
called_computation.1_lowered:
.L_overlay_start_0:
0x88: {  	s2 =	sld [smem:$0x3FD9]  }
0x89: {  	s3 =	sld [smem:$0x3FFE];
	_ =	sdelay $0x1  }
0x8a: {  	s1 =	srdreg.scid  }
0x8b: {  	s0 =	sand.u32 $0x1, s1  }
0x8c: {  	s14 =	sshll.u32 s0, $0xA;
	s2 =	sadd.s32 s3, s2  }
0x8d: {  	s2 =	sadd.s32 s2, s14  }
0x8e: {  	[smem:$0x3FBE] =	sst s2  }
0x8f: {  	_ = 	snop  }
0x90: {  	s2 =	sld [smem:$0x3FD0];
	_ =	sdelay $0x2  }
0x91: {  	s15 =	simm.s32 $0xB;
	s4 =	simm.s32 $0x10  }
0x92: {  	[smem:s4], [sflag:s15] =	dma.local [hbm:s2], $0x1  }
0x93: {  	_ =	swait.eq [sflag:s15], $0x1  }
0x94: {  	[sflag:s15] =	ssyncset.done $0x0  }
0x95: {  	[sflag:s15] =	ssyncadd.s32 $0xFFFFFFFF  }
0x96: {  	s16 =	sld [smem:$0x11];
	(tm) =	ssettm $0x1  }
0x97: {  	s17 =	sld [smem:$0x3FFB];
	_ =	sdelay $0x3  }
0x98: {  	_ =	strace s17  }
0x99: {  	s3 =	sld [smem:$0x3FFC];
	_ =	sdelay $0x3  }
0x9a: {  	_ =	strace s3  }
0x9b: {  	s3 =	sld [smem:$0x3FFD];
	_ =	sdelay $0x3  }
0x9c: {  	_ =	strace s3  }
0x9d: {  	_ =	strace $0x8FFFFFFF  }
0x9e: {  	s18 =	sld [smem:$0x3FDB];
	_ =	sdelay $0x1  }
0x9f: {  	s19 =	simm.s32 $_scs_section_size  }
0xa0: {  	s5 =	simm.s32 $_size__tile_overlayer_lowered;
	s6 =	simm.s32 $_tile_overlayer_lowered  }
0xa1: {  	s22 =	simm.s32 $0x1BFF;
	s21 =	sshll.u32 s6, $0x1;
	s3 =	sadd.s32 s19, s18  }
0xa2: {  	s7 =	simm.s32 $0x0;
	s20 =	sshll.u32 s5, $0x1;
	s5 =	sadd.s32 s21, s3  }
0xa3: {  	[timem:s7], [sflag:s22] =	dma.local [hbm:s5], s20  }
0xa4: {  	_ =	swait.ge [sflag:s22], s20  }
0xa5: {  	s4 =	ssub.s32 $0x0, s20;
	[sflag:s22] =	ssyncset.done $0x0  }
0xa6: {  	[sflag:s22] =	ssyncadd.s32 s4;
	_ =	sdelay $0x1  }
0xa7: {  	s23 =	simm.s32 $0x1B8B  }
0xa8: {  	_ =	swait.ge [sflag:s23], $0x1  }
0xa9: {  	[sflag:s23] =	ssyncset.done $0x0  }
0xaa: {  	s25 =	simm.s32 $0x1B8E;
	s24 =	sld [smem:$0x3FFE];
	[sflag:s23] =	ssyncadd.s32 $0xFFFFFFFF  }
0xab: {  	s26 =	simm.s32 $execute0_lowered;
	[smem:$0x3FD2] =	sst s25  }
0xac: {  	s5 =	sshll.u32 s26, $0x1;
	_ =	strace $0x8000004F;
	[dreg:$0x1] =	wrdreg $0xFFFFFFFF  }
0xad: {  	s28 =	simm.s32 $_size_execute0_lowered;
	s3 =	sadd.s32 s3, s5;
	[dreg:$0x0] =	wrdreg $0x0  }
0xae: {  	s5 =	sshll.u32 s28, $0x1;
	[dreg:$0x2] =	wrdreg s3  }
0xaf: {  	[dreg:$0x3] =	wrdreg s5  }
0xb0: {  	[dreg:$0x4] =	wrdreg $0xC0  }
0xb1: {  	_ =	task [dreg:s7], $0x5FFFF  }
0xb2: {  	[dreg:$0x1] =	wrdreg $0xFFFFFFFF  }
0xb3: {  	[dreg:$0x0] =	wrdreg $0x60  }
0xb4: {  	[dreg:$0x2] =	wrdreg s24  }
0xb5: {  	[dreg:$0x3] =	wrdreg s16  }
0xb6: {  	[dreg:$0x4] =	wrdreg $0x9  }
0xb7: {  	_ =	task.clear_ibuf [dreg:s7], $0x5FFFF;
	_ =	strace $0x9000004F  }
0xb8: {  	s29 =	simm.s32 $0x9;
	_ =	strace $0x80000051  }
0xb9: {  	_ =	swait.ge [sflag:s29], $0x1  }
0xba: {  	[sflag:s29] =	ssyncadd.s32 $0xFFFFFFFF  }
0xbb: {  	_ =	strace $0x90000051  }
0xbc: {  	_ =	sfence  }
0xbd: {  	s30 =	sld [smem:$0x0];
	_ =	sdelay $0x2  }
0xbe: {  	s31 =	sshll.u32 s1, $0xD;
	s1 =	sshrl.u32 s1, $0x2  }
0xbf: {  	s3 =	sand.u32 $0x4000, s31;
	s1 =	sadd.s32 s1, s30  }
0xc0: {  	s0 =	sor.u32 s3, s0;
	s1 =	sshll.u32 s1, $0x11  }
0xc1: {  	s0 =	sor.u32 s1, s0  }
0xc2: {  	s0 =	sadd.s32 $0x8F2B, s0  }
0xc3: {  	[sflag:s0] =	ssyncadd.remote.s32 $0x1  }
0xc4: {  	_ =	sfence.sel $0xFFFF  }
0xc5: {  	[dreg:$0x0] =	wrdreg $0xFFFFFFFF;
	(pc) =	sbr.abs _section_cstart, $3  }
0xc6: {  	[dreg:$0x1] =	wrdreg $0xFFFFFFFF  }
0xc7: {  	_ =	task.clear_ibuf [dreg:s7], $0x2FFFF;
	_ =	strace $0x9FFFFFFF  }
0xc8: {  	(tm) =	ssettm $0x7FFFFFFF  }
0xc9: {  	_ =	shalt  }
tec
execute0_lowered:
.L_overlay_start_1:
0x0: {  	(tag) =	ssettag $0x1  }
0x1: {  	s0 =	srdreg.scid  }
0x2: {  	s1 =	sshll.u32 s0, $0x4  }
0x3: {  	s0 =	stileid.u32;
	s1 =	sand.u32 $0x10, s1  }
0x4: {  	s2 =	sor.u32 s0, s1  }
0x5: {  	s1 =	smin.u32 s2, $0x12  }
0x6: {  	s1 =	sadd.s32 s2, s1  }
0x7: {  	p0 =	slt.u32 s2, $0x12;
	s2 =	simm.s32 $0xA0;
	s1 =	smul.u32 $0x50, s1  }
0x8: {  	s2 =	simm.s32 @!p0 $0x50  }
0x9: {  	s2 =	sadd.s32 s2, s1  }
0xa: {  	s3 =	smin.u32 s2, $0xFA0  }
0xb: {  	s7 =	ssub.s32 s3, s1  }
0xc: {  	p0 =	sgt.s32 s7, $0x0  }
0xd: {  	s7 =	simm.s32 @!p0 $0x0  }
0xe: {  	s9 =	rddreg [dreg:$0x0];
	s31 =	smul.u32 $0xCCCD, s7  }
0xf: {  	s4 =	rddreg [dreg:$0x1];
	s6 =	simm.s32 $0x1  }
0x10: {  	s11 =	simm.s32 $0x3;
	s13 =	simm.s32 $0x0;
	s8 =	sshrl.u32 s31, $0x16  }
0x11: {  	s12 =	simm.s32 $0x0;
	s5 =	sadd.s32 $0xDC800, s9;
	s10 =	smul.u32 $0x50, s8  }
.Ltmp0:
0x12: {  	s9 =	sadd.s32 $0x2C000, s9;
	s2 =	rddreg [dreg:$0x2];
	(pc) =	sbr.rel .LBB2_1-.Ltmp0, $4  }
0x13: {  	_ =	strace $0x80000050;
	p0 =	sne.s32 s7, s10;
	s10 =	simm.s32 $0x1  }
0x14: {  	[sflag:s6] =	ssyncpa.u1 $0x0;
	s7 =	simm.s32 $0x2;
	s10 =	simm.s32 @!p0 $0x0  }
0x15: {  	[sflag:s7] =	ssyncpa.u1 $0x0;
	p0 =	por $0x0, $0x0;
	s8 =	sadd.s32 s8, s10  }
0x16: {  	vm0 =	vmmov $0xff;
	vm1 =	vcmask $0x3F20;
	[sflag:s11] =	ssyncpa.u1 $0x0;
	s11 =	smov.u32 s1;
	s10 =	sadd.s32 $0x1, s8  }
.LBB2_6:
0x17: {  	[hbm:s17] =	stream.linear.scatter [tilespmem:s14], [sflag:$0x3], $0x400, $0x38;
	[tilespmem:$0x50A0] =	vst v63  }
.LBB2_7:
0x18: {  	s13 =	sadd.s32 $0x50, s11  }
0x19: {  	s15 =	smov.u32 s1;
	p2 =	slt.s32 s13, s3  }
0x1a: {  	s15 =	smov.u32 @p2 s13;
	p2 =	sne.s32 s12, s10  }
.Ltmp1:
0x1b: {  	p1 =	slt.u32 s12, $0x2;
	(pc) =	sbr.rel @!p2 .LBB2_8-.Ltmp1, $4  }
0x1c: {  	s14 =	simm.s32 @!p1 $0x3  }
0x1d: {  	s16 =	sadd.s32 $0x1, s12;
	_ =	swait.ge @!p1 [sflag:s14], $0x2800  }
0x1e: {  	p0 =	por !p0, !p0;
	s13 =	smov.u32 s11;
	[sflag:s14] =	ssyncset.done @!p1 $0x0  }
0x1f: {  	s12 =	smov.u32 s16;
	s11 =	smov.u32 s15;
	[sflag:s14] =	ssyncadd.s32 @!p1 $0xFFFFD800  }
.LBB2_1:
0x20: {  	p1 =	sge.u32 s12, s8  }
0x21: {  	s14 =	sxor.u32 @!p1 $0xFFFFFFFF, s12  }
0x22: {  	s14 =	sand.u32 @!p1 $0x1, s14  }
0x23: {  	s14 =	smul.u32 @!p1 $0x140, s14  }
0x24: {  	s31 =	sadd.s32 $0xFFFFFFFF, s12;
	s15 =	sshrl.u32 @!p1 s11, $0x3  }
0x25: {  	s16 =	sand.u32 @!p1 $0x7, s11;
	s15 =	sadd.s32 @!p1 s4, s15;
	s14 =	sshrl.u32 @!p1 s14, $0x2  }
0x26: {  	[tilespmem:s14], [sflag:$0x2] =	stream.linear.gather @!p1 [hbm4b:s15+s16], $0x50, $0x38;
	[tilespmem:$0x50A0] =	vst v63  }
0x27: {  	p1 =	sge.u32 s31, s8  }
.Ltmp2:
0x28: {  	_ = 	snop;
	(pc) =	sbr.rel @p1 .LBB2_7-.Ltmp2, $1  }
0x29: {  	_ =	sdelay $0x3  }
0x2a: {  	s14 =	simm.s32 $0x1  }
0x2b: {  	s14 =	simm.s32 @!p0 $0x0  }
0x2c: {  	s15 =	smul.u32 $0x140, s14  }
0x2d: {  	_ =	swait.ge [sflag:s7], $0x50  }
0x2e: {  	[sflag:s7] =	ssyncset.done $0x0;
	s16 =	sshrl.u32 s15, $0x2  }
0x2f: {  	[sflag:s7] =	ssyncadd.s32 $0xFFFFFFB0;
	s15 =	sadd.s32 $0x0, s16  }
0x30: {  	v0 =	vld.msk [tilespmem:s15+$0x0 ss:$0x1], $0xffff;
	_ =	sdelay $0x4  }
0x31: {  	v1 =	vand.u32 $0x3, v0;
	v2 =	vshll.u32 v0, $0x5  }
0x32: {  	vm2 =	veq.s32 v0, $0x80000000;
	v0 =	vmul.u32 $0x60000, v1;
	v1 =	vand.u32 $0x7FF80, v2  }
0x33: {  	v1 =	vsel vm2, $0xFFFFFF80, v1  }
0x34: {  	v0 =	vsel vm2, $0xFFFA0000, v0;
	v2 =	vand.u32 $0xFFFFFC00, v1  }
0x35: {  	v1 =	vand.u32 $0x380, v1;
	v0 =	vadd.s32 v0, v2  }
0x36: {  	v0 =	vor.u32 v1, v0  }
0x37: {  	v0 =	vshrl.u32 v0, $0x3  }
0x38: {  	s14 =	smul.u32 $0xA000, s14;
	_ =	sdelay $0x1  }
0x39: {  	s14 =	sshrl.u32 s14, $0x2  }
0x3a: {  	s14 =	sor.u32 $0xA0, s14  }
0x3b: {  	[tilespmem:s14], [sflag:$0x1] =	stream.indirect_vreg.gather [hbm:s5], $0x80, v0, vm0, $0x38;
	[tilespmem:$0x50A0] =	vst v63  }
0x3c: {  	s17 =	sadd.s32 $0x10, s16;
	s15 =	sadd.s32 $0x400, s14  }
0x3d: {  	[tilespmem:s15], [sflag:$0x1] =	stream.indirect_vreg.gather [hbm:s5], $0x80, v0, vm1, $0x38;
	[tilespmem:$0x50A0] =	vst v63  }
0x3e: {  	s18 =	simm.s32 $0x80;
	v0 =	vld.msk [tilespmem:s17+$0x0 ss:$0x1], $0xffff;
	s17 =	smov.u32 s14  }
.LBB2_3:
0x3f: {  	p1 =	sne.s32 s18, $0x100;
	_ =	sdelay $0x4  }
0x40: {  	v1 =	vand.u32 $0x3, v0;
	v2 =	vshll.u32 v0, $0x5  }
0x41: {  	vm2 =	veq.s32 v0, $0x80000000;
	v0 =	vmul.u32 $0x60000, v1;
	v1 =	vand.u32 $0x7FF80, v2  }
0x42: {  	v1 =	vsel vm2, $0xFFFFFF80, v1  }
0x43: {  	v0 =	vsel vm2, $0xFFFA0000, v0;
	v2 =	vand.u32 $0xFFFFFC00, v1  }
0x44: {  	v1 =	vand.u32 $0x380, v1;
	v0 =	vadd.s32 v0, v2  }
0x45: {  	v0 =	vor.u32 v1, v0  }
0x46: {  	v0 =	vshrl.u32 v0, $0x3;
	_ =	sdelay $0x3  }
.Ltmp3:
0x47: {  	s19 =	sshra.s32 s18, $0x2;
	s17 =	sadd.s32 $0x800, s17;
	(pc) =	sbr.rel @p1 .LBB2_3-.Ltmp3, $4  }
0x48: {  	[tilespmem:s17], [sflag:$0x1] =	stream.indirect_vreg.gather [hbm:s5], $0x80, v0, vm0, $0x38;
	[tilespmem:$0x50A0] =	vst v63  }
0x49: {  	s19 =	sadd.s32 s19, s16;
	s20 =	sadd.s32 $0x400, s17  }
0x4a: {  	[tilespmem:s20], [sflag:$0x1] =	stream.indirect_vreg.gather [hbm:s5], $0x80, v0, vm1, $0x38;
	[tilespmem:$0x50A0] =	vst v63  }
0x4b: {  	s18 =	sadd.s32 $0x40, s18;
	v0 =	vld.msk [tilespmem:s19+$0x0 ss:$0x1], $0xffff  }
0x4c: {  	_ =	sdelay $0x3  }
0x4d: {  	v1 =	vand.u32 $0x3, v0;
	v2 =	vshll.u32 v0, $0x5  }
0x4e: {  	vm2 =	veq.s32 v0, $0x80000000;
	v61 =	vmul.u32 $0x60000, v1;
	v62 =	vand.u32 $0x7FF80, v2  }
0x4f: {  	v1 =	vsel vm2, $0xFFFFFF80, v62  }
0x50: {  	v0 =	vsel vm2, $0xFFFA0000, v61;
	v63 =	vand.u32 $0xFFFFFC00, v1  }
0x51: {  	v1 =	vand.u32 $0x380, v1;
	v0 =	vadd.s32 v0, v63  }
0x52: {  	v0 =	vor.u32 v1, v0  }
0x53: {  	v0 =	vshrl.u32 v0, $0x3;
	_ =	sdelay $0x3  }
0x54: {  	s16 =	sadd.s32 $0x800, s17  }
0x55: {  	[tilespmem:s16], [sflag:$0x1] =	stream.indirect_vreg.gather [hbm:s5], $0x80, v0, vm0, $0x38;
	[tilespmem:$0x50A0] =	vst v63  }
0x56: {  	s16 =	sadd.s32 $0x400, s16  }
0x57: {  	[tilespmem:s16], [sflag:$0x1] =	stream.indirect_vreg.gather [hbm:s5], $0x80, v0, vm1, $0x38;
	[tilespmem:$0x50A0] =	vst v63  }
0x58: {  	s13 =	sshll.u32 s13, $0x4;
	_ =	swait.ge [sflag:s6], $0x2800  }
0x59: {  	s13 =	sadd.s32 s13, s9;
	[sflag:s6] =	ssyncset.done $0x0  }
0x5a: {  	s17 =	sadd.s32 $0x0, s13;
	s16 =	simm.s32 $0x80;
	[sflag:s6] =	ssyncadd.s32 $0xFFFFD800  }
.LBB2_5:
0x5b: {  	[hbm:s17] =	stream.linear.scatter [tilespmem:s14], [sflag:$0x3], $0x400, $0x38;
	[tilespmem:$0x50A0] =	vst v63  }
0x5c: {  	s17 =	smov.u32 s16;
	s14 =	smov.u32 s15;
	p1 =	sne.s32 s16, $0x480  }
.Ltmp4:
0x5d: {  	s16 =	sadd.s32 $0x80, s16;
	(pc) =	sbr.rel @p1 .LBB2_5-.Ltmp4, $2  }
0x5e: {  	_ =	sdelay $0x2  }
0x5f: {  	s15 =	sadd.s32 $0x400, s15;
	s17 =	sadd.s32 s17, s13  }
.Ltmp5:
0x60: {  	_ = 	snop;
	(pc) =	sbr.rel .LBB2_6-.Ltmp5, $1  }
0x61: {  	_ =	sdelay $0x3  }
.LBB2_8:
0x62: {  	_ =	sfence.sel $0x180000  }
0x63: {  	s1 =	simm.s32 $0x2;
	[bflag:$0x0] =	sbarrier.arrive $0xFFFF  }
0x64: {  	s30 =	simm.s32 $0x3;
	[sflag:s1] =	ssyncpa.u1 $0x1  }
0x65: {  	s31 =	simm.s32 $0x1;
	[sflag:s30] =	ssyncpa.u1 $0x1  }
0x66: {  	[sflag:s31] =	ssyncpa.u1 $0x1  }
0x67: {  	p0 =	sne.s32 s0, $0x0;
	_ =	strace $0x90000050  }
0x68: {  	s0 =	sadd.s32 @!p0 $0x100000, s2;
	[bflag:$0x2] =	sbarrier.arrive $0xFFFF  }
0x69: {  	[sflag:s0] =	ssyncadd.tile.s32 @!p0 $0x1;
	_ =	shalt  }
.Lfunc_end2:
_tile_overlayer_lowered:
.L_overlay_start_2:
0x6a: {  	(tag) =	ssettag $0x2  }
0x6b: {  	s0 =	rddreg [dreg:$0x0];
	s2 =	stileid.u32  }
0x6c: {  	s1 =	rddreg [dreg:$0x1];
	p0 =	sne.s32 s2, $0x0  }
0x6d: {  	s3 =	rddreg [dreg:$0x2];
	[bflag:$0x3] =	sbarrier.arrive $0xFFFF;
	s2 =	simm.s32 @!p0 $0x1C01  }
0x6e: {  	[timem:s3], [sflag:s2] =	dma.local @!p0 [hbm:s0], s1  }
0x6f: {  	s0 =	simm.s32 @!p0 $0x1  }
0x70: {  	_ =	swait.ge @!p0 [sflag:s0], s1  }
0x71: {  	s1 =	ssub.s32 @!p0 $0x0, s1;
	[sflag:s0] =	ssyncset.done @!p0 $0x0  }
0x72: {  	[sflag:s0] =	ssyncadd.s32 @!p0 s1  }
0x73: {  	[bflag:$0x3] =	sbarrier.arrive $0xFFFF  }
0x74: {  	_ =	shalt  }

// kernel: gather_offload_async_start.2
scs
__scs_entry_jumppad:
0x0: {  	(pc) =	sbr.rel $0x88, $3  }
0x1: {  	(tag) =	ssettag $0x0;
	lr =	simm.s32 $0x1  }
0x2: {  	[smem:$0x3F97] =	sst lr;
	_ =	strace $0xD0000000  }
0x3: {  	_ = 	snop  }
0x4: {  	_ = 	snop  }
0x5: {  	_ = 	snop  }
0x6: {  	_ = 	snop  }
0x7: {  	_ = 	snop  }
__scs_overlays_trampoline_lowered:
0x8: {  	[smem:$0x3FA6] =	sst s0  }
0x9: {  	[smem:$0x3FA7] =	sst s1  }
0xa: {  	[smem:$0x3FA8] =	sst s2  }
0xb: {  	[smem:$0x3FA9] =	sst s3  }
0xc: {  	[smem:$0x3FAA] =	sst s4  }
0xd: {  	[smem:$0x3FAB] =	sst s5  }
0xe: {  	[smem:$0x3FAC] =	sst s6  }
0xf: {  	[smem:$0x3FAD] =	sst s7  }
0x10: {  	[smem:$0x3FAE] =	sst s8  }
0x11: {  	[smem:$0x3FAF] =	sst s9;
	s0 =	simm.s32 @!p0 $0x0  }
0x12: {  	s1 =	sld [smem:$0x3F95];
	s0 =	simm.s32 @p0 $0x1  }
0x13: {  	[smem:$0x3FB0] =	sst s0;
	s0 =	simm.s32 @!p1 $0x0  }
0x14: {  	s2 =	sld [smem:$0x3F94];
	s0 =	simm.s32 @p1 $0x1  }
0x15: {  	[smem:$0x3FB1] =	sst s0;
	s0 =	simm.s32 @!p2 $0x0  }
0x16: {  	s3 =	sld [smem:$0x3FDB];
	s0 =	simm.s32 @p2 $0x1  }
0x17: {  	s4 =	simm.s32 $0x1BF5;
	[smem:$0x3FB3] =	sst s0  }
0x18: {  	s0 =	sld [smem:$0x3F96];
	_ =	swait.ge [sflag:s4], $0x0  }
0x19: {  	s7 =	sld [smem:$0x3F97]  }
0x1a: {  	s8 =	sadd.s32 $0xFFFFE003, lr  }
0x1b: {  	s9 =	sadd.s32 $0xFFFFFEF7, lr;
	s5 =	simm.s32 $0xFFFFFFFF;
	p2 =	slt.u32 s8, $0xFFFFF086  }
0x1c: {  	p1 =	slt.u32 s9, $0xF7A;
	s5 =	simm.s32 @!p2 $0x0  }
0x1d: {  	s5 =	simm.s32 @p1 $0x1;
	p0 =	seq.s32 s7, s2  }
0x1e: {  	s7 =	smul.u32 @!p0 $0xF7A, s2;
	p2 =	seq.s32 @!p0 s5, $0x0  }
0x1f: {  	s9 =	smul.u32 $0xF7A, s1;
	s8 =	simm.s32 @!p0 $0x1BF5;
	p2 =	por !p2, p0  }
0x20: {  	[sflag:s8] =	ssyncset.s32 @!p0 $0xFFFFF086;
	s6 =	sadd.s32 @!p0 s3, s7;
	s7 =	simm.s32 @!p0 $0x108  }
0x21: {  	s3 =	sadd.s32 s3, s9;
	s6 =	sadd.s32 @!p0 $0x88, s6;
	s7 =	simm.s32 @p2 $0x1082  }
0x22: {  	[simem:s7], [sflag:s8] =	dma.local @!p0 [hbm:s6], $0xF7A  }
0x23: {  	s9 =	sor.u32 $0xD0000000, s2;
	s6 =	simm.s32 $0x108;
	_ =	swait.ge @!p0 [sflag:s8], $0x0  }
0x24: {  	s3 =	sadd.s32 $0x88, s3;
	s6 =	simm.s32 @!p1 $0x1082;
	[sflag:s4] =	ssyncset.s32 $0xFFFFF086  }
0x25: {  	[simem:s6], [sflag:s4] =	dma.local [hbm:s3], $0xF7A  }
0x26: {  	[smem:$0x3F97] =	sst s1;
	(tag) =	ssettag s2;
	_ =	strace s9  }
0x27: {  	s1 =	sld [smem:$0x3FA7]  }
0x28: {  	s2 =	sld [smem:$0x3FA8]  }
0x29: {  	s4 =	sld [smem:$0x3FAA]  }
0x2a: {  	p0 =	seq.s32 s5, $0x0;
	s5 =	sld [smem:$0x3FAB]  }
0x2b: {  	s6 =	sld [smem:$0x3FAC]  }
0x2c: {  	s7 =	sld [smem:$0x3FAD]  }
0x2d: {  	s3 =	simm.s32 $0x108;
	s8 =	sld [smem:$0x3FAE]  }
0x2e: {  	s3 =	simm.s32 @!p0 $0x1082;
	s9 =	sld [smem:$0x3FAF]  }
0x2f: {  	lr =	sadd.s32 s0, s3;
	s0 =	sld [smem:$0x3FA6]  }
0x30: {  	s3 =	sld [smem:$0x3FA9]  }
0x31: {  	[smem:$0x3FB2] =	sst s10  }
0x32: {  	s10 =	sld [smem:$0x3FB0];
	_ =	sdelay $0x3  }
0x33: {  	p0 =	seq.s32 s10, $0x1;
	s10 =	sld [smem:$0x3FB2];
	_ =	sdelay $0x3  }
0x34: {  	[smem:$0x3FB2] =	sst s10  }
0x35: {  	s10 =	sld [smem:$0x3FB1];
	_ =	sdelay $0x3  }
0x36: {  	p1 =	seq.s32 s10, $0x1;
	s10 =	sld [smem:$0x3FB2];
	_ =	sdelay $0x3  }
0x37: {  	[smem:$0x3FB2] =	sst s10  }
0x38: {  	s10 =	sld [smem:$0x3FB3]  }
0x39: {  	_ = 	snop;
	(pc) =	sbr.ind lr, $3  }
0x3a: {  	_ = 	snop  }
0x3b: {  	_ = 	snop  }
0x3c: {  	p2 =	seq.s32 s10, $0x1;
	s10 =	sld [smem:$0x3FB2]  }
0x3d: {  	_ =	shalt  }
0x3e: {  	_ =	shalt  }
0x3f: {  	_ =	shalt  }
0x40: {  	_ =	shalt  }
0x41: {  	_ =	shalt  }
0x42: {  	_ =	shalt  }
0x43: {  	_ =	shalt  }
0x44: {  	_ =	shalt  }
0x45: {  	_ =	shalt  }
0x46: {  	_ =	shalt  }
0x47: {  	_ =	shalt  }
0x48: {  	_ =	shalt  }
0x49: {  	_ =	shalt  }
0x4a: {  	_ =	shalt  }
0x4b: {  	_ =	shalt  }
0x4c: {  	_ =	shalt  }
0x4d: {  	_ =	shalt  }
0x4e: {  	_ =	shalt  }
0x4f: {  	_ =	shalt  }
0x50: {  	_ =	shalt  }
0x51: {  	_ =	shalt  }
0x52: {  	_ =	shalt  }
0x53: {  	_ =	shalt  }
0x54: {  	_ =	shalt  }
0x55: {  	_ =	shalt  }
0x56: {  	_ =	shalt  }
0x57: {  	_ =	shalt  }
0x58: {  	_ =	shalt  }
0x59: {  	_ =	shalt  }
0x5a: {  	_ =	shalt  }
0x5b: {  	_ =	shalt  }
0x5c: {  	_ =	shalt  }
0x5d: {  	_ =	shalt  }
0x5e: {  	_ =	shalt  }
0x5f: {  	_ =	shalt  }
0x60: {  	_ =	shalt  }
0x61: {  	_ =	shalt  }
0x62: {  	_ =	shalt  }
0x63: {  	_ =	shalt  }
0x64: {  	_ =	shalt  }
0x65: {  	_ =	shalt  }
0x66: {  	_ =	shalt  }
0x67: {  	_ =	shalt  }
0x68: {  	_ =	shalt  }
0x69: {  	_ =	shalt  }
0x6a: {  	_ =	shalt  }
0x6b: {  	_ =	shalt  }
0x6c: {  	_ =	shalt  }
0x6d: {  	_ =	shalt  }
0x6e: {  	_ =	shalt  }
0x6f: {  	_ =	shalt  }
0x70: {  	_ =	shalt  }
0x71: {  	_ =	shalt  }
0x72: {  	_ =	shalt  }
0x73: {  	_ =	shalt  }
0x74: {  	_ =	shalt  }
0x75: {  	_ =	shalt  }
0x76: {  	_ =	shalt  }
0x77: {  	_ =	shalt  }
0x78: {  	_ =	shalt  }
0x79: {  	_ =	shalt  }
0x7a: {  	_ =	shalt  }
0x7b: {  	_ =	shalt  }
0x7c: {  	_ =	shalt  }
0x7d: {  	_ =	shalt  }
0x7e: {  	_ =	shalt  }
0x7f: {  	_ =	shalt  }
0x80: {  	_ =	shalt  }
0x81: {  	_ =	shalt  }
0x82: {  	_ =	shalt  }
0x83: {  	_ =	shalt  }
0x84: {  	_ =	shalt  }
0x85: {  	_ =	shalt  }
0x86: {  	_ =	shalt  }
0x87: {  	_ =	shalt  }
.Lfunc_end0:
.L_simem_size_0:
called_computation.2_lowered:
.L_overlay_start_0:
0x88: {  	s2 =	sld [smem:$0x3FD9]  }
0x89: {  	s3 =	sld [smem:$0x3FFE];
	_ =	sdelay $0x1  }
0x8a: {  	s1 =	srdreg.scid  }
0x8b: {  	s0 =	sand.u32 $0x1, s1  }
0x8c: {  	s16 =	sshll.u32 s0, $0xA;
	s2 =	sadd.s32 s3, s2  }
0x8d: {  	s2 =	sadd.s32 s2, s16  }
0x8e: {  	[smem:$0x3FBE] =	sst s2  }
0x8f: {  	_ = 	snop  }
0x90: {  	(tm) =	ssettm $0x1  }
0x91: {  	s17 =	sld [smem:$0x3FFB];
	_ =	sdelay $0x3  }
0x92: {  	_ =	strace s17  }
0x93: {  	s2 =	sld [smem:$0x3FFC];
	_ =	sdelay $0x3  }
0x94: {  	_ =	strace s2  }
0x95: {  	s2 =	sld [smem:$0x3FFD];
	_ =	sdelay $0x3  }
0x96: {  	_ =	strace s2  }
0x97: {  	_ =	strace $0x8FFFFFFF  }
0x98: {  	s18 =	sld [smem:$0x3FDB];
	_ =	sdelay $0x1  }
0x99: {  	s19 =	simm.s32 $_scs_section_size  }
0x9a: {  	s4 =	simm.s32 $_size__tile_overlayer_lowered;
	s5 =	simm.s32 $_tile_overlayer_lowered  }
0x9b: {  	s22 =	simm.s32 $0x1BFF;
	s21 =	sshll.u32 s5, $0x1;
	s2 =	sadd.s32 s19, s18  }
0x9c: {  	s6 =	simm.s32 $0x0;
	s20 =	sshll.u32 s4, $0x1;
	s4 =	sadd.s32 s21, s2  }
0x9d: {  	[timem:s6], [sflag:s22] =	dma.local [hbm:s4], s20  }
0x9e: {  	_ =	swait.ge [sflag:s22], s20  }
0x9f: {  	s3 =	ssub.s32 $0x0, s20;
	[sflag:s22] =	ssyncset.done $0x0  }
0xa0: {  	[sflag:s22] =	ssyncadd.s32 s3;
	_ =	sdelay $0x1  }
0xa1: {  	s23 =	simm.s32 $0x1B8B  }
0xa2: {  	_ =	swait.ge [sflag:s23], $0x1  }
0xa3: {  	[sflag:s23] =	ssyncset.done $0x0  }
0xa4: {  	s25 =	simm.s32 $0x1B8E;
	s24 =	sld [smem:$0x3FFE];
	[sflag:s23] =	ssyncadd.s32 $0xFFFFFFFF  }
0xa5: {  	s26 =	simm.s32 $execute0_lowered;
	[smem:$0x3FD2] =	sst s25  }
0xa6: {  	s4 =	sshll.u32 s26, $0x1;
	_ =	strace $0x80000049;
	[dreg:$0x1] =	wrdreg $0xFFFFFFFF  }
0xa7: {  	s28 =	simm.s32 $_size_execute0_lowered;
	s2 =	sadd.s32 s2, s4;
	[dreg:$0x0] =	wrdreg $0x0  }
0xa8: {  	s4 =	sshll.u32 s28, $0x1;
	[dreg:$0x2] =	wrdreg s2  }
0xa9: {  	[dreg:$0x3] =	wrdreg s4  }
0xaa: {  	[dreg:$0x4] =	wrdreg $0xC0  }
0xab: {  	_ =	task [dreg:s6], $0x5FFFF  }
0xac: {  	[dreg:$0x1] =	wrdreg $0xFFFFFFFF  }
0xad: {  	[dreg:$0x0] =	wrdreg $0x60  }
0xae: {  	[dreg:$0x2] =	wrdreg s24  }
0xaf: {  	[dreg:$0x3] =	wrdreg $0x9  }
0xb0: {  	_ =	task.clear_ibuf [dreg:s6], $0x4FFFF;
	_ =	strace $0x90000049  }
0xb1: {  	s29 =	simm.s32 $0x9;
	_ =	strace $0x8000004B  }
0xb2: {  	_ =	swait.ge [sflag:s29], $0x1  }
0xb3: {  	[sflag:s29] =	ssyncadd.s32 $0xFFFFFFFF  }
0xb4: {  	_ =	strace $0x9000004B  }
0xb5: {  	_ =	sfence  }
0xb6: {  	s30 =	sld [smem:$0x0];
	_ =	sdelay $0x2  }
0xb7: {  	s31 =	sshll.u32 s1, $0xD;
	s1 =	sshrl.u32 s1, $0x2  }
0xb8: {  	s3 =	sand.u32 $0x4000, s31;
	s1 =	sadd.s32 s1, s30  }
0xb9: {  	s0 =	sor.u32 s3, s0;
	s1 =	sshll.u32 s1, $0x11  }
0xba: {  	s0 =	sor.u32 s1, s0  }
0xbb: {  	s0 =	sadd.s32 $0x8F2B, s0  }
0xbc: {  	[sflag:s0] =	ssyncadd.remote.s32 $0x1  }
0xbd: {  	_ =	sfence.sel $0xFFFF  }
0xbe: {  	[dreg:$0x0] =	wrdreg $0xFFFFFFFF;
	(pc) =	sbr.abs _section_cstart, $3  }
0xbf: {  	[dreg:$0x1] =	wrdreg $0xFFFFFFFF  }
0xc0: {  	_ =	task.clear_ibuf [dreg:s6], $0x2FFFF;
	_ =	strace $0x9FFFFFFF  }
0xc1: {  	(tm) =	ssettm $0x7FFFFFFF  }
tec
execute0_lowered:
.L_overlay_start_1:
0x0: {  	(tag) =	ssettag $0x1  }
0x1: {  	s0 =	srdreg.scid;
	s5 =	rddreg [dreg:$0x0]  }
0x2: {  	s1 =	stileid.u32;
	s6 =	simm.s32 $0x1;
	s9 =	simm.s32 $0x1  }
0x3: {  	s10 =	simm.s32 $0x3;
	s13 =	simm.s32 $0x0;
	s2 =	sshll.u32 s0, $0x6  }
0x4: {  	s12 =	simm.s32 $0x0;
	s3 =	sshll.u32 s1, $0x7;
	s2 =	sand.u32 $0x40, s2  }
0x5: {  	s0 =	rddreg [dreg:$0x1];
	_ =	strace $0x8000004A;
	s2 =	sor.u32 s3, s2  }
0x6: {  	s4 =	sadd.s32 $0xE200, s5;
	[sflag:s6] =	ssyncpa.u1 $0x0;
	s8 =	ssub.s32 $0xC00, s2  }
.Ltmp0:
0x7: {  	s3 =	sadd.s32 $0xDE00, s5;
	s7 =	sand.u32 $0x7C0, s8;
	(pc) =	sbr.rel .LBB2_1-.Ltmp0, $4  }
0x8: {  	s5 =	sadd.s32 $0xE400, s5;
	s11 =	smov.u32 s2;
	p0 =	sne.s32 s7, $0x0  }
0x9: {  	s8 =	sshrl.u32 s8, $0xB;
	s7 =	simm.s32 $0x2;
	s9 =	simm.s32 @!p0 $0x0  }
0xa: {  	[sflag:s7] =	ssyncpa.u1 $0x0;
	p0 =	por $0x0, $0x0;
	s8 =	sadd.s32 s9, s8  }
0xb: {  	vm0 =	vmmov $0xffff;
	[sflag:s10] =	ssyncpa.u1 $0x0;
	s10 =	simm.s32 $0x0;
	s9 =	sadd.s32 $0x1, s8  }
.LBB2_4:
0xc: {  	v3 =	vand.u32 $0x3, v0;
	v62 =	vshrl.u32 v0, $0x2  }
0xd: {  	v3 =	vsel vm1, $0xFFFFFFFF, v3;
	v0 =	vand.u32 $0x3FF, v62  }
0xe: {  	v0 =	vsel vm1, $0xFFFFFFFF, v0;
	v4 =	vshrl.u32 v3, $0x2  }
0xf: {  	v4 =	vmul.u32 $0xC00, v4;
	v5 =	vshll.u32 v0, $0x2  }
0x10: {  	v3 =	vshll.u32 v3, $0x7;
	v5 =	vand.u32 $0xFFFFFE00, v5  }
0x11: {  	v1 =	vor.u32 v1, v2;
	v3 =	vand.u32 $0x180, v3;
	v63 =	vadd.s32 v4, v5  }
0x12: {  	v0 =	vand.u32 $0x7F, v0;
	v2 =	vor.u32 v3, v63  }
0x13: {  	v0 =	vor.u32 v0, v2;
	_ =	sdelay $0x1  }
0x14: {  	(ifvalue) =	ssetifvalue $0x7FFFFFFF;
	s15 =	sadd.s32 $0x10, s15  }
0x15: {  	[tilespmem:s15], [sflag:$0x1] =	stream.indirect_vreg.gather [hbm4b:s3+s10], $0x1, v1, vm0, $0x4038;
	[tilespmem:$0x100] =	vst v63  }
0x16: {  	(ifvalue) =	ssetifvalue $0x7FFFFFFF;
	s15 =	sadd.s32 $0x10, s15  }
0x17: {  	[tilespmem:s15], [sflag:$0x1] =	stream.indirect_vreg.gather [hbm4b:s3+s10], $0x1, v0, vm0, $0x4038;
	[tilespmem:$0x100] =	vst v63  }
0x18: {  	_ =	swait.ge [sflag:s6], $0x40  }
0x19: {  	s30 =	sshrl.u32 s13, $0x3;
	[sflag:s6] =	ssyncset.done $0x0  }
0x1a: {  	s31 =	sand.u32 $0x7, s13;
	s15 =	sadd.s32 s5, s30;
	[sflag:s6] =	ssyncadd.s32 $0xFFFFFFC0  }
0x1b: {  	[hbm4b:s15+s31] =	stream.linear.scatter [tilespmem:s14], [sflag:$0x3], $0x40, $0x38;
	[tilespmem:$0x100] =	vst v63  }
.LBB2_5:
0x1c: {  	s15 =	sadd.s32 $0x800, s11  }
0x1d: {  	p2 =	sgt.s32 s15, $0xBFF  }
0x1e: {  	s15 =	smov.u32 @p2 s2;
	p2 =	sne.s32 s12, s9  }
.Ltmp1:
0x1f: {  	p1 =	slt.u32 s12, $0x2;
	(pc) =	sbr.rel @!p2 .LBB2_6-.Ltmp1, $4  }
0x20: {  	s14 =	simm.s32 @!p1 $0x3  }
0x21: {  	s16 =	sadd.s32 $0x1, s12;
	_ =	swait.ge @!p1 [sflag:s14], $0x40  }
0x22: {  	s13 =	smov.u32 s11;
	p0 =	por !p0, !p0;
	[sflag:s14] =	ssyncset.done @!p1 $0x0  }
0x23: {  	s12 =	smov.u32 s16;
	s11 =	smov.u32 s15;
	[sflag:s14] =	ssyncadd.s32 @!p1 $0xFFFFFFC0  }
.LBB2_1:
0x24: {  	p1 =	sge.u32 s12, s8  }
0x25: {  	s14 =	sxor.u32 @!p1 $0xFFFFFFFF, s12  }
0x26: {  	s31 =	sadd.s32 $0xFFFFFFFF, s12;
	s15 =	sshrl.u32 @!p1 s11, $0x3;
	s14 =	sshll.u32 @!p1 s14, $0x6  }
0x27: {  	s16 =	sand.u32 @!p1 $0x7, s11;
	s15 =	sadd.s32 @!p1 s4, s15;
	s14 =	sand.u32 @!p1 $0x40, s14  }
0x28: {  	[tilespmem:s14], [sflag:$0x2] =	stream.linear.gather @!p1 [hbm4b:s15+s16], $0x40, $0x38;
	[tilespmem:$0x100] =	vst v63  }
0x29: {  	p1 =	sge.u32 s31, s8  }
.Ltmp2:
0x2a: {  	_ = 	snop;
	(pc) =	sbr.rel @p1 .LBB2_5-.Ltmp2, $1  }
0x2b: {  	_ =	sdelay $0x3  }
0x2c: {  	s14 =	simm.s32 $0x1  }
0x2d: {  	_ =	swait.ge [sflag:s7], $0x40;
	s14 =	simm.s32 @!p0 $0x0  }
0x2e: {  	[sflag:s7] =	ssyncset.done $0x0;
	s14 =	sshll.u32 s14, $0x6  }
0x2f: {  	[sflag:s7] =	ssyncadd.s32 $0xFFFFFFC0;
	(ifvalue) =	ssetifvalue $0x7FFFFFFF;
	v0 =	vld.msk [tilespmem:s14+$0x0 ss:$0x1], $0xffff;
	_ =	sdelay $0x2  }
0x30: {  	s15 =	sadd.s32 $0x10, s14  }
0x31: {  	v3 =	vld.msk [tilespmem:s15+$0x0 ss:$0x1], $0xffff  }
0x32: {  	vm1 =	veq.s32 v0, $0x80000000;
	v1 =	vand.u32 $0x3, v0;
	v0 =	vshrl.u32 v0, $0x2  }
0x33: {  	v1 =	vsel vm1, $0xFFFFFFFF, v1;
	v0 =	vand.u32 $0x3FF, v0  }
0x34: {  	v0 =	vsel vm1, $0xFFFFFFFF, v0;
	v2 =	vshrl.u32 v1, $0x2  }
0x35: {  	v2 =	vmul.u32 $0xC00, v2;
	v4 =	vshll.u32 v0, $0x2  }
0x36: {  	v1 =	vshll.u32 v1, $0x7;
	vm1 =	veq.s32 v3, $0x80000000;
	v4 =	vand.u32 $0xFFFFFE00, v4  }
0x37: {  	v1 =	vand.u32 $0x180, v1;
	v0 =	vand.u32 $0x7F, v0;
	v2 =	vadd.s32 v2, v4  }
0x38: {  	s17 =	sadd.s32 $0x10, s15;
	v1 =	vor.u32 v1, v2;
	v2 =	vand.u32 $0x3, v3;
	v3 =	vshrl.u32 v3, $0x2  }
0x39: {  	v1 =	vor.u32 v0, v1;
	v0 =	vld.msk [tilespmem:s17+$0x0 ss:$0x1], $0xffff;
	v2 =	vsel vm1, $0xFFFFFFFF, v2;
	v3 =	vand.u32 $0x3FF, v3  }
0x3a: {  	v3 =	vsel vm1, $0xFFFFFFFF, v3;
	v63 =	vshrl.u32 v2, $0x2  }
0x3b: {  	s31 =	sshll.u32 s12, $0x6;
	v4 =	vmul.u32 $0xC00, v63;
	v5 =	vshll.u32 v3, $0x2  }
0x3c: {  	s16 =	simm.s32 $0x20;
	s15 =	sor.u32 $0x80, s14;
	s14 =	sand.u32 $0x40, s31;
	v2 =	vshll.u32 v2, $0x7;
	v5 =	vand.u32 $0xFFFFFE00, v5  }
0x3d: {  	s14 =	sor.u32 $0x80, s14;
	(ifvalue) =	ssetifvalue $0x7FFFFFFF;
	s17 =	sadd.s32 $0x10, s17;
	v2 =	vand.u32 $0x180, v2;
	v4 =	vadd.s32 v4, v5  }
0x3e: {  	[tilespmem:s15], [sflag:$0x1] =	stream.indirect_vreg.gather [hbm4b:s3+s10], $0x1, v1, vm0, $0x4038;
	vm1 =	veq.s32 v0, $0x80000000;
	v1 =	vand.u32 $0x7F, v3;
	v2 =	vor.u32 v2, v4;
	[tilespmem:$0x100] =	vst v63  }
.LBB2_3:
0x3f: {  	v3 =	vand.u32 $0x3, v0;
	v4 =	vshrl.u32 v0, $0x2;
	v0 =	vld.msk [tilespmem:s17+$0x0 ss:$0x1], $0xffff;
	v1 =	vor.u32 v1, v2;
	s16 =	sadd.s32 $0x10, s16  }
0x40: {  	v2 =	vsel vm1, $0xFFFFFFFF, v3;
	v3 =	vand.u32 $0x3FF, v4;
	p1 =	slt.u32 s16, $0x30  }
.Ltmp3:
0x41: {  	v3 =	vsel vm1, $0xFFFFFFFF, v3;
	v4 =	vshrl.u32 v2, $0x2;
	(pc) =	sbr.rel @p1 .LBB2_3-.Ltmp3, $4  }
0x42: {  	v4 =	vmul.u32 $0xC00, v4;
	v5 =	vshll.u32 v3, $0x2  }
0x43: {  	s15 =	sadd.s32 $0x10, s15;
	v2 =	vshll.u32 v2, $0x7;
	v5 =	vand.u32 $0xFFFFFE00, v5;
	(ifvalue) =	ssetifvalue $0x7FFFFFFF  }
0x44: {  	v2 =	vand.u32 $0x180, v2;
	v4 =	vadd.s32 v4, v5;
	[tilespmem:s15], [sflag:$0x1] =	stream.indirect_vreg.gather [hbm4b:s3+s10], $0x1, v1, vm0, $0x4038;
	[tilespmem:$0x100] =	vst v63  }
0x45: {  	s17 =	sadd.s32 $0x10, s17;
	vm1 =	veq.s32 v0, $0x80000000;
	v1 =	vand.u32 $0x7F, v3;
	v2 =	vor.u32 v2, v4  }
.Ltmp4:
0x46: {  	_ = 	snop;
	(pc) =	sbr.rel .LBB2_4-.Ltmp4, $1  }
0x47: {  	_ =	sdelay $0x3  }
.LBB2_6:
0x48: {  	_ =	sfence.sel $0x180000  }
0x49: {  	s2 =	simm.s32 $0x2;
	[bflag:$0x0] =	sbarrier.arrive $0xFFFF  }
0x4a: {  	s30 =	simm.s32 $0x3;
	[sflag:s2] =	ssyncpa.u1 $0x1  }
0x4b: {  	s31 =	simm.s32 $0x1;
	[sflag:s30] =	ssyncpa.u1 $0x1  }
0x4c: {  	[sflag:s31] =	ssyncpa.u1 $0x1  }
0x4d: {  	p0 =	sne.s32 s1, $0x0;
	_ =	strace $0x9000004A  }
0x4e: {  	s0 =	sadd.s32 @!p0 $0x100000, s0;
	[bflag:$0x2] =	sbarrier.arrive $0xFFFF  }
0x4f: {  	[sflag:s0] =	ssyncadd.tile.s32 @!p0 $0x1;
	_ =	shalt  }
.Lfunc_end2:
_tile_overlayer_lowered:
.L_overlay_start_2:
0x50: {  	(tag) =	ssettag $0x2  }
0x51: {  	s0 =	rddreg [dreg:$0x0];
	s2 =	stileid.u32  }
0x52: {  	s1 =	rddreg [dreg:$0x1];
	p0 =	sne.s32 s2, $0x0  }
0x53: {  	s3 =	rddreg [dreg:$0x2];
	[bflag:$0x3] =	sbarrier.arrive $0xFFFF;
	s2 =	simm.s32 @!p0 $0x1C01  }
0x54: {  	[timem:s3], [sflag:s2] =	dma.local @!p0 [hbm:s0], s1  }
0x55: {  	s0 =	simm.s32 @!p0 $0x1  }
0x56: {  	_ =	swait.ge @!p0 [sflag:s0], s1  }
0x57: {  	s1 =	ssub.s32 @!p0 $0x0, s1;
	[sflag:s0] =	ssyncset.done @!p0 $0x0  }
0x58: {  	[sflag:s0] =	ssyncadd.s32 @!p0 s1  }
0x59: {  	[bflag:$0x3] =	sbarrier.arrive $0xFFFF  }
0x5a: {  	_ =	shalt  }

// kernel: gather_offload_async_start.3
scs
__scs_entry_jumppad:
0x0: {  	(pc) =	sbr.rel $0x88, $3  }
0x1: {  	(tag) =	ssettag $0x0;
	lr =	simm.s32 $0x1  }
0x2: {  	[smem:$0x3F97] =	sst lr;
	_ =	strace $0xD0000000  }
0x3: {  	_ = 	snop  }
0x4: {  	_ = 	snop  }
0x5: {  	_ = 	snop  }
0x6: {  	_ = 	snop  }
0x7: {  	_ = 	snop  }
__scs_overlays_trampoline_lowered:
0x8: {  	[smem:$0x3FA6] =	sst s0  }
0x9: {  	[smem:$0x3FA7] =	sst s1  }
0xa: {  	[smem:$0x3FA8] =	sst s2  }
0xb: {  	[smem:$0x3FA9] =	sst s3  }
0xc: {  	[smem:$0x3FAA] =	sst s4  }
0xd: {  	[smem:$0x3FAB] =	sst s5  }
0xe: {  	[smem:$0x3FAC] =	sst s6  }
0xf: {  	[smem:$0x3FAD] =	sst s7  }
0x10: {  	[smem:$0x3FAE] =	sst s8  }
0x11: {  	[smem:$0x3FAF] =	sst s9;
	s0 =	simm.s32 @!p0 $0x0  }
0x12: {  	s1 =	sld [smem:$0x3F95];
	s0 =	simm.s32 @p0 $0x1  }
0x13: {  	[smem:$0x3FB0] =	sst s0;
	s0 =	simm.s32 @!p1 $0x0  }
0x14: {  	s2 =	sld [smem:$0x3F94];
	s0 =	simm.s32 @p1 $0x1  }
0x15: {  	[smem:$0x3FB1] =	sst s0;
	s0 =	simm.s32 @!p2 $0x0  }
0x16: {  	s3 =	sld [smem:$0x3FDB];
	s0 =	simm.s32 @p2 $0x1  }
0x17: {  	s4 =	simm.s32 $0x1BF5;
	[smem:$0x3FB3] =	sst s0  }
0x18: {  	s0 =	sld [smem:$0x3F96];
	_ =	swait.ge [sflag:s4], $0x0  }
0x19: {  	s7 =	sld [smem:$0x3F97]  }
0x1a: {  	s8 =	sadd.s32 $0xFFFFE003, lr  }
0x1b: {  	s9 =	sadd.s32 $0xFFFFFEF7, lr;
	s5 =	simm.s32 $0xFFFFFFFF;
	p2 =	slt.u32 s8, $0xFFFFF086  }
0x1c: {  	p1 =	slt.u32 s9, $0xF7A;
	s5 =	simm.s32 @!p2 $0x0  }
0x1d: {  	s5 =	simm.s32 @p1 $0x1;
	p0 =	seq.s32 s7, s2  }
0x1e: {  	s7 =	smul.u32 @!p0 $0xF7A, s2;
	p2 =	seq.s32 @!p0 s5, $0x0  }
0x1f: {  	s9 =	smul.u32 $0xF7A, s1;
	s8 =	simm.s32 @!p0 $0x1BF5;
	p2 =	por !p2, p0  }
0x20: {  	[sflag:s8] =	ssyncset.s32 @!p0 $0xFFFFF086;
	s6 =	sadd.s32 @!p0 s3, s7;
	s7 =	simm.s32 @!p0 $0x108  }
0x21: {  	s3 =	sadd.s32 s3, s9;
	s6 =	sadd.s32 @!p0 $0x88, s6;
	s7 =	simm.s32 @p2 $0x1082  }
0x22: {  	[simem:s7], [sflag:s8] =	dma.local @!p0 [hbm:s6], $0xF7A  }
0x23: {  	s9 =	sor.u32 $0xD0000000, s2;
	s6 =	simm.s32 $0x108;
	_ =	swait.ge @!p0 [sflag:s8], $0x0  }
0x24: {  	s3 =	sadd.s32 $0x88, s3;
	s6 =	simm.s32 @!p1 $0x1082;
	[sflag:s4] =	ssyncset.s32 $0xFFFFF086  }
0x25: {  	[simem:s6], [sflag:s4] =	dma.local [hbm:s3], $0xF7A  }
0x26: {  	[smem:$0x3F97] =	sst s1;
	(tag) =	ssettag s2;
	_ =	strace s9  }
0x27: {  	s1 =	sld [smem:$0x3FA7]  }
0x28: {  	s2 =	sld [smem:$0x3FA8]  }
0x29: {  	s4 =	sld [smem:$0x3FAA]  }
0x2a: {  	p0 =	seq.s32 s5, $0x0;
	s5 =	sld [smem:$0x3FAB]  }
0x2b: {  	s6 =	sld [smem:$0x3FAC]  }
0x2c: {  	s7 =	sld [smem:$0x3FAD]  }
0x2d: {  	s3 =	simm.s32 $0x108;
	s8 =	sld [smem:$0x3FAE]  }
0x2e: {  	s3 =	simm.s32 @!p0 $0x1082;
	s9 =	sld [smem:$0x3FAF]  }
0x2f: {  	lr =	sadd.s32 s0, s3;
	s0 =	sld [smem:$0x3FA6]  }
0x30: {  	s3 =	sld [smem:$0x3FA9]  }
0x31: {  	[smem:$0x3FB2] =	sst s10  }
0x32: {  	s10 =	sld [smem:$0x3FB0];
	_ =	sdelay $0x3  }
0x33: {  	p0 =	seq.s32 s10, $0x1;
	s10 =	sld [smem:$0x3FB2];
	_ =	sdelay $0x3  }
0x34: {  	[smem:$0x3FB2] =	sst s10  }
0x35: {  	s10 =	sld [smem:$0x3FB1];
	_ =	sdelay $0x3  }
0x36: {  	p1 =	seq.s32 s10, $0x1;
	s10 =	sld [smem:$0x3FB2];
	_ =	sdelay $0x3  }
0x37: {  	[smem:$0x3FB2] =	sst s10  }
0x38: {  	s10 =	sld [smem:$0x3FB3]  }
0x39: {  	_ = 	snop;
	(pc) =	sbr.ind lr, $3  }
0x3a: {  	_ = 	snop  }
0x3b: {  	_ = 	snop  }
0x3c: {  	p2 =	seq.s32 s10, $0x1;
	s10 =	sld [smem:$0x3FB2]  }
0x3d: {  	_ =	shalt  }
0x3e: {  	_ =	shalt  }
0x3f: {  	_ =	shalt  }
0x40: {  	_ =	shalt  }
0x41: {  	_ =	shalt  }
0x42: {  	_ =	shalt  }
0x43: {  	_ =	shalt  }
0x44: {  	_ =	shalt  }
0x45: {  	_ =	shalt  }
0x46: {  	_ =	shalt  }
0x47: {  	_ =	shalt  }
0x48: {  	_ =	shalt  }
0x49: {  	_ =	shalt  }
0x4a: {  	_ =	shalt  }
0x4b: {  	_ =	shalt  }
0x4c: {  	_ =	shalt  }
0x4d: {  	_ =	shalt  }
0x4e: {  	_ =	shalt  }
0x4f: {  	_ =	shalt  }
0x50: {  	_ =	shalt  }
0x51: {  	_ =	shalt  }
0x52: {  	_ =	shalt  }
0x53: {  	_ =	shalt  }
0x54: {  	_ =	shalt  }
0x55: {  	_ =	shalt  }
0x56: {  	_ =	shalt  }
0x57: {  	_ =	shalt  }
0x58: {  	_ =	shalt  }
0x59: {  	_ =	shalt  }
0x5a: {  	_ =	shalt  }
0x5b: {  	_ =	shalt  }
0x5c: {  	_ =	shalt  }
0x5d: {  	_ =	shalt  }
0x5e: {  	_ =	shalt  }
0x5f: {  	_ =	shalt  }
0x60: {  	_ =	shalt  }
0x61: {  	_ =	shalt  }
0x62: {  	_ =	shalt  }
0x63: {  	_ =	shalt  }
0x64: {  	_ =	shalt  }
0x65: {  	_ =	shalt  }
0x66: {  	_ =	shalt  }
0x67: {  	_ =	shalt  }
0x68: {  	_ =	shalt  }
0x69: {  	_ =	shalt  }
0x6a: {  	_ =	shalt  }
0x6b: {  	_ =	shalt  }
0x6c: {  	_ =	shalt  }
0x6d: {  	_ =	shalt  }
0x6e: {  	_ =	shalt  }
0x6f: {  	_ =	shalt  }
0x70: {  	_ =	shalt  }
0x71: {  	_ =	shalt  }
0x72: {  	_ =	shalt  }
0x73: {  	_ =	shalt  }
0x74: {  	_ =	shalt  }
0x75: {  	_ =	shalt  }
0x76: {  	_ =	shalt  }
0x77: {  	_ =	shalt  }
0x78: {  	_ =	shalt  }
0x79: {  	_ =	shalt  }
0x7a: {  	_ =	shalt  }
0x7b: {  	_ =	shalt  }
0x7c: {  	_ =	shalt  }
0x7d: {  	_ =	shalt  }
0x7e: {  	_ =	shalt  }
0x7f: {  	_ =	shalt  }
0x80: {  	_ =	shalt  }
0x81: {  	_ =	shalt  }
0x82: {  	_ =	shalt  }
0x83: {  	_ =	shalt  }
0x84: {  	_ =	shalt  }
0x85: {  	_ =	shalt  }
0x86: {  	_ =	shalt  }
0x87: {  	_ =	shalt  }
.Lfunc_end0:
.L_simem_size_0:
called_computation.3_lowered:
.L_overlay_start_0:
0x88: {  	s2 =	sld [smem:$0x3FD9]  }
0x89: {  	s3 =	sld [smem:$0x3FFE];
	_ =	sdelay $0x1  }
0x8a: {  	s1 =	srdreg.scid  }
0x8b: {  	s0 =	sand.u32 $0x1, s1  }
0x8c: {  	s16 =	sshll.u32 s0, $0xA;
	s2 =	sadd.s32 s3, s2  }
0x8d: {  	s2 =	sadd.s32 s2, s16  }
0x8e: {  	[smem:$0x3FBE] =	sst s2  }
0x8f: {  	_ = 	snop  }
0x90: {  	(tm) =	ssettm $0x1  }
0x91: {  	s17 =	sld [smem:$0x3FFB];
	_ =	sdelay $0x3  }
0x92: {  	_ =	strace s17  }
0x93: {  	s2 =	sld [smem:$0x3FFC];
	_ =	sdelay $0x3  }
0x94: {  	_ =	strace s2  }
0x95: {  	s2 =	sld [smem:$0x3FFD];
	_ =	sdelay $0x3  }
0x96: {  	_ =	strace s2  }
0x97: {  	_ =	strace $0x8FFFFFFF  }
0x98: {  	s18 =	sld [smem:$0x3FDB];
	_ =	sdelay $0x1  }
0x99: {  	s19 =	simm.s32 $_scs_section_size  }
0x9a: {  	s4 =	simm.s32 $_size__tile_overlayer_lowered;
	s5 =	simm.s32 $_tile_overlayer_lowered  }
0x9b: {  	s22 =	simm.s32 $0x1BFF;
	s21 =	sshll.u32 s5, $0x1;
	s2 =	sadd.s32 s19, s18  }
0x9c: {  	s6 =	simm.s32 $0x0;
	s20 =	sshll.u32 s4, $0x1;
	s4 =	sadd.s32 s21, s2  }
0x9d: {  	[timem:s6], [sflag:s22] =	dma.local [hbm:s4], s20  }
0x9e: {  	_ =	swait.ge [sflag:s22], s20  }
0x9f: {  	s3 =	ssub.s32 $0x0, s20;
	[sflag:s22] =	ssyncset.done $0x0  }
0xa0: {  	[sflag:s22] =	ssyncadd.s32 s3;
	_ =	sdelay $0x1  }
0xa1: {  	s23 =	simm.s32 $0x1B8B  }
0xa2: {  	_ =	swait.ge [sflag:s23], $0x1  }
0xa3: {  	[sflag:s23] =	ssyncset.done $0x0  }
0xa4: {  	s25 =	simm.s32 $0x1B8E;
	s24 =	sld [smem:$0x3FFE];
	[sflag:s23] =	ssyncadd.s32 $0xFFFFFFFF  }
0xa5: {  	s26 =	simm.s32 $execute0_lowered;
	[smem:$0x3FD2] =	sst s25  }
0xa6: {  	s4 =	sshll.u32 s26, $0x1;
	_ =	strace $0x80000061;
	[dreg:$0x1] =	wrdreg $0xFFFFFFFF  }
0xa7: {  	s28 =	simm.s32 $_size_execute0_lowered;
	s2 =	sadd.s32 s2, s4;
	[dreg:$0x0] =	wrdreg $0x0  }
0xa8: {  	s4 =	sshll.u32 s28, $0x1;
	[dreg:$0x2] =	wrdreg s2  }
0xa9: {  	[dreg:$0x3] =	wrdreg s4  }
0xaa: {  	[dreg:$0x4] =	wrdreg $0xC0  }
0xab: {  	_ =	task [dreg:s6], $0x5FFFF  }
0xac: {  	[dreg:$0x1] =	wrdreg $0xFFFFFFFF  }
0xad: {  	[dreg:$0x0] =	wrdreg $0x60  }
0xae: {  	[dreg:$0x2] =	wrdreg s24  }
0xaf: {  	[dreg:$0x3] =	wrdreg $0x9  }
0xb0: {  	_ =	task.clear_ibuf [dreg:s6], $0x4FFFF;
	_ =	strace $0x90000061  }
0xb1: {  	s29 =	simm.s32 $0x9;
	_ =	strace $0x80000063  }
0xb2: {  	_ =	swait.ge [sflag:s29], $0x1  }
0xb3: {  	[sflag:s29] =	ssyncadd.s32 $0xFFFFFFFF  }
0xb4: {  	_ =	strace $0x90000063  }
0xb5: {  	_ =	sfence  }
0xb6: {  	s30 =	sld [smem:$0x0];
	_ =	sdelay $0x2  }
0xb7: {  	s31 =	sshll.u32 s1, $0xD;
	s1 =	sshrl.u32 s1, $0x2  }
0xb8: {  	s3 =	sand.u32 $0x4000, s31;
	s1 =	sadd.s32 s1, s30  }
0xb9: {  	s0 =	sor.u32 s3, s0;
	s1 =	sshll.u32 s1, $0x11  }
0xba: {  	s0 =	sor.u32 s1, s0  }
0xbb: {  	s0 =	sadd.s32 $0x8F2B, s0  }
0xbc: {  	[sflag:s0] =	ssyncadd.remote.s32 $0x1  }
0xbd: {  	_ =	sfence.sel $0xFFFF  }
0xbe: {  	[dreg:$0x0] =	wrdreg $0xFFFFFFFF;
	(pc) =	sbr.abs _section_cstart, $3  }
0xbf: {  	[dreg:$0x1] =	wrdreg $0xFFFFFFFF  }
0xc0: {  	_ =	task.clear_ibuf [dreg:s6], $0x2FFFF;
	_ =	strace $0x9FFFFFFF  }
0xc1: {  	(tm) =	ssettm $0x7FFFFFFF  }
tec
execute0_lowered:
.L_overlay_start_1:
0x0: {  	(tag) =	ssettag $0x1  }
0x1: {  	s0 =	srdreg.scid  }
0x2: {  	s1 =	sshll.u32 s0, $0x4  }
0x3: {  	s0 =	stileid.u32;
	s1 =	sand.u32 $0x10, s1  }
0x4: {  	s1 =	sor.u32 s0, s1  }
0x5: {  	s2 =	smin.u32 s1, $0x12  }
0x6: {  	s2 =	sadd.s32 s1, s2  }
0x7: {  	p0 =	slt.u32 s1, $0x12;
	s1 =	simm.s32 $0xA0;
	s2 =	smul.u32 $0x50, s2  }
0x8: {  	s1 =	simm.s32 @!p0 $0x50  }
0x9: {  	s1 =	sadd.s32 s1, s2  }
0xa: {  	s3 =	smin.u32 s1, $0xFA0  }
0xb: {  	s7 =	ssub.s32 s3, s2  }
0xc: {  	p0 =	sgt.s32 s7, $0x0  }
0xd: {  	s7 =	simm.s32 @!p0 $0x0  }
0xe: {  	s31 =	smul.u32 $0xCCCD, s7  }
0xf: {  	s4 =	rddreg [dreg:$0x0];
	s6 =	simm.s32 $0x1  }
0x10: {  	s10 =	simm.s32 $0x3;
	s13 =	simm.s32 $0x0;
	s8 =	sshrl.u32 s31, $0x16  }
0x11: {  	s12 =	simm.s32 $0x0;
	s5 =	sadd.s32 $0x200, s4;
	s9 =	smul.u32 $0x50, s8  }
.Ltmp0:
0x12: {  	s11 =	smov.u32 s2;
	s1 =	rddreg [dreg:$0x1];
	(pc) =	sbr.rel .LBB2_1-.Ltmp0, $4  }
0x13: {  	_ =	strace $0x80000062;
	p0 =	sne.s32 s7, s9;
	s9 =	simm.s32 $0x1  }
0x14: {  	[sflag:s6] =	ssyncpa.u1 $0x0;
	s7 =	simm.s32 $0x2;
	s9 =	simm.s32 @!p0 $0x0  }
0x15: {  	[sflag:s7] =	ssyncpa.u1 $0x0;
	p0 =	por $0x0, $0x0;
	s8 =	sadd.s32 s8, s9  }
0x16: {  	vm0 =	vmmov $0xff;
	vm1 =	vcmask $0x3F20;
	s9 =	sadd.s32 $0x2B600, s4;
	[sflag:s10] =	ssyncpa.u1 $0x0;
	s10 =	sadd.s32 $0x1, s8  }
.LBB2_6:
0x17: {  	[hbm:s17] =	stream.linear.scatter [tilespmem:s14], [sflag:$0x3], $0x400, $0x38;
	[tilespmem:$0x50A0] =	vst v63  }
.LBB2_7:
0x18: {  	s13 =	sadd.s32 $0x50, s11  }
0x19: {  	s15 =	smov.u32 s2;
	p2 =	slt.s32 s13, s3  }
0x1a: {  	s15 =	smov.u32 @p2 s13;
	p2 =	sne.s32 s12, s10  }
.Ltmp1:
0x1b: {  	p1 =	slt.u32 s12, $0x2;
	(pc) =	sbr.rel @!p2 .LBB2_8-.Ltmp1, $4  }
0x1c: {  	s14 =	simm.s32 @!p1 $0x3  }
0x1d: {  	s16 =	sadd.s32 $0x1, s12;
	_ =	swait.ge @!p1 [sflag:s14], $0x2800  }
0x1e: {  	p0 =	por !p0, !p0;
	s13 =	smov.u32 s11;
	[sflag:s14] =	ssyncset.done @!p1 $0x0  }
0x1f: {  	s12 =	smov.u32 s16;
	s11 =	smov.u32 s15;
	[sflag:s14] =	ssyncadd.s32 @!p1 $0xFFFFD800  }
.LBB2_1:
0x20: {  	p1 =	sge.u32 s12, s8  }
0x21: {  	s14 =	sxor.u32 @!p1 $0xFFFFFFFF, s12  }
0x22: {  	s14 =	sand.u32 @!p1 $0x1, s14  }
0x23: {  	s14 =	smul.u32 @!p1 $0x140, s14  }
0x24: {  	s31 =	sadd.s32 $0xFFFFFFFF, s12;
	s15 =	sshrl.u32 @!p1 s11, $0x3  }
0x25: {  	s16 =	sand.u32 @!p1 $0x7, s11;
	s15 =	sadd.s32 @!p1 s4, s15;
	s14 =	sshrl.u32 @!p1 s14, $0x2  }
0x26: {  	[tilespmem:s14], [sflag:$0x2] =	stream.linear.gather @!p1 [hbm4b:s15+s16], $0x50, $0x38;
	[tilespmem:$0x50A0] =	vst v63  }
0x27: {  	p1 =	sge.u32 s31, s8  }
.Ltmp2:
0x28: {  	_ = 	snop;
	(pc) =	sbr.rel @p1 .LBB2_7-.Ltmp2, $1  }
0x29: {  	_ =	sdelay $0x3  }
0x2a: {  	s14 =	simm.s32 $0x1  }
0x2b: {  	s14 =	simm.s32 @!p0 $0x0  }
0x2c: {  	s15 =	smul.u32 $0x140, s14  }
0x2d: {  	_ =	swait.ge [sflag:s7], $0x50  }
0x2e: {  	[sflag:s7] =	ssyncset.done $0x0;
	s16 =	sshrl.u32 s15, $0x2  }
0x2f: {  	[sflag:s7] =	ssyncadd.s32 $0xFFFFFFB0;
	s15 =	sadd.s32 $0x0, s16  }
0x30: {  	v0 =	vld.msk [tilespmem:s15+$0x0 ss:$0x1], $0xffff;
	_ =	sdelay $0x4  }
0x31: {  	v1 =	vand.u32 $0x3, v0;
	v2 =	vshll.u32 v0, $0x5  }
0x32: {  	vm2 =	veq.s32 v0, $0x80000000;
	v0 =	vmul.u32 $0x56800, v1;
	v1 =	vand.u32 $0x7FF80, v2  }
0x33: {  	v1 =	vsel vm2, $0xFFFFFF80, v1  }
0x34: {  	v0 =	vsel vm2, $0xFFFA9800, v0;
	v2 =	vand.u32 $0xFFFFFC00, v1  }
0x35: {  	v1 =	vand.u32 $0x380, v1;
	v0 =	vadd.s32 v0, v2  }
0x36: {  	v0 =	vor.u32 v1, v0  }
0x37: {  	v0 =	vshrl.u32 v0, $0x3  }
0x38: {  	s14 =	smul.u32 $0xA000, s14;
	_ =	sdelay $0x1  }
0x39: {  	s14 =	sshrl.u32 s14, $0x2  }
0x3a: {  	s14 =	sor.u32 $0xA0, s14  }
0x3b: {  	[tilespmem:s14], [sflag:$0x1] =	stream.indirect_vreg.gather [hbm:s5], $0x80, v0, vm0, $0x38;
	[tilespmem:$0x50A0] =	vst v63  }
0x3c: {  	s17 =	sadd.s32 $0x10, s16;
	s15 =	sadd.s32 $0x400, s14  }
0x3d: {  	[tilespmem:s15], [sflag:$0x1] =	stream.indirect_vreg.gather [hbm:s5], $0x80, v0, vm1, $0x38;
	[tilespmem:$0x50A0] =	vst v63  }
0x3e: {  	s18 =	simm.s32 $0x80;
	v0 =	vld.msk [tilespmem:s17+$0x0 ss:$0x1], $0xffff;
	s17 =	smov.u32 s14  }
.LBB2_3:
0x3f: {  	p1 =	sne.s32 s18, $0x100;
	_ =	sdelay $0x4  }
0x40: {  	v1 =	vand.u32 $0x3, v0;
	v2 =	vshll.u32 v0, $0x5  }
0x41: {  	vm2 =	veq.s32 v0, $0x80000000;
	v0 =	vmul.u32 $0x56800, v1;
	v1 =	vand.u32 $0x7FF80, v2  }
0x42: {  	v1 =	vsel vm2, $0xFFFFFF80, v1  }
0x43: {  	v0 =	vsel vm2, $0xFFFA9800, v0;
	v2 =	vand.u32 $0xFFFFFC00, v1  }
0x44: {  	v1 =	vand.u32 $0x380, v1;
	v0 =	vadd.s32 v0, v2  }
0x45: {  	v0 =	vor.u32 v1, v0  }
0x46: {  	v0 =	vshrl.u32 v0, $0x3;
	_ =	sdelay $0x3  }
.Ltmp3:
0x47: {  	s19 =	sshra.s32 s18, $0x2;
	s17 =	sadd.s32 $0x800, s17;
	(pc) =	sbr.rel @p1 .LBB2_3-.Ltmp3, $4  }
0x48: {  	[tilespmem:s17], [sflag:$0x1] =	stream.indirect_vreg.gather [hbm:s5], $0x80, v0, vm0, $0x38;
	[tilespmem:$0x50A0] =	vst v63  }
0x49: {  	s19 =	sadd.s32 s19, s16;
	s20 =	sadd.s32 $0x400, s17  }
0x4a: {  	[tilespmem:s20], [sflag:$0x1] =	stream.indirect_vreg.gather [hbm:s5], $0x80, v0, vm1, $0x38;
	[tilespmem:$0x50A0] =	vst v63  }
0x4b: {  	s18 =	sadd.s32 $0x40, s18;
	v0 =	vld.msk [tilespmem:s19+$0x0 ss:$0x1], $0xffff  }
0x4c: {  	_ =	sdelay $0x3  }
0x4d: {  	v1 =	vand.u32 $0x3, v0;
	v2 =	vshll.u32 v0, $0x5  }
0x4e: {  	vm2 =	veq.s32 v0, $0x80000000;
	v61 =	vmul.u32 $0x56800, v1;
	v62 =	vand.u32 $0x7FF80, v2  }
0x4f: {  	v1 =	vsel vm2, $0xFFFFFF80, v62  }
0x50: {  	v0 =	vsel vm2, $0xFFFA9800, v61;
	v63 =	vand.u32 $0xFFFFFC00, v1  }
0x51: {  	v1 =	vand.u32 $0x380, v1;
	v0 =	vadd.s32 v0, v63  }
0x52: {  	v0 =	vor.u32 v1, v0  }
0x53: {  	v0 =	vshrl.u32 v0, $0x3;
	_ =	sdelay $0x3  }
0x54: {  	s16 =	sadd.s32 $0x800, s17  }
0x55: {  	[tilespmem:s16], [sflag:$0x1] =	stream.indirect_vreg.gather [hbm:s5], $0x80, v0, vm0, $0x38;
	[tilespmem:$0x50A0] =	vst v63  }
0x56: {  	s16 =	sadd.s32 $0x400, s16  }
0x57: {  	[tilespmem:s16], [sflag:$0x1] =	stream.indirect_vreg.gather [hbm:s5], $0x80, v0, vm1, $0x38;
	[tilespmem:$0x50A0] =	vst v63  }
0x58: {  	s13 =	sshll.u32 s13, $0x4;
	_ =	swait.ge [sflag:s6], $0x2800  }
0x59: {  	s13 =	sadd.s32 s13, s9;
	[sflag:s6] =	ssyncset.done $0x0  }
0x5a: {  	s17 =	sadd.s32 $0x0, s13;
	s16 =	simm.s32 $0x80;
	[sflag:s6] =	ssyncadd.s32 $0xFFFFD800  }
.LBB2_5:
0x5b: {  	[hbm:s17] =	stream.linear.scatter [tilespmem:s14], [sflag:$0x3], $0x400, $0x38;
	[tilespmem:$0x50A0] =	vst v63  }
0x5c: {  	s17 =	smov.u32 s16;
	s14 =	smov.u32 s15;
	p1 =	sne.s32 s16, $0x480  }
.Ltmp4:
0x5d: {  	s16 =	sadd.s32 $0x80, s16;
	(pc) =	sbr.rel @p1 .LBB2_5-.Ltmp4, $2  }
0x5e: {  	_ =	sdelay $0x2  }
0x5f: {  	s15 =	sadd.s32 $0x400, s15;
	s17 =	sadd.s32 s17, s13  }
.Ltmp5:
0x60: {  	_ = 	snop;
	(pc) =	sbr.rel .LBB2_6-.Ltmp5, $1  }
0x61: {  	_ =	sdelay $0x3  }
.LBB2_8:
0x62: {  	_ =	sfence.sel $0x180000  }
0x63: {  	s2 =	simm.s32 $0x2;
	[bflag:$0x0] =	sbarrier.arrive $0xFFFF  }
0x64: {  	s30 =	simm.s32 $0x3;
	[sflag:s2] =	ssyncpa.u1 $0x1  }
0x65: {  	s31 =	simm.s32 $0x1;
	[sflag:s30] =	ssyncpa.u1 $0x1  }
0x66: {  	[sflag:s31] =	ssyncpa.u1 $0x1  }
0x67: {  	p0 =	sne.s32 s0, $0x0;
	_ =	strace $0x90000062  }
0x68: {  	s0 =	sadd.s32 @!p0 $0x100000, s1;
	[bflag:$0x2] =	sbarrier.arrive $0xFFFF  }
0x69: {  	[sflag:s0] =	ssyncadd.tile.s32 @!p0 $0x1;
	_ =	shalt  }
.Lfunc_end2:
_tile_overlayer_lowered:
.L_overlay_start_2:
0x6a: {  	(tag) =	ssettag $0x2  }
0x6b: {  	s0 =	rddreg [dreg:$0x0];
	s2 =	stileid.u32  }
0x6c: {  	s1 =	rddreg [dreg:$0x1];
	p0 =	sne.s32 s2, $0x0  }
0x6d: {  	s3 =	rddreg [dreg:$0x2];
	[bflag:$0x3] =	sbarrier.arrive $0xFFFF;
	s2 =	simm.s32 @!p0 $0x1C01  }
0x6e: {  	[timem:s3], [sflag:s2] =	dma.local @!p0 [hbm:s0], s1  }
0x6f: {  	s0 =	simm.s32 @!p0 $0x1  }
0x70: {  	_ =	swait.ge @!p0 [sflag:s0], s1  }
0x71: {  	s1 =	ssub.s32 @!p0 $0x0, s1;
	[sflag:s0] =	ssyncset.done @!p0 $0x0  }
0x72: {  	[sflag:s0] =	ssyncadd.s32 @!p0 s1  }
0x73: {  	[bflag:$0x3] =	sbarrier.arrive $0xFFFF  }
0x74: {  	_ =	shalt  }

// kernel: gather_offload_async_start.4
scs
__scs_entry_jumppad:
0x0: {  	(pc) =	sbr.rel $0x88, $3  }
0x1: {  	(tag) =	ssettag $0x0;
	lr =	simm.s32 $0x1  }
0x2: {  	[smem:$0x3F97] =	sst lr;
	_ =	strace $0xD0000000  }
0x3: {  	_ = 	snop  }
0x4: {  	_ = 	snop  }
0x5: {  	_ = 	snop  }
0x6: {  	_ = 	snop  }
0x7: {  	_ = 	snop  }
__scs_overlays_trampoline_lowered:
0x8: {  	[smem:$0x3FA6] =	sst s0  }
0x9: {  	[smem:$0x3FA7] =	sst s1  }
0xa: {  	[smem:$0x3FA8] =	sst s2  }
0xb: {  	[smem:$0x3FA9] =	sst s3  }
0xc: {  	[smem:$0x3FAA] =	sst s4  }
0xd: {  	[smem:$0x3FAB] =	sst s5  }
0xe: {  	[smem:$0x3FAC] =	sst s6  }
0xf: {  	[smem:$0x3FAD] =	sst s7  }
0x10: {  	[smem:$0x3FAE] =	sst s8  }
0x11: {  	[smem:$0x3FAF] =	sst s9;
	s0 =	simm.s32 @!p0 $0x0  }
0x12: {  	s1 =	sld [smem:$0x3F95];
	s0 =	simm.s32 @p0 $0x1  }
0x13: {  	[smem:$0x3FB0] =	sst s0;
	s0 =	simm.s32 @!p1 $0x0  }
0x14: {  	s2 =	sld [smem:$0x3F94];
	s0 =	simm.s32 @p1 $0x1  }
0x15: {  	[smem:$0x3FB1] =	sst s0;
	s0 =	simm.s32 @!p2 $0x0  }
0x16: {  	s3 =	sld [smem:$0x3FDB];
	s0 =	simm.s32 @p2 $0x1  }
0x17: {  	s4 =	simm.s32 $0x1BF5;
	[smem:$0x3FB3] =	sst s0  }
0x18: {  	s0 =	sld [smem:$0x3F96];
	_ =	swait.ge [sflag:s4], $0x0  }
0x19: {  	s7 =	sld [smem:$0x3F97]  }
0x1a: {  	s8 =	sadd.s32 $0xFFFFE003, lr  }
0x1b: {  	s9 =	sadd.s32 $0xFFFFFEF7, lr;
	s5 =	simm.s32 $0xFFFFFFFF;
	p2 =	slt.u32 s8, $0xFFFFF086  }
0x1c: {  	p1 =	slt.u32 s9, $0xF7A;
	s5 =	simm.s32 @!p2 $0x0  }
0x1d: {  	s5 =	simm.s32 @p1 $0x1;
	p0 =	seq.s32 s7, s2  }
0x1e: {  	s7 =	smul.u32 @!p0 $0xF7A, s2;
	p2 =	seq.s32 @!p0 s5, $0x0  }
0x1f: {  	s9 =	smul.u32 $0xF7A, s1;
	s8 =	simm.s32 @!p0 $0x1BF5;
	p2 =	por !p2, p0  }
0x20: {  	[sflag:s8] =	ssyncset.s32 @!p0 $0xFFFFF086;
	s6 =	sadd.s32 @!p0 s3, s7;
	s7 =	simm.s32 @!p0 $0x108  }
0x21: {  	s3 =	sadd.s32 s3, s9;
	s6 =	sadd.s32 @!p0 $0x88, s6;
	s7 =	simm.s32 @p2 $0x1082  }
0x22: {  	[simem:s7], [sflag:s8] =	dma.local @!p0 [hbm:s6], $0xF7A  }
0x23: {  	s9 =	sor.u32 $0xD0000000, s2;
	s6 =	simm.s32 $0x108;
	_ =	swait.ge @!p0 [sflag:s8], $0x0  }
0x24: {  	s3 =	sadd.s32 $0x88, s3;
	s6 =	simm.s32 @!p1 $0x1082;
	[sflag:s4] =	ssyncset.s32 $0xFFFFF086  }
0x25: {  	[simem:s6], [sflag:s4] =	dma.local [hbm:s3], $0xF7A  }
0x26: {  	[smem:$0x3F97] =	sst s1;
	(tag) =	ssettag s2;
	_ =	strace s9  }
0x27: {  	s1 =	sld [smem:$0x3FA7]  }
0x28: {  	s2 =	sld [smem:$0x3FA8]  }
0x29: {  	s4 =	sld [smem:$0x3FAA]  }
0x2a: {  	p0 =	seq.s32 s5, $0x0;
	s5 =	sld [smem:$0x3FAB]  }
0x2b: {  	s6 =	sld [smem:$0x3FAC]  }
0x2c: {  	s7 =	sld [smem:$0x3FAD]  }
0x2d: {  	s3 =	simm.s32 $0x108;
	s8 =	sld [smem:$0x3FAE]  }
0x2e: {  	s3 =	simm.s32 @!p0 $0x1082;
	s9 =	sld [smem:$0x3FAF]  }
0x2f: {  	lr =	sadd.s32 s0, s3;
	s0 =	sld [smem:$0x3FA6]  }
0x30: {  	s3 =	sld [smem:$0x3FA9]  }
0x31: {  	[smem:$0x3FB2] =	sst s10  }
0x32: {  	s10 =	sld [smem:$0x3FB0];
	_ =	sdelay $0x3  }
0x33: {  	p0 =	seq.s32 s10, $0x1;
	s10 =	sld [smem:$0x3FB2];
	_ =	sdelay $0x3  }
0x34: {  	[smem:$0x3FB2] =	sst s10  }
0x35: {  	s10 =	sld [smem:$0x3FB1];
	_ =	sdelay $0x3  }
0x36: {  	p1 =	seq.s32 s10, $0x1;
	s10 =	sld [smem:$0x3FB2];
	_ =	sdelay $0x3  }
0x37: {  	[smem:$0x3FB2] =	sst s10  }
0x38: {  	s10 =	sld [smem:$0x3FB3]  }
0x39: {  	_ = 	snop;
	(pc) =	sbr.ind lr, $3  }
0x3a: {  	_ = 	snop  }
0x3b: {  	_ = 	snop  }
0x3c: {  	p2 =	seq.s32 s10, $0x1;
	s10 =	sld [smem:$0x3FB2]  }
0x3d: {  	_ =	shalt  }
0x3e: {  	_ =	shalt  }
0x3f: {  	_ =	shalt  }
0x40: {  	_ =	shalt  }
0x41: {  	_ =	shalt  }
0x42: {  	_ =	shalt  }
0x43: {  	_ =	shalt  }
0x44: {  	_ =	shalt  }
0x45: {  	_ =	shalt  }
0x46: {  	_ =	shalt  }
0x47: {  	_ =	shalt  }
0x48: {  	_ =	shalt  }
0x49: {  	_ =	shalt  }
0x4a: {  	_ =	shalt  }
0x4b: {  	_ =	shalt  }
0x4c: {  	_ =	shalt  }
0x4d: {  	_ =	shalt  }
0x4e: {  	_ =	shalt  }
0x4f: {  	_ =	shalt  }
0x50: {  	_ =	shalt  }
0x51: {  	_ =	shalt  }
0x52: {  	_ =	shalt  }
0x53: {  	_ =	shalt  }
0x54: {  	_ =	shalt  }
0x55: {  	_ =	shalt  }
0x56: {  	_ =	shalt  }
0x57: {  	_ =	shalt  }
0x58: {  	_ =	shalt  }
0x59: {  	_ =	shalt  }
0x5a: {  	_ =	shalt  }
0x5b: {  	_ =	shalt  }
0x5c: {  	_ =	shalt  }
0x5d: {  	_ =	shalt  }
0x5e: {  	_ =	shalt  }
0x5f: {  	_ =	shalt  }
0x60: {  	_ =	shalt  }
0x61: {  	_ =	shalt  }
0x62: {  	_ =	shalt  }
0x63: {  	_ =	shalt  }
0x64: {  	_ =	shalt  }
0x65: {  	_ =	shalt  }
0x66: {  	_ =	shalt  }
0x67: {  	_ =	shalt  }
0x68: {  	_ =	shalt  }
0x69: {  	_ =	shalt  }
0x6a: {  	_ =	shalt  }
0x6b: {  	_ =	shalt  }
0x6c: {  	_ =	shalt  }
0x6d: {  	_ =	shalt  }
0x6e: {  	_ =	shalt  }
0x6f: {  	_ =	shalt  }
0x70: {  	_ =	shalt  }
0x71: {  	_ =	shalt  }
0x72: {  	_ =	shalt  }
0x73: {  	_ =	shalt  }
0x74: {  	_ =	shalt  }
0x75: {  	_ =	shalt  }
0x76: {  	_ =	shalt  }
0x77: {  	_ =	shalt  }
0x78: {  	_ =	shalt  }
0x79: {  	_ =	shalt  }
0x7a: {  	_ =	shalt  }
0x7b: {  	_ =	shalt  }
0x7c: {  	_ =	shalt  }
0x7d: {  	_ =	shalt  }
0x7e: {  	_ =	shalt  }
0x7f: {  	_ =	shalt  }
0x80: {  	_ =	shalt  }
0x81: {  	_ =	shalt  }
0x82: {  	_ =	shalt  }
0x83: {  	_ =	shalt  }
0x84: {  	_ =	shalt  }
0x85: {  	_ =	shalt  }
0x86: {  	_ =	shalt  }
0x87: {  	_ =	shalt  }
.Lfunc_end0:
.L_simem_size_0:
called_computation.4_lowered:
.L_overlay_start_0:
0x88: {  	s2 =	sld [smem:$0x3FD9]  }
0x89: {  	s3 =	sld [smem:$0x3FFE];
	_ =	sdelay $0x1  }
0x8a: {  	s1 =	srdreg.scid  }
0x8b: {  	s0 =	sand.u32 $0x1, s1  }
0x8c: {  	s16 =	sshll.u32 s0, $0xA;
	s2 =	sadd.s32 s3, s2  }
0x8d: {  	s2 =	sadd.s32 s2, s16  }
0x8e: {  	[smem:$0x3FBE] =	sst s2  }
0x8f: {  	_ = 	snop  }
0x90: {  	(tm) =	ssettm $0x1  }
0x91: {  	s17 =	sld [smem:$0x3FFB];
	_ =	sdelay $0x3  }
0x92: {  	_ =	strace s17  }
0x93: {  	s2 =	sld [smem:$0x3FFC];
	_ =	sdelay $0x3  }
0x94: {  	_ =	strace s2  }
0x95: {  	s2 =	sld [smem:$0x3FFD];
	_ =	sdelay $0x3  }
0x96: {  	_ =	strace s2  }
0x97: {  	_ =	strace $0x8FFFFFFF  }
0x98: {  	s18 =	sld [smem:$0x3FDB];
	_ =	sdelay $0x1  }
0x99: {  	s19 =	simm.s32 $_scs_section_size  }
0x9a: {  	s4 =	simm.s32 $_size__tile_overlayer_lowered;
	s5 =	simm.s32 $_tile_overlayer_lowered  }
0x9b: {  	s22 =	simm.s32 $0x1BFF;
	s21 =	sshll.u32 s5, $0x1;
	s2 =	sadd.s32 s19, s18  }
0x9c: {  	s6 =	simm.s32 $0x0;
	s20 =	sshll.u32 s4, $0x1;
	s4 =	sadd.s32 s21, s2  }
0x9d: {  	[timem:s6], [sflag:s22] =	dma.local [hbm:s4], s20  }
0x9e: {  	_ =	swait.ge [sflag:s22], s20  }
0x9f: {  	s3 =	ssub.s32 $0x0, s20;
	[sflag:s22] =	ssyncset.done $0x0  }
0xa0: {  	[sflag:s22] =	ssyncadd.s32 s3;
	_ =	sdelay $0x1  }
0xa1: {  	s23 =	simm.s32 $0x1B8B  }
0xa2: {  	_ =	swait.ge [sflag:s23], $0x1  }
0xa3: {  	[sflag:s23] =	ssyncset.done $0x0  }
0xa4: {  	s25 =	simm.s32 $0x1B8E;
	s24 =	sld [smem:$0x3FFE];
	[sflag:s23] =	ssyncadd.s32 $0xFFFFFFFF  }
0xa5: {  	s26 =	simm.s32 $execute0_lowered;
	[smem:$0x3FD2] =	sst s25  }
0xa6: {  	s4 =	sshll.u32 s26, $0x1;
	_ =	strace $0x80000052;
	[dreg:$0x1] =	wrdreg $0xFFFFFFFF  }
0xa7: {  	s28 =	simm.s32 $_size_execute0_lowered;
	s2 =	sadd.s32 s2, s4;
	[dreg:$0x0] =	wrdreg $0x0  }
0xa8: {  	s4 =	sshll.u32 s28, $0x1;
	[dreg:$0x2] =	wrdreg s2  }
0xa9: {  	[dreg:$0x3] =	wrdreg s4  }
0xaa: {  	[dreg:$0x4] =	wrdreg $0xC0  }
0xab: {  	_ =	task [dreg:s6], $0x5FFFF  }
0xac: {  	[dreg:$0x1] =	wrdreg $0xFFFFFFFF  }
0xad: {  	[dreg:$0x0] =	wrdreg $0x60  }
0xae: {  	[dreg:$0x2] =	wrdreg s24  }
0xaf: {  	[dreg:$0x3] =	wrdreg $0x9  }
0xb0: {  	_ =	task.clear_ibuf [dreg:s6], $0x4FFFF;
	_ =	strace $0x90000052  }
0xb1: {  	s29 =	simm.s32 $0x9;
	_ =	strace $0x80000054  }
0xb2: {  	_ =	swait.ge [sflag:s29], $0x1  }
0xb3: {  	[sflag:s29] =	ssyncadd.s32 $0xFFFFFFFF  }
0xb4: {  	_ =	strace $0x90000054  }
0xb5: {  	_ =	sfence  }
0xb6: {  	s30 =	sld [smem:$0x0];
	_ =	sdelay $0x2  }
0xb7: {  	s31 =	sshll.u32 s1, $0xD;
	s1 =	sshrl.u32 s1, $0x2  }
0xb8: {  	s3 =	sand.u32 $0x4000, s31;
	s1 =	sadd.s32 s1, s30  }
0xb9: {  	s0 =	sor.u32 s3, s0;
	s1 =	sshll.u32 s1, $0x11  }
0xba: {  	s0 =	sor.u32 s1, s0  }
0xbb: {  	s0 =	sadd.s32 $0x8F2B, s0  }
0xbc: {  	[sflag:s0] =	ssyncadd.remote.s32 $0x1  }
0xbd: {  	_ =	sfence.sel $0xFFFF  }
0xbe: {  	[dreg:$0x0] =	wrdreg $0xFFFFFFFF;
	(pc) =	sbr.abs _section_cstart, $3  }
0xbf: {  	[dreg:$0x1] =	wrdreg $0xFFFFFFFF  }
0xc0: {  	_ =	task.clear_ibuf [dreg:s6], $0x2FFFF;
	_ =	strace $0x9FFFFFFF  }
0xc1: {  	(tm) =	ssettm $0x7FFFFFFF  }
tec
execute0_lowered:
.L_overlay_start_1:
0x0: {  	(tag) =	ssettag $0x1  }
0x1: {  	s8 =	rddreg [dreg:$0x0];
	s1 =	stileid.u32  }
0x2: {  	s2 =	srdreg.scid;
	s0 =	rddreg [dreg:$0x1]  }
0x3: {  	_ =	strace $0x80000053;
	s5 =	simm.s32 $0x1;
	s9 =	simm.s32 $0x1  }
0x4: {  	s10 =	simm.s32 $0x3;
	s2 =	sand.u32 $0x1, s2;
	s3 =	sshll.u32 s1, $0x1  }
0x5: {  	s13 =	simm.s32 $0x0;
	s12 =	simm.s32 $0x0;
	s6 =	sor.u32 s3, s2  }
0x6: {  	[sflag:s5] =	ssyncpa.u1 $0x0;
	s2 =	sadd.s32 $0x1800, s8;
	s4 =	smul.u32 $0x50, s6  }
0x7: {  	s3 =	sadd.s32 $0x200, s8;
	p0 =	slt.u32 s6, $0x13;
	s6 =	simm.s32 $0xA00  }
.Ltmp0:
0x8: {  	s6 =	simm.s32 @!p0 $0x0;
	s7 =	ssub.s32 $0xFA0, s4;
	(pc) =	sbr.rel .LBB2_1-.Ltmp0, $4  }
0x9: {  	s9 =	simm.s32 @!p0 $0x0;
	p0 =	sne.s32 s7, s6;
	s7 =	simm.s32 $0x1  }
0xa: {  	s8 =	sadd.s32 $0x800, s8;
	s6 =	simm.s32 $0x2;
	s7 =	simm.s32 @!p0 $0x0  }
0xb: {  	s11 =	smov.u32 s4;
	[sflag:s6] =	ssyncpa.u1 $0x0;
	s7 =	sadd.s32 s9, s7  }
0xc: {  	vm0 =	vmmov $0xffff;
	[sflag:s10] =	ssyncpa.u1 $0x0;
	s10 =	simm.s32 $0x0;
	s9 =	sadd.s32 $0x1, s7  }
.LBB2_4:
0xd: {  	v5 =	vld.msk [tilespmem:s18+$0x0 ss:$0x1], $0xffff  }
0xe: {  	v6 =	vand.u32 $0x3, v1;
	v7 =	vshrl.u32 v1, $0x2  }
0xf: {  	v3 =	vor.u32 v4, v3;
	vm1 =	veq.s32 v1, $0x80000000;
	v53 =	vand.u32 $0x3FF, v7  }
0x10: {  	v2 =	vor.u32 v2, v3;
	v54 =	vsel vm1, $0xFFFFFFFF, v6;
	v1 =	vsel vm1, $0xFFFFFFFF, v53  }
0x11: {  	v6 =	vshll.u32 v54, $0x7;
	v3 =	vand.u32 $0xFFFFF000, v54;
	v55 =	vand.u32 $0x7F, v1  }
0x12: {  	v1 =	vshll.u32 v1, $0x2;
	v6 =	vand.u32 $0x180, v6;
	v56 =	vshrl.u32 v5, $0x2  }
0x13: {  	v1 =	vand.u32 $0xFFFFFE00, v1;
	vm1 =	veq.s32 v5, $0x80000000;
	v57 =	vand.u32 $0x3FF, v56  }
0x14: {  	v1 =	vadd.s32 v3, v1;
	v5 =	vand.u32 $0x3, v5;
	v3 =	vsel vm1, $0xFFFFFFFF, v57  }
0x15: {  	v1 =	vor.u32 v6, v1;
	v5 =	vsel vm1, $0xFFFFFFFF, v5;
	v58 =	vshll.u32 v3, $0x2  }
0x16: {  	v59 =	vshll.u32 v5, $0x7;
	v5 =	vand.u32 $0xFFFFF000, v5;
	v6 =	vand.u32 $0xFFFFFE00, v58  }
0x17: {  	v1 =	vor.u32 v55, v1;
	v61 =	vand.u32 $0x180, v59;
	v60 =	vadd.s32 v5, v6  }
0x18: {  	[tilespmem:s16], [sflag:$0x1] =	stream.indirect_vreg.gather [hbm4b:s2+s10], $0x1, v0, vm0, $0x4038;
	v62 =	vand.u32 $0x7F, v3;
	v63 =	vor.u32 v61, v60;
	[tilespmem:$0x140] =	vst v63  }
0x19: {  	(ifvalue) =	ssetifvalue $0x7FFFFFFF;
	v0 =	vor.u32 v62, v63  }
0x1a: {  	[tilespmem:s15], [sflag:$0x1] =	stream.indirect_vreg.gather [hbm4b:s2+s10], $0x1, v2, vm0, $0x4038;
	[tilespmem:$0x140] =	vst v63  }
0x1b: {  	s29 =	sadd.s32 $0x10, s15;
	(ifvalue) =	ssetifvalue $0x7FFFFFFF  }
0x1c: {  	[tilespmem:s29], [sflag:$0x1] =	stream.indirect_vreg.gather [hbm4b:s2+s10], $0x1, v1, vm0, $0x4038;
	[tilespmem:$0x140] =	vst v63  }
0x1d: {  	s15 =	sadd.s32 $0x10, s29;
	(ifvalue) =	ssetifvalue $0x7FFFFFFF  }
0x1e: {  	[tilespmem:s15], [sflag:$0x1] =	stream.indirect_vreg.gather [hbm4b:s2+s10], $0x1, v0, vm0, $0x4038;
	[tilespmem:$0x140] =	vst v63  }
0x1f: {  	_ =	swait.ge [sflag:s5], $0x50  }
0x20: {  	s30 =	sshrl.u32 s13, $0x3;
	[sflag:s5] =	ssyncset.done $0x0  }
0x21: {  	s31 =	sand.u32 $0x7, s13;
	s15 =	sadd.s32 s8, s30;
	[sflag:s5] =	ssyncadd.s32 $0xFFFFFFB0  }
0x22: {  	[hbm4b:s15+s31] =	stream.linear.scatter [tilespmem:s14], [sflag:$0x3], $0x50, $0x38;
	[tilespmem:$0x140] =	vst v63  }
.LBB2_5:
0x23: {  	s15 =	sadd.s32 $0xA00, s11  }
0x24: {  	p1 =	sgt.s32 s15, $0xF9F  }
0x25: {  	s15 =	smov.u32 @p1 s4;
	p1 =	sne.s32 s12, s9  }
.Ltmp1:
0x26: {  	p0 =	slt.u32 s12, $0x2;
	(pc) =	sbr.rel @!p1 .LBB2_6-.Ltmp1, $4  }
0x27: {  	s14 =	simm.s32 @!p0 $0x3  }
0x28: {  	_ =	swait.ge @!p0 [sflag:s14], $0x50  }
0x29: {  	s16 =	sadd.s32 $0x1, s12;
	s13 =	smov.u32 s11;
	[sflag:s14] =	ssyncset.done @!p0 $0x0  }
0x2a: {  	s12 =	smov.u32 s16;
	s11 =	smov.u32 s15;
	[sflag:s14] =	ssyncadd.s32 @!p0 $0xFFFFFFB0  }
.LBB2_1:
0x2b: {  	p0 =	sge.u32 s12, s7  }
0x2c: {  	s14 =	sxor.u32 @!p0 $0x1, s12  }
0x2d: {  	s14 =	smul.u32 @!p0 $0x140, s14  }
0x2e: {  	s31 =	sadd.s32 $0xFFFFFFFF, s12;
	s15 =	sshrl.u32 @!p0 s11, $0x3  }
0x2f: {  	s16 =	sand.u32 @!p0 $0x7, s11;
	s15 =	sadd.s32 @!p0 s3, s15;
	s14 =	sshra.s32 @!p0 s14, $0x2  }
0x30: {  	[tilespmem:s14], [sflag:$0x2] =	stream.linear.gather @!p0 [hbm4b:s15+s16], $0x50, $0x38;
	[tilespmem:$0x140] =	vst v63  }
0x31: {  	p0 =	sge.u32 s31, s7  }
.Ltmp2:
0x32: {  	_ = 	snop;
	(pc) =	sbr.rel @p0 .LBB2_5-.Ltmp2, $1  }
0x33: {  	_ =	sdelay $0x3  }
0x34: {  	s14 =	sand.u32 $0x1, s12  }
0x35: {  	_ =	swait.ge [sflag:s6], $0x50;
	p0 =	seq.s32 s14, $0x1;
	s14 =	simm.s32 $0x50  }
0x36: {  	[sflag:s6] =	ssyncset.done $0x0;
	s14 =	simm.s32 @!p0 $0x0  }
0x37: {  	[sflag:s6] =	ssyncadd.s32 $0xFFFFFFB0;
	(ifvalue) =	ssetifvalue $0x7FFFFFFF;
	v0 =	vld.msk [tilespmem:s14+$0x0 ss:$0x1], $0xffff;
	_ =	sdelay $0x4  }
0x38: {  	s15 =	sadd.s32 $0x10, s14;
	v2 =	vshrl.u32 v0, $0x2  }
0x39: {  	v1 =	vld.msk [tilespmem:s15+$0x0 ss:$0x1], $0xffff;
	vm1 =	veq.s32 v0, $0x80000000;
	v2 =	vand.u32 $0x3FF, v2  }
0x3a: {  	v0 =	vand.u32 $0x3, v0;
	v2 =	vsel vm1, $0xFFFFFFFF, v2  }
0x3b: {  	v0 =	vsel vm1, $0xFFFFFFFF, v0;
	v3 =	vshll.u32 v2, $0x2  }
0x3c: {  	v4 =	vand.u32 $0xFFFFF000, v0;
	v0 =	vshll.u32 v0, $0x7;
	v3 =	vand.u32 $0xFFFFFE00, v3  }
0x3d: {  	v0 =	vand.u32 $0x180, v0;
	v3 =	vadd.s32 v4, v3  }
0x3e: {  	v2 =	vand.u32 $0x7F, v2;
	v4 =	vshrl.u32 v1, $0x2;
	v0 =	vor.u32 v0, v3  }
0x3f: {  	vm1 =	veq.s32 v1, $0x80000000;
	v4 =	vand.u32 $0x3FF, v4;
	v0 =	vor.u32 v2, v0  }
0x40: {  	s15 =	sadd.s32 $0x10, s15;
	v1 =	vand.u32 $0x3, v1;
	v3 =	vsel vm1, $0xFFFFFFFF, v4  }
0x41: {  	s14 =	sor.u32 $0xA0, s14;
	v2 =	vsel vm1, $0xFFFFFFFF, v1;
	v1 =	vld.msk [tilespmem:s15+$0x0 ss:$0x1], $0xffff;
	v4 =	vshll.u32 v3, $0x2  }
0x42: {  	s17 =	simm.s32 $0x30;
	s16 =	smov.u32 s14;
	v5 =	vshll.u32 v2, $0x7;
	v6 =	vand.u32 $0xFFFFF000, v2;
	v4 =	vand.u32 $0xFFFFFE00, v4  }
0x43: {  	s18 =	sadd.s32 $0x10, s15;
	(ifvalue) =	ssetifvalue $0x7FFFFFFF;
	s15 =	sadd.s32 $0x10, s14;
	v2 =	vand.u32 $0x7F, v3;
	v3 =	vadd.s32 v6, v4;
	v4 =	vand.u32 $0x180, v5  }
.LBB2_3:
0x44: {  	[tilespmem:s16], [sflag:$0x1] =	stream.indirect_vreg.gather [hbm4b:s2+s10], $0x1, v0, vm0, $0x4038;
	[tilespmem:$0x140] =	vst v63  }
0x45: {  	s17 =	sadd.s32 $0x10, s17  }
0x46: {  	v5 =	vand.u32 $0x3, v1;
	v6 =	vshrl.u32 v1, $0x2;
	v3 =	vor.u32 v4, v3;
	v0 =	vmovc v1;
	v1 =	vld.msk [tilespmem:s18+$0x0 ss:$0x1], $0xffff;
	p0 =	slt.u32 s17, $0x40  }
.Ltmp3:
0x47: {  	s16 =	smov.u32 s15;
	vm1 =	veq.s32 v0, $0x80000000;
	v4 =	vand.u32 $0x3FF, v6;
	v0 =	vor.u32 v2, v3;
	(pc) =	sbr.rel @p0 .LBB2_3-.Ltmp3, $4  }
0x48: {  	v3 =	vsel vm1, $0xFFFFFFFF, v5;
	v4 =	vsel vm1, $0xFFFFFFFF, v4  }
0x49: {  	v2 =	vand.u32 $0x7F, v4;
	v4 =	vshll.u32 v4, $0x2;
	v5 =	vshll.u32 v3, $0x7  }
0x4a: {  	v3 =	vand.u32 $0xFFFFF000, v3;
	v4 =	vand.u32 $0xFFFFFE00, v4  }
0x4b: {  	s18 =	sadd.s32 $0x10, s18;
	s15 =	sadd.s32 $0x10, s15;
	v3 =	vadd.s32 v3, v4;
	v4 =	vand.u32 $0x180, v5;
	(ifvalue) =	ssetifvalue $0x7FFFFFFF  }
.Ltmp4:
0x4c: {  	_ = 	snop;
	(pc) =	sbr.rel .LBB2_4-.Ltmp4, $1  }
0x4d: {  	_ =	sdelay $0x3  }
.LBB2_6:
0x4e: {  	_ =	sfence.sel $0x180000  }
0x4f: {  	s2 =	simm.s32 $0x2;
	[bflag:$0x0] =	sbarrier.arrive $0xFFFF  }
0x50: {  	s30 =	simm.s32 $0x3;
	[sflag:s2] =	ssyncpa.u1 $0x1  }
0x51: {  	s31 =	simm.s32 $0x1;
	[sflag:s30] =	ssyncpa.u1 $0x1  }
0x52: {  	[sflag:s31] =	ssyncpa.u1 $0x1  }
0x53: {  	p0 =	sne.s32 s1, $0x0;
	_ =	strace $0x90000053  }
0x54: {  	s0 =	sadd.s32 @!p0 $0x100000, s0;
	[bflag:$0x2] =	sbarrier.arrive $0xFFFF  }
0x55: {  	[sflag:s0] =	ssyncadd.tile.s32 @!p0 $0x1;
	_ =	shalt  }
.Lfunc_end2:
_tile_overlayer_lowered:
.L_overlay_start_2:
0x56: {  	(tag) =	ssettag $0x2  }
0x57: {  	s0 =	rddreg [dreg:$0x0];
	s2 =	stileid.u32  }
0x58: {  	s1 =	rddreg [dreg:$0x1];
	p0 =	sne.s32 s2, $0x0  }
0x59: {  	s3 =	rddreg [dreg:$0x2];
	[bflag:$0x3] =	sbarrier.arrive $0xFFFF;
	s2 =	simm.s32 @!p0 $0x1C01  }
0x5a: {  	[timem:s3], [sflag:s2] =	dma.local @!p0 [hbm:s0], s1  }
0x5b: {  	s0 =	simm.s32 @!p0 $0x1  }
0x5c: {  	_ =	swait.ge @!p0 [sflag:s0], s1  }
0x5d: {  	s1 =	ssub.s32 @!p0 $0x0, s1;
	[sflag:s0] =	ssyncset.done @!p0 $0x0  }
0x5e: {  	[sflag:s0] =	ssyncadd.s32 @!p0 s1  }
0x5f: {  	[bflag:$0x3] =	sbarrier.arrive $0xFFFF  }
0x60: {  	_ =	shalt  }

// kernel: gather_offload_async_start.5
scs
__scs_entry_jumppad:
0x0: {  	(pc) =	sbr.rel $0x88, $3  }
0x1: {  	(tag) =	ssettag $0x0;
	lr =	simm.s32 $0x1  }
0x2: {  	[smem:$0x3F97] =	sst lr;
	_ =	strace $0xD0000000  }
0x3: {  	_ = 	snop  }
0x4: {  	_ = 	snop  }
0x5: {  	_ = 	snop  }
0x6: {  	_ = 	snop  }
0x7: {  	_ = 	snop  }
__scs_overlays_trampoline_lowered:
0x8: {  	[smem:$0x3FA6] =	sst s0  }
0x9: {  	[smem:$0x3FA7] =	sst s1  }
0xa: {  	[smem:$0x3FA8] =	sst s2  }
0xb: {  	[smem:$0x3FA9] =	sst s3  }
0xc: {  	[smem:$0x3FAA] =	sst s4  }
0xd: {  	[smem:$0x3FAB] =	sst s5  }
0xe: {  	[smem:$0x3FAC] =	sst s6  }
0xf: {  	[smem:$0x3FAD] =	sst s7  }
0x10: {  	[smem:$0x3FAE] =	sst s8  }
0x11: {  	[smem:$0x3FAF] =	sst s9;
	s0 =	simm.s32 @!p0 $0x0  }
0x12: {  	s1 =	sld [smem:$0x3F95];
	s0 =	simm.s32 @p0 $0x1  }
0x13: {  	[smem:$0x3FB0] =	sst s0;
	s0 =	simm.s32 @!p1 $0x0  }
0x14: {  	s2 =	sld [smem:$0x3F94];
	s0 =	simm.s32 @p1 $0x1  }
0x15: {  	[smem:$0x3FB1] =	sst s0;
	s0 =	simm.s32 @!p2 $0x0  }
0x16: {  	s3 =	sld [smem:$0x3FDB];
	s0 =	simm.s32 @p2 $0x1  }
0x17: {  	s4 =	simm.s32 $0x1BF5;
	[smem:$0x3FB3] =	sst s0  }
0x18: {  	s0 =	sld [smem:$0x3F96];
	_ =	swait.ge [sflag:s4], $0x0  }
0x19: {  	s7 =	sld [smem:$0x3F97]  }
0x1a: {  	s8 =	sadd.s32 $0xFFFFE003, lr  }
0x1b: {  	s9 =	sadd.s32 $0xFFFFFEF7, lr;
	s5 =	simm.s32 $0xFFFFFFFF;
	p2 =	slt.u32 s8, $0xFFFFF086  }
0x1c: {  	p1 =	slt.u32 s9, $0xF7A;
	s5 =	simm.s32 @!p2 $0x0  }
0x1d: {  	s5 =	simm.s32 @p1 $0x1;
	p0 =	seq.s32 s7, s2  }
0x1e: {  	s7 =	smul.u32 @!p0 $0xF7A, s2;
	p2 =	seq.s32 @!p0 s5, $0x0  }
0x1f: {  	s9 =	smul.u32 $0xF7A, s1;
	s8 =	simm.s32 @!p0 $0x1BF5;
	p2 =	por !p2, p0  }
0x20: {  	[sflag:s8] =	ssyncset.s32 @!p0 $0xFFFFF086;
	s6 =	sadd.s32 @!p0 s3, s7;
	s7 =	simm.s32 @!p0 $0x108  }
0x21: {  	s3 =	sadd.s32 s3, s9;
	s6 =	sadd.s32 @!p0 $0x88, s6;
	s7 =	simm.s32 @p2 $0x1082  }
0x22: {  	[simem:s7], [sflag:s8] =	dma.local @!p0 [hbm:s6], $0xF7A  }
0x23: {  	s9 =	sor.u32 $0xD0000000, s2;
	s6 =	simm.s32 $0x108;
	_ =	swait.ge @!p0 [sflag:s8], $0x0  }
0x24: {  	s3 =	sadd.s32 $0x88, s3;
	s6 =	simm.s32 @!p1 $0x1082;
	[sflag:s4] =	ssyncset.s32 $0xFFFFF086  }
0x25: {  	[simem:s6], [sflag:s4] =	dma.local [hbm:s3], $0xF7A  }
0x26: {  	[smem:$0x3F97] =	sst s1;
	(tag) =	ssettag s2;
	_ =	strace s9  }
0x27: {  	s1 =	sld [smem:$0x3FA7]  }
0x28: {  	s2 =	sld [smem:$0x3FA8]  }
0x29: {  	s4 =	sld [smem:$0x3FAA]  }
0x2a: {  	p0 =	seq.s32 s5, $0x0;
	s5 =	sld [smem:$0x3FAB]  }
0x2b: {  	s6 =	sld [smem:$0x3FAC]  }
0x2c: {  	s7 =	sld [smem:$0x3FAD]  }
0x2d: {  	s3 =	simm.s32 $0x108;
	s8 =	sld [smem:$0x3FAE]  }
0x2e: {  	s3 =	simm.s32 @!p0 $0x1082;
	s9 =	sld [smem:$0x3FAF]  }
0x2f: {  	lr =	sadd.s32 s0, s3;
	s0 =	sld [smem:$0x3FA6]  }
0x30: {  	s3 =	sld [smem:$0x3FA9]  }
0x31: {  	[smem:$0x3FB2] =	sst s10  }
0x32: {  	s10 =	sld [smem:$0x3FB0];
	_ =	sdelay $0x3  }
0x33: {  	p0 =	seq.s32 s10, $0x1;
	s10 =	sld [smem:$0x3FB2];
	_ =	sdelay $0x3  }
0x34: {  	[smem:$0x3FB2] =	sst s10  }
0x35: {  	s10 =	sld [smem:$0x3FB1];
	_ =	sdelay $0x3  }
0x36: {  	p1 =	seq.s32 s10, $0x1;
	s10 =	sld [smem:$0x3FB2];
	_ =	sdelay $0x3  }
0x37: {  	[smem:$0x3FB2] =	sst s10  }
0x38: {  	s10 =	sld [smem:$0x3FB3]  }
0x39: {  	_ = 	snop;
	(pc) =	sbr.ind lr, $3  }
0x3a: {  	_ = 	snop  }
0x3b: {  	_ = 	snop  }
0x3c: {  	p2 =	seq.s32 s10, $0x1;
	s10 =	sld [smem:$0x3FB2]  }
0x3d: {  	_ =	shalt  }
0x3e: {  	_ =	shalt  }
0x3f: {  	_ =	shalt  }
0x40: {  	_ =	shalt  }
0x41: {  	_ =	shalt  }
0x42: {  	_ =	shalt  }
0x43: {  	_ =	shalt  }
0x44: {  	_ =	shalt  }
0x45: {  	_ =	shalt  }
0x46: {  	_ =	shalt  }
0x47: {  	_ =	shalt  }
0x48: {  	_ =	shalt  }
0x49: {  	_ =	shalt  }
0x4a: {  	_ =	shalt  }
0x4b: {  	_ =	shalt  }
0x4c: {  	_ =	shalt  }
0x4d: {  	_ =	shalt  }
0x4e: {  	_ =	shalt  }
0x4f: {  	_ =	shalt  }
0x50: {  	_ =	shalt  }
0x51: {  	_ =	shalt  }
0x52: {  	_ =	shalt  }
0x53: {  	_ =	shalt  }
0x54: {  	_ =	shalt  }
0x55: {  	_ =	shalt  }
0x56: {  	_ =	shalt  }
0x57: {  	_ =	shalt  }
0x58: {  	_ =	shalt  }
0x59: {  	_ =	shalt  }
0x5a: {  	_ =	shalt  }
0x5b: {  	_ =	shalt  }
0x5c: {  	_ =	shalt  }
0x5d: {  	_ =	shalt  }
0x5e: {  	_ =	shalt  }
0x5f: {  	_ =	shalt  }
0x60: {  	_ =	shalt  }
0x61: {  	_ =	shalt  }
0x62: {  	_ =	shalt  }
0x63: {  	_ =	shalt  }
0x64: {  	_ =	shalt  }
0x65: {  	_ =	shalt  }
0x66: {  	_ =	shalt  }
0x67: {  	_ =	shalt  }
0x68: {  	_ =	shalt  }
0x69: {  	_ =	shalt  }
0x6a: {  	_ =	shalt  }
0x6b: {  	_ =	shalt  }
0x6c: {  	_ =	shalt  }
0x6d: {  	_ =	shalt  }
0x6e: {  	_ =	shalt  }
0x6f: {  	_ =	shalt  }
0x70: {  	_ =	shalt  }
0x71: {  	_ =	shalt  }
0x72: {  	_ =	shalt  }
0x73: {  	_ =	shalt  }
0x74: {  	_ =	shalt  }
0x75: {  	_ =	shalt  }
0x76: {  	_ =	shalt  }
0x77: {  	_ =	shalt  }
0x78: {  	_ =	shalt  }
0x79: {  	_ =	shalt  }
0x7a: {  	_ =	shalt  }
0x7b: {  	_ =	shalt  }
0x7c: {  	_ =	shalt  }
0x7d: {  	_ =	shalt  }
0x7e: {  	_ =	shalt  }
0x7f: {  	_ =	shalt  }
0x80: {  	_ =	shalt  }
0x81: {  	_ =	shalt  }
0x82: {  	_ =	shalt  }
0x83: {  	_ =	shalt  }
0x84: {  	_ =	shalt  }
0x85: {  	_ =	shalt  }
0x86: {  	_ =	shalt  }
0x87: {  	_ =	shalt  }
.Lfunc_end0:
.L_simem_size_0:
called_computation.5_lowered:
.L_overlay_start_0:
0x88: {  	s2 =	sld [smem:$0x3FD9]  }
0x89: {  	s3 =	sld [smem:$0x3FFE];
	_ =	sdelay $0x1  }
0x8a: {  	s1 =	srdreg.scid  }
0x8b: {  	s0 =	sand.u32 $0x1, s1  }
0x8c: {  	s14 =	sshll.u32 s0, $0xA;
	s2 =	sadd.s32 s3, s2  }
0x8d: {  	s2 =	sadd.s32 s2, s14  }
0x8e: {  	[smem:$0x3FBE] =	sst s2  }
0x8f: {  	_ = 	snop  }
0x90: {  	s2 =	sld [smem:$0x3FD0];
	_ =	sdelay $0x2  }
0x91: {  	s15 =	simm.s32 $0xB;
	s4 =	simm.s32 $0x10  }
0x92: {  	[smem:s4], [sflag:s15] =	dma.local [hbm:s2], $0x1  }
0x93: {  	_ =	swait.eq [sflag:s15], $0x1  }
0x94: {  	[sflag:s15] =	ssyncset.done $0x0  }
0x95: {  	[sflag:s15] =	ssyncadd.s32 $0xFFFFFFFF  }
0x96: {  	s16 =	sld [smem:$0x11];
	(tm) =	ssettm $0x1  }
0x97: {  	s17 =	sld [smem:$0x3FFB];
	_ =	sdelay $0x3  }
0x98: {  	_ =	strace s17  }
0x99: {  	s3 =	sld [smem:$0x3FFC];
	_ =	sdelay $0x3  }
0x9a: {  	_ =	strace s3  }
0x9b: {  	s3 =	sld [smem:$0x3FFD];
	_ =	sdelay $0x3  }
0x9c: {  	_ =	strace s3  }
0x9d: {  	_ =	strace $0x8FFFFFFF  }
0x9e: {  	s18 =	sld [smem:$0x3FDB];
	_ =	sdelay $0x1  }
0x9f: {  	s19 =	simm.s32 $_scs_section_size  }
0xa0: {  	s5 =	simm.s32 $_size__tile_overlayer_lowered;
	s6 =	simm.s32 $_tile_overlayer_lowered  }
0xa1: {  	s22 =	simm.s32 $0x1BFF;
	s21 =	sshll.u32 s6, $0x1;
	s3 =	sadd.s32 s19, s18  }
0xa2: {  	s7 =	simm.s32 $0x0;
	s20 =	sshll.u32 s5, $0x1;
	s5 =	sadd.s32 s21, s3  }
0xa3: {  	[timem:s7], [sflag:s22] =	dma.local [hbm:s5], s20  }
0xa4: {  	_ =	swait.ge [sflag:s22], s20  }
0xa5: {  	s4 =	ssub.s32 $0x0, s20;
	[sflag:s22] =	ssyncset.done $0x0  }
0xa6: {  	[sflag:s22] =	ssyncadd.s32 s4;
	_ =	sdelay $0x1  }
0xa7: {  	s23 =	simm.s32 $0x1B8B  }
0xa8: {  	_ =	swait.ge [sflag:s23], $0x1  }
0xa9: {  	[sflag:s23] =	ssyncset.done $0x0  }
0xaa: {  	s25 =	simm.s32 $0x1B8E;
	s24 =	sld [smem:$0x3FFE];
	[sflag:s23] =	ssyncadd.s32 $0xFFFFFFFF  }
0xab: {  	s26 =	simm.s32 $execute0_lowered;
	[smem:$0x3FD2] =	sst s25  }
0xac: {  	s5 =	sshll.u32 s26, $0x1;
	_ =	strace $0x80000055;
	[dreg:$0x1] =	wrdreg $0xFFFFFFFF  }
0xad: {  	s28 =	simm.s32 $_size_execute0_lowered;
	s3 =	sadd.s32 s3, s5;
	[dreg:$0x0] =	wrdreg $0x0  }
0xae: {  	s5 =	sshll.u32 s28, $0x1;
	[dreg:$0x2] =	wrdreg s3  }
0xaf: {  	[dreg:$0x3] =	wrdreg s5  }
0xb0: {  	[dreg:$0x4] =	wrdreg $0xC0  }
0xb1: {  	_ =	task [dreg:s7], $0x5FFFF  }
0xb2: {  	[dreg:$0x1] =	wrdreg $0xFFFFFFFF  }
0xb3: {  	[dreg:$0x0] =	wrdreg $0x60  }
0xb4: {  	[dreg:$0x2] =	wrdreg s16  }
0xb5: {  	[dreg:$0x3] =	wrdreg s24  }
0xb6: {  	[dreg:$0x4] =	wrdreg $0x9  }
0xb7: {  	_ =	task.clear_ibuf [dreg:s7], $0x5FFFF;
	_ =	strace $0x90000055  }
0xb8: {  	s29 =	simm.s32 $0x9;
	_ =	strace $0x80000057  }
0xb9: {  	_ =	swait.ge [sflag:s29], $0x1  }
0xba: {  	[sflag:s29] =	ssyncadd.s32 $0xFFFFFFFF  }
0xbb: {  	_ =	strace $0x90000057  }
0xbc: {  	_ =	sfence  }
0xbd: {  	s30 =	sld [smem:$0x0];
	_ =	sdelay $0x2  }
0xbe: {  	s31 =	sshll.u32 s1, $0xD;
	s1 =	sshrl.u32 s1, $0x2  }
0xbf: {  	s3 =	sand.u32 $0x4000, s31;
	s1 =	sadd.s32 s1, s30  }
0xc0: {  	s0 =	sor.u32 s3, s0;
	s1 =	sshll.u32 s1, $0x11  }
0xc1: {  	s0 =	sor.u32 s1, s0  }
0xc2: {  	s0 =	sadd.s32 $0x8F2B, s0  }
0xc3: {  	[sflag:s0] =	ssyncadd.remote.s32 $0x1  }
0xc4: {  	_ =	sfence.sel $0xFFFF  }
0xc5: {  	[dreg:$0x0] =	wrdreg $0xFFFFFFFF;
	(pc) =	sbr.abs _section_cstart, $3  }
0xc6: {  	[dreg:$0x1] =	wrdreg $0xFFFFFFFF  }
0xc7: {  	_ =	task.clear_ibuf [dreg:s7], $0x2FFFF;
	_ =	strace $0x9FFFFFFF  }
0xc8: {  	(tm) =	ssettm $0x7FFFFFFF  }
0xc9: {  	_ =	shalt  }
tec
execute0_lowered:
.L_overlay_start_1:
0x0: {  	(tag) =	ssettag $0x1  }
0x1: {  	s2 =	rddreg [dreg:$0x0];
	s0 =	stileid.u32  }
0x2: {  	s1 =	srdreg.scid;
	s8 =	rddreg [dreg:$0x1]  }
0x3: {  	s5 =	simm.s32 $0x1;
	s9 =	simm.s32 $0x1;
	s10 =	simm.s32 $0x3  }
0x4: {  	s13 =	simm.s32 $0x0;
	s3 =	sand.u32 $0x1, s1;
	s4 =	sshll.u32 s0, $0x1  }
0x5: {  	s12 =	simm.s32 $0x0;
	s1 =	rddreg [dreg:$0x2];
	s6 =	sor.u32 s4, s3  }
0x6: {  	_ =	strace $0x80000056;
	s3 =	sadd.s32 $0x400, s8;
	s4 =	smul.u32 $0x50, s6  }
0x7: {  	[sflag:s5] =	ssyncpa.u1 $0x0;
	p0 =	slt.u32 s6, $0x13;
	s6 =	simm.s32 $0xA00  }
.Ltmp0:
0x8: {  	s6 =	simm.s32 @!p0 $0x0;
	s7 =	ssub.s32 $0xFA0, s4;
	(pc) =	sbr.rel .LBB2_1-.Ltmp0, $4  }
0x9: {  	s9 =	simm.s32 @!p0 $0x0;
	p0 =	sne.s32 s7, s6;
	s7 =	simm.s32 $0x1  }
0xa: {  	s8 =	sadd.s32 $0x200, s8;
	s6 =	simm.s32 $0x2;
	s7 =	simm.s32 @!p0 $0x0  }
0xb: {  	s11 =	smov.u32 s4;
	[sflag:s6] =	ssyncpa.u1 $0x0;
	s7 =	sadd.s32 s9, s7  }
0xc: {  	vm0 =	vmmov $0xffff;
	[sflag:s10] =	ssyncpa.u1 $0x0;
	s10 =	simm.s32 $0x0;
	s9 =	sadd.s32 $0x1, s7  }
.LBB2_4:
0xd: {  	v5 =	vld.msk [tilespmem:s18+$0x0 ss:$0x1], $0xffff  }
0xe: {  	v6 =	vand.u32 $0x3, v1;
	v7 =	vshrl.u32 v1, $0x2  }
0xf: {  	v3 =	vor.u32 v4, v3;
	vm1 =	veq.s32 v1, $0x80000000;
	v53 =	vand.u32 $0x3FF, v7  }
0x10: {  	v2 =	vor.u32 v2, v3;
	v54 =	vsel vm1, $0xFFFFFFFF, v6;
	v1 =	vsel vm1, $0xFFFFFFFF, v53  }
0x11: {  	v6 =	vshll.u32 v54, $0x7;
	v3 =	vand.u32 $0xFFFFF000, v54;
	v55 =	vand.u32 $0x7F, v1  }
0x12: {  	v1 =	vshll.u32 v1, $0x2;
	v6 =	vand.u32 $0x180, v6;
	v56 =	vshrl.u32 v5, $0x2  }
0x13: {  	v1 =	vand.u32 $0xFFFFFE00, v1;
	vm1 =	veq.s32 v5, $0x80000000;
	v57 =	vand.u32 $0x3FF, v56  }
0x14: {  	v1 =	vadd.s32 v3, v1;
	v5 =	vand.u32 $0x3, v5;
	v3 =	vsel vm1, $0xFFFFFFFF, v57  }
0x15: {  	v1 =	vor.u32 v6, v1;
	v5 =	vsel vm1, $0xFFFFFFFF, v5;
	v58 =	vshll.u32 v3, $0x2  }
0x16: {  	v59 =	vshll.u32 v5, $0x7;
	v5 =	vand.u32 $0xFFFFF000, v5;
	v6 =	vand.u32 $0xFFFFFE00, v58  }
0x17: {  	v1 =	vor.u32 v55, v1;
	v61 =	vand.u32 $0x180, v59;
	v60 =	vadd.s32 v5, v6  }
0x18: {  	[tilespmem:s16], [sflag:$0x1] =	stream.indirect_vreg.gather [hbm4b:s2+s10], $0x1, v0, vm0, $0x4038;
	v62 =	vand.u32 $0x7F, v3;
	v63 =	vor.u32 v61, v60;
	[tilespmem:$0x140] =	vst v63  }
0x19: {  	(ifvalue) =	ssetifvalue $0x7FFFFFFF;
	v0 =	vor.u32 v62, v63  }
0x1a: {  	[tilespmem:s15], [sflag:$0x1] =	stream.indirect_vreg.gather [hbm4b:s2+s10], $0x1, v2, vm0, $0x4038;
	[tilespmem:$0x140] =	vst v63  }
0x1b: {  	s29 =	sadd.s32 $0x10, s15;
	(ifvalue) =	ssetifvalue $0x7FFFFFFF  }
0x1c: {  	[tilespmem:s29], [sflag:$0x1] =	stream.indirect_vreg.gather [hbm4b:s2+s10], $0x1, v1, vm0, $0x4038;
	[tilespmem:$0x140] =	vst v63  }
0x1d: {  	s15 =	sadd.s32 $0x10, s29;
	(ifvalue) =	ssetifvalue $0x7FFFFFFF  }
0x1e: {  	[tilespmem:s15], [sflag:$0x1] =	stream.indirect_vreg.gather [hbm4b:s2+s10], $0x1, v0, vm0, $0x4038;
	[tilespmem:$0x140] =	vst v63  }
0x1f: {  	_ =	swait.ge [sflag:s5], $0x50  }
0x20: {  	s30 =	sshrl.u32 s13, $0x3;
	[sflag:s5] =	ssyncset.done $0x0  }
0x21: {  	s31 =	sand.u32 $0x7, s13;
	s15 =	sadd.s32 s8, s30;
	[sflag:s5] =	ssyncadd.s32 $0xFFFFFFB0  }
0x22: {  	[hbm4b:s15+s31] =	stream.linear.scatter [tilespmem:s14], [sflag:$0x3], $0x50, $0x38;
	[tilespmem:$0x140] =	vst v63  }
.LBB2_5:
0x23: {  	s15 =	sadd.s32 $0xA00, s11  }
0x24: {  	p1 =	sgt.s32 s15, $0xF9F  }
0x25: {  	s15 =	smov.u32 @p1 s4;
	p1 =	sne.s32 s12, s9  }
.Ltmp1:
0x26: {  	p0 =	slt.u32 s12, $0x2;
	(pc) =	sbr.rel @!p1 .LBB2_6-.Ltmp1, $4  }
0x27: {  	s14 =	simm.s32 @!p0 $0x3  }
0x28: {  	_ =	swait.ge @!p0 [sflag:s14], $0x50  }
0x29: {  	s16 =	sadd.s32 $0x1, s12;
	s13 =	smov.u32 s11;
	[sflag:s14] =	ssyncset.done @!p0 $0x0  }
0x2a: {  	s12 =	smov.u32 s16;
	s11 =	smov.u32 s15;
	[sflag:s14] =	ssyncadd.s32 @!p0 $0xFFFFFFB0  }
.LBB2_1:
0x2b: {  	p0 =	sge.u32 s12, s7  }
0x2c: {  	s14 =	sxor.u32 @!p0 $0x1, s12  }
0x2d: {  	s14 =	smul.u32 @!p0 $0x140, s14  }
0x2e: {  	s31 =	sadd.s32 $0xFFFFFFFF, s12;
	s15 =	sshrl.u32 @!p0 s11, $0x3  }
0x2f: {  	s16 =	sand.u32 @!p0 $0x7, s11;
	s15 =	sadd.s32 @!p0 s3, s15;
	s14 =	sshra.s32 @!p0 s14, $0x2  }
0x30: {  	[tilespmem:s14], [sflag:$0x2] =	stream.linear.gather @!p0 [hbm4b:s15+s16], $0x50, $0x38;
	[tilespmem:$0x140] =	vst v63  }
0x31: {  	p0 =	sge.u32 s31, s7  }
.Ltmp2:
0x32: {  	_ = 	snop;
	(pc) =	sbr.rel @p0 .LBB2_5-.Ltmp2, $1  }
0x33: {  	_ =	sdelay $0x3  }
0x34: {  	s14 =	sand.u32 $0x1, s12  }
0x35: {  	_ =	swait.ge [sflag:s6], $0x50;
	p0 =	seq.s32 s14, $0x1;
	s14 =	simm.s32 $0x50  }
0x36: {  	[sflag:s6] =	ssyncset.done $0x0;
	s14 =	simm.s32 @!p0 $0x0  }
0x37: {  	[sflag:s6] =	ssyncadd.s32 $0xFFFFFFB0;
	(ifvalue) =	ssetifvalue $0x7FFFFFFF;
	v0 =	vld.msk [tilespmem:s14+$0x0 ss:$0x1], $0xffff;
	_ =	sdelay $0x4  }
0x38: {  	s15 =	sadd.s32 $0x10, s14;
	v2 =	vshrl.u32 v0, $0x2  }
0x39: {  	v1 =	vld.msk [tilespmem:s15+$0x0 ss:$0x1], $0xffff;
	vm1 =	veq.s32 v0, $0x80000000;
	v2 =	vand.u32 $0x3FF, v2  }
0x3a: {  	v0 =	vand.u32 $0x3, v0;
	v2 =	vsel vm1, $0xFFFFFFFF, v2  }
0x3b: {  	v0 =	vsel vm1, $0xFFFFFFFF, v0;
	v3 =	vshll.u32 v2, $0x2  }
0x3c: {  	v4 =	vand.u32 $0xFFFFF000, v0;
	v0 =	vshll.u32 v0, $0x7;
	v3 =	vand.u32 $0xFFFFFE00, v3  }
0x3d: {  	v0 =	vand.u32 $0x180, v0;
	v3 =	vadd.s32 v4, v3  }
0x3e: {  	v2 =	vand.u32 $0x7F, v2;
	v4 =	vshrl.u32 v1, $0x2;
	v0 =	vor.u32 v0, v3  }
0x3f: {  	vm1 =	veq.s32 v1, $0x80000000;
	v4 =	vand.u32 $0x3FF, v4;
	v0 =	vor.u32 v2, v0  }
0x40: {  	s15 =	sadd.s32 $0x10, s15;
	v1 =	vand.u32 $0x3, v1;
	v3 =	vsel vm1, $0xFFFFFFFF, v4  }
0x41: {  	s14 =	sor.u32 $0xA0, s14;
	v2 =	vsel vm1, $0xFFFFFFFF, v1;
	v1 =	vld.msk [tilespmem:s15+$0x0 ss:$0x1], $0xffff;
	v4 =	vshll.u32 v3, $0x2  }
0x42: {  	s17 =	simm.s32 $0x30;
	s16 =	smov.u32 s14;
	v5 =	vshll.u32 v2, $0x7;
	v6 =	vand.u32 $0xFFFFF000, v2;
	v4 =	vand.u32 $0xFFFFFE00, v4  }
0x43: {  	s18 =	sadd.s32 $0x10, s15;
	(ifvalue) =	ssetifvalue $0x7FFFFFFF;
	s15 =	sadd.s32 $0x10, s14;
	v2 =	vand.u32 $0x7F, v3;
	v3 =	vadd.s32 v6, v4;
	v4 =	vand.u32 $0x180, v5  }
.LBB2_3:
0x44: {  	[tilespmem:s16], [sflag:$0x1] =	stream.indirect_vreg.gather [hbm4b:s2+s10], $0x1, v0, vm0, $0x4038;
	[tilespmem:$0x140] =	vst v63  }
0x45: {  	s17 =	sadd.s32 $0x10, s17  }
0x46: {  	v5 =	vand.u32 $0x3, v1;
	v6 =	vshrl.u32 v1, $0x2;
	v3 =	vor.u32 v4, v3;
	v0 =	vmovc v1;
	v1 =	vld.msk [tilespmem:s18+$0x0 ss:$0x1], $0xffff;
	p0 =	slt.u32 s17, $0x40  }
.Ltmp3:
0x47: {  	s16 =	smov.u32 s15;
	vm1 =	veq.s32 v0, $0x80000000;
	v4 =	vand.u32 $0x3FF, v6;
	v0 =	vor.u32 v2, v3;
	(pc) =	sbr.rel @p0 .LBB2_3-.Ltmp3, $4  }
0x48: {  	v3 =	vsel vm1, $0xFFFFFFFF, v5;
	v4 =	vsel vm1, $0xFFFFFFFF, v4  }
0x49: {  	v2 =	vand.u32 $0x7F, v4;
	v4 =	vshll.u32 v4, $0x2;
	v5 =	vshll.u32 v3, $0x7  }
0x4a: {  	v3 =	vand.u32 $0xFFFFF000, v3;
	v4 =	vand.u32 $0xFFFFFE00, v4  }
0x4b: {  	s18 =	sadd.s32 $0x10, s18;
	s15 =	sadd.s32 $0x10, s15;
	v3 =	vadd.s32 v3, v4;
	v4 =	vand.u32 $0x180, v5;
	(ifvalue) =	ssetifvalue $0x7FFFFFFF  }
.Ltmp4:
0x4c: {  	_ = 	snop;
	(pc) =	sbr.rel .LBB2_4-.Ltmp4, $1  }
0x4d: {  	_ =	sdelay $0x3  }
.LBB2_6:
0x4e: {  	_ =	sfence.sel $0x180000  }
0x4f: {  	s2 =	simm.s32 $0x2;
	[bflag:$0x0] =	sbarrier.arrive $0xFFFF  }
0x50: {  	s30 =	simm.s32 $0x3;
	[sflag:s2] =	ssyncpa.u1 $0x1  }
0x51: {  	s31 =	simm.s32 $0x1;
	[sflag:s30] =	ssyncpa.u1 $0x1  }
0x52: {  	[sflag:s31] =	ssyncpa.u1 $0x1  }
0x53: {  	p0 =	sne.s32 s0, $0x0;
	_ =	strace $0x90000056  }
0x54: {  	s0 =	sadd.s32 @!p0 $0x100000, s1;
	[bflag:$0x2] =	sbarrier.arrive $0xFFFF  }
0x55: {  	[sflag:s0] =	ssyncadd.tile.s32 @!p0 $0x1;
	_ =	shalt  }
.Lfunc_end2:
_tile_overlayer_lowered:
.L_overlay_start_2:
0x56: {  	(tag) =	ssettag $0x2  }
0x57: {  	s0 =	rddreg [dreg:$0x0];
	s2 =	stileid.u32  }
0x58: {  	s1 =	rddreg [dreg:$0x1];
	p0 =	sne.s32 s2, $0x0  }
0x59: {  	s3 =	rddreg [dreg:$0x2];
	[bflag:$0x3] =	sbarrier.arrive $0xFFFF;
	s2 =	simm.s32 @!p0 $0x1C01  }
0x5a: {  	[timem:s3], [sflag:s2] =	dma.local @!p0 [hbm:s0], s1  }
0x5b: {  	s0 =	simm.s32 @!p0 $0x1  }
0x5c: {  	_ =	swait.ge @!p0 [sflag:s0], s1  }
0x5d: {  	s1 =	ssub.s32 @!p0 $0x0, s1;
	[sflag:s0] =	ssyncset.done @!p0 $0x0  }
0x5e: {  	[sflag:s0] =	ssyncadd.s32 @!p0 s1  }
0x5f: {  	[bflag:$0x3] =	sbarrier.arrive $0xFFFF  }
0x60: {  	_ =	shalt  }

// kernel: gather_offload_async_start.6
scs
__scs_entry_jumppad:
0x0: {  	(pc) =	sbr.rel $0x88, $3  }
0x1: {  	(tag) =	ssettag $0x0;
	lr =	simm.s32 $0x1  }
0x2: {  	[smem:$0x3F97] =	sst lr;
	_ =	strace $0xD0000000  }
0x3: {  	_ = 	snop  }
0x4: {  	_ = 	snop  }
0x5: {  	_ = 	snop  }
0x6: {  	_ = 	snop  }
0x7: {  	_ = 	snop  }
__scs_overlays_trampoline_lowered:
0x8: {  	[smem:$0x3FA6] =	sst s0  }
0x9: {  	[smem:$0x3FA7] =	sst s1  }
0xa: {  	[smem:$0x3FA8] =	sst s2  }
0xb: {  	[smem:$0x3FA9] =	sst s3  }
0xc: {  	[smem:$0x3FAA] =	sst s4  }
0xd: {  	[smem:$0x3FAB] =	sst s5  }
0xe: {  	[smem:$0x3FAC] =	sst s6  }
0xf: {  	[smem:$0x3FAD] =	sst s7  }
0x10: {  	[smem:$0x3FAE] =	sst s8  }
0x11: {  	[smem:$0x3FAF] =	sst s9;
	s0 =	simm.s32 @!p0 $0x0  }
0x12: {  	s1 =	sld [smem:$0x3F95];
	s0 =	simm.s32 @p0 $0x1  }
0x13: {  	[smem:$0x3FB0] =	sst s0;
	s0 =	simm.s32 @!p1 $0x0  }
0x14: {  	s2 =	sld [smem:$0x3F94];
	s0 =	simm.s32 @p1 $0x1  }
0x15: {  	[smem:$0x3FB1] =	sst s0;
	s0 =	simm.s32 @!p2 $0x0  }
0x16: {  	s3 =	sld [smem:$0x3FDB];
	s0 =	simm.s32 @p2 $0x1  }
0x17: {  	s4 =	simm.s32 $0x1BF5;
	[smem:$0x3FB3] =	sst s0  }
0x18: {  	s0 =	sld [smem:$0x3F96];
	_ =	swait.ge [sflag:s4], $0x0  }
0x19: {  	s7 =	sld [smem:$0x3F97]  }
0x1a: {  	s8 =	sadd.s32 $0xFFFFE003, lr  }
0x1b: {  	s9 =	sadd.s32 $0xFFFFFEF7, lr;
	s5 =	simm.s32 $0xFFFFFFFF;
	p2 =	slt.u32 s8, $0xFFFFF086  }
0x1c: {  	p1 =	slt.u32 s9, $0xF7A;
	s5 =	simm.s32 @!p2 $0x0  }
0x1d: {  	s5 =	simm.s32 @p1 $0x1;
	p0 =	seq.s32 s7, s2  }
0x1e: {  	s7 =	smul.u32 @!p0 $0xF7A, s2;
	p2 =	seq.s32 @!p0 s5, $0x0  }
0x1f: {  	s9 =	smul.u32 $0xF7A, s1;
	s8 =	simm.s32 @!p0 $0x1BF5;
	p2 =	por !p2, p0  }
0x20: {  	[sflag:s8] =	ssyncset.s32 @!p0 $0xFFFFF086;
	s6 =	sadd.s32 @!p0 s3, s7;
	s7 =	simm.s32 @!p0 $0x108  }
0x21: {  	s3 =	sadd.s32 s3, s9;
	s6 =	sadd.s32 @!p0 $0x88, s6;
	s7 =	simm.s32 @p2 $0x1082  }
0x22: {  	[simem:s7], [sflag:s8] =	dma.local @!p0 [hbm:s6], $0xF7A  }
0x23: {  	s9 =	sor.u32 $0xD0000000, s2;
	s6 =	simm.s32 $0x108;
	_ =	swait.ge @!p0 [sflag:s8], $0x0  }
0x24: {  	s3 =	sadd.s32 $0x88, s3;
	s6 =	simm.s32 @!p1 $0x1082;
	[sflag:s4] =	ssyncset.s32 $0xFFFFF086  }
0x25: {  	[simem:s6], [sflag:s4] =	dma.local [hbm:s3], $0xF7A  }
0x26: {  	[smem:$0x3F97] =	sst s1;
	(tag) =	ssettag s2;
	_ =	strace s9  }
0x27: {  	s1 =	sld [smem:$0x3FA7]  }
0x28: {  	s2 =	sld [smem:$0x3FA8]  }
0x29: {  	s4 =	sld [smem:$0x3FAA]  }
0x2a: {  	p0 =	seq.s32 s5, $0x0;
	s5 =	sld [smem:$0x3FAB]  }
0x2b: {  	s6 =	sld [smem:$0x3FAC]  }
0x2c: {  	s7 =	sld [smem:$0x3FAD]  }
0x2d: {  	s3 =	simm.s32 $0x108;
	s8 =	sld [smem:$0x3FAE]  }
0x2e: {  	s3 =	simm.s32 @!p0 $0x1082;
	s9 =	sld [smem:$0x3FAF]  }
0x2f: {  	lr =	sadd.s32 s0, s3;
	s0 =	sld [smem:$0x3FA6]  }
0x30: {  	s3 =	sld [smem:$0x3FA9]  }
0x31: {  	[smem:$0x3FB2] =	sst s10  }
0x32: {  	s10 =	sld [smem:$0x3FB0];
	_ =	sdelay $0x3  }
0x33: {  	p0 =	seq.s32 s10, $0x1;
	s10 =	sld [smem:$0x3FB2];
	_ =	sdelay $0x3  }
0x34: {  	[smem:$0x3FB2] =	sst s10  }
0x35: {  	s10 =	sld [smem:$0x3FB1];
	_ =	sdelay $0x3  }
0x36: {  	p1 =	seq.s32 s10, $0x1;
	s10 =	sld [smem:$0x3FB2];
	_ =	sdelay $0x3  }
0x37: {  	[smem:$0x3FB2] =	sst s10  }
0x38: {  	s10 =	sld [smem:$0x3FB3]  }
0x39: {  	_ = 	snop;
	(pc) =	sbr.ind lr, $3  }
0x3a: {  	_ = 	snop  }
0x3b: {  	_ = 	snop  }
0x3c: {  	p2 =	seq.s32 s10, $0x1;
	s10 =	sld [smem:$0x3FB2]  }
0x3d: {  	_ =	shalt  }
0x3e: {  	_ =	shalt  }
0x3f: {  	_ =	shalt  }
0x40: {  	_ =	shalt  }
0x41: {  	_ =	shalt  }
0x42: {  	_ =	shalt  }
0x43: {  	_ =	shalt  }
0x44: {  	_ =	shalt  }
0x45: {  	_ =	shalt  }
0x46: {  	_ =	shalt  }
0x47: {  	_ =	shalt  }
0x48: {  	_ =	shalt  }
0x49: {  	_ =	shalt  }
0x4a: {  	_ =	shalt  }
0x4b: {  	_ =	shalt  }
0x4c: {  	_ =	shalt  }
0x4d: {  	_ =	shalt  }
0x4e: {  	_ =	shalt  }
0x4f: {  	_ =	shalt  }
0x50: {  	_ =	shalt  }
0x51: {  	_ =	shalt  }
0x52: {  	_ =	shalt  }
0x53: {  	_ =	shalt  }
0x54: {  	_ =	shalt  }
0x55: {  	_ =	shalt  }
0x56: {  	_ =	shalt  }
0x57: {  	_ =	shalt  }
0x58: {  	_ =	shalt  }
0x59: {  	_ =	shalt  }
0x5a: {  	_ =	shalt  }
0x5b: {  	_ =	shalt  }
0x5c: {  	_ =	shalt  }
0x5d: {  	_ =	shalt  }
0x5e: {  	_ =	shalt  }
0x5f: {  	_ =	shalt  }
0x60: {  	_ =	shalt  }
0x61: {  	_ =	shalt  }
0x62: {  	_ =	shalt  }
0x63: {  	_ =	shalt  }
0x64: {  	_ =	shalt  }
0x65: {  	_ =	shalt  }
0x66: {  	_ =	shalt  }
0x67: {  	_ =	shalt  }
0x68: {  	_ =	shalt  }
0x69: {  	_ =	shalt  }
0x6a: {  	_ =	shalt  }
0x6b: {  	_ =	shalt  }
0x6c: {  	_ =	shalt  }
0x6d: {  	_ =	shalt  }
0x6e: {  	_ =	shalt  }
0x6f: {  	_ =	shalt  }
0x70: {  	_ =	shalt  }
0x71: {  	_ =	shalt  }
0x72: {  	_ =	shalt  }
0x73: {  	_ =	shalt  }
0x74: {  	_ =	shalt  }
0x75: {  	_ =	shalt  }
0x76: {  	_ =	shalt  }
0x77: {  	_ =	shalt  }
0x78: {  	_ =	shalt  }
0x79: {  	_ =	shalt  }
0x7a: {  	_ =	shalt  }
0x7b: {  	_ =	shalt  }
0x7c: {  	_ =	shalt  }
0x7d: {  	_ =	shalt  }
0x7e: {  	_ =	shalt  }
0x7f: {  	_ =	shalt  }
0x80: {  	_ =	shalt  }
0x81: {  	_ =	shalt  }
0x82: {  	_ =	shalt  }
0x83: {  	_ =	shalt  }
0x84: {  	_ =	shalt  }
0x85: {  	_ =	shalt  }
0x86: {  	_ =	shalt  }
0x87: {  	_ =	shalt  }
.Lfunc_end0:
.L_simem_size_0:
called_computation.6_lowered:
.L_overlay_start_0:
0x88: {  	s2 =	sld [smem:$0x3FD9]  }
0x89: {  	s3 =	sld [smem:$0x3FFE];
	_ =	sdelay $0x1  }
0x8a: {  	s1 =	srdreg.scid  }
0x8b: {  	s0 =	sand.u32 $0x1, s1  }
0x8c: {  	s16 =	sshll.u32 s0, $0xA;
	s2 =	sadd.s32 s3, s2  }
0x8d: {  	s2 =	sadd.s32 s2, s16  }
0x8e: {  	[smem:$0x3FBE] =	sst s2  }
0x8f: {  	_ = 	snop  }
0x90: {  	(tm) =	ssettm $0x1  }
0x91: {  	s17 =	sld [smem:$0x3FFB];
	_ =	sdelay $0x3  }
0x92: {  	_ =	strace s17  }
0x93: {  	s2 =	sld [smem:$0x3FFC];
	_ =	sdelay $0x3  }
0x94: {  	_ =	strace s2  }
0x95: {  	s2 =	sld [smem:$0x3FFD];
	_ =	sdelay $0x3  }
0x96: {  	_ =	strace s2  }
0x97: {  	_ =	strace $0x8FFFFFFF  }
0x98: {  	s18 =	sld [smem:$0x3FDB];
	_ =	sdelay $0x1  }
0x99: {  	s19 =	simm.s32 $_scs_section_size  }
0x9a: {  	s4 =	simm.s32 $_size__tile_overlayer_lowered;
	s5 =	simm.s32 $_tile_overlayer_lowered  }
0x9b: {  	s22 =	simm.s32 $0x1BFF;
	s21 =	sshll.u32 s5, $0x1;
	s2 =	sadd.s32 s19, s18  }
0x9c: {  	s6 =	simm.s32 $0x0;
	s20 =	sshll.u32 s4, $0x1;
	s4 =	sadd.s32 s21, s2  }
0x9d: {  	[timem:s6], [sflag:s22] =	dma.local [hbm:s4], s20  }
0x9e: {  	_ =	swait.ge [sflag:s22], s20  }
0x9f: {  	s3 =	ssub.s32 $0x0, s20;
	[sflag:s22] =	ssyncset.done $0x0  }
0xa0: {  	[sflag:s22] =	ssyncadd.s32 s3;
	_ =	sdelay $0x1  }
0xa1: {  	s23 =	simm.s32 $0x1B8B  }
0xa2: {  	_ =	swait.ge [sflag:s23], $0x1  }
0xa3: {  	[sflag:s23] =	ssyncset.done $0x0  }
0xa4: {  	s25 =	simm.s32 $0x1B8E;
	s24 =	sld [smem:$0x3FFE];
	[sflag:s23] =	ssyncadd.s32 $0xFFFFFFFF  }
0xa5: {  	s26 =	simm.s32 $execute0_lowered;
	[smem:$0x3FD2] =	sst s25  }
0xa6: {  	s4 =	sshll.u32 s26, $0x1;
	_ =	strace $0x80000046;
	[dreg:$0x1] =	wrdreg $0xFFFFFFFF  }
0xa7: {  	s28 =	simm.s32 $_size_execute0_lowered;
	s2 =	sadd.s32 s2, s4;
	[dreg:$0x0] =	wrdreg $0x0  }
0xa8: {  	s4 =	sshll.u32 s28, $0x1;
	[dreg:$0x2] =	wrdreg s2  }
0xa9: {  	[dreg:$0x3] =	wrdreg s4  }
0xaa: {  	[dreg:$0x4] =	wrdreg $0xC0  }
0xab: {  	_ =	task [dreg:s6], $0x5FFFF  }
0xac: {  	[dreg:$0x1] =	wrdreg $0xFFFFFFFF  }
0xad: {  	[dreg:$0x0] =	wrdreg $0x60  }
0xae: {  	[dreg:$0x2] =	wrdreg s24  }
0xaf: {  	[dreg:$0x3] =	wrdreg $0x9  }
0xb0: {  	_ =	task.clear_ibuf [dreg:s6], $0x4FFFF;
	_ =	strace $0x90000046  }
0xb1: {  	s29 =	simm.s32 $0x9;
	_ =	strace $0x80000048  }
0xb2: {  	_ =	swait.ge [sflag:s29], $0x1  }
0xb3: {  	[sflag:s29] =	ssyncadd.s32 $0xFFFFFFFF  }
0xb4: {  	_ =	strace $0x90000048  }
0xb5: {  	_ =	sfence  }
0xb6: {  	s30 =	sld [smem:$0x0];
	_ =	sdelay $0x2  }
0xb7: {  	s31 =	sshll.u32 s1, $0xD;
	s1 =	sshrl.u32 s1, $0x2  }
0xb8: {  	s3 =	sand.u32 $0x4000, s31;
	s1 =	sadd.s32 s1, s30  }
0xb9: {  	s0 =	sor.u32 s3, s0;
	s1 =	sshll.u32 s1, $0x11  }
0xba: {  	s0 =	sor.u32 s1, s0  }
0xbb: {  	s0 =	sadd.s32 $0x8F2B, s0  }
0xbc: {  	[sflag:s0] =	ssyncadd.remote.s32 $0x1  }
0xbd: {  	_ =	sfence.sel $0xFFFF  }
0xbe: {  	[dreg:$0x0] =	wrdreg $0xFFFFFFFF;
	(pc) =	sbr.abs _section_cstart, $3  }
0xbf: {  	[dreg:$0x1] =	wrdreg $0xFFFFFFFF  }
0xc0: {  	_ =	task.clear_ibuf [dreg:s6], $0x2FFFF;
	_ =	strace $0x9FFFFFFF  }
0xc1: {  	(tm) =	ssettm $0x7FFFFFFF  }
tec
execute0_lowered:
.L_overlay_start_1:
0x0: {  	(tag) =	ssettag $0x1  }
0x1: {  	s7 =	rddreg [dreg:$0x0]  }
0x2: {  	s1 =	srdreg.scid;
	s0 =	rddreg [dreg:$0x1]  }
0x3: {  	_ =	strace $0x80000047;
	s3 =	simm.s32 $0x1;
	s5 =	simm.s32 $0x2  }
0x4: {  	s9 =	simm.s32 $0x3;
	s12 =	simm.s32 $0x0;
	s2 =	sshll.u32 s1, $0x4  }
.Ltmp0:
0x5: {  	s1 =	stileid.u32;
	s4 =	sand.u32 $0x10, s2;
	(pc) =	sbr.rel .LBB2_1-.Ltmp0, $4  }
0x6: {  	s10 =	simm.s32 $0x0;
	[sflag:s3] =	ssyncpa.u1 $0x0;
	s4 =	sor.u32 s1, s4  }
0x7: {  	s6 =	sadd.s32 $0xE000, s7;
	[sflag:s5] =	ssyncpa.u1 $0x0;
	s4 =	smul.u32 $0x60, s4  }
0x8: {  	s2 =	sadd.s32 $0x1E00, s7;
	s7 =	sadd.s32 $0xE200, s7;
	[sflag:s9] =	ssyncpa.u1 $0x0  }
0x9: {  	vm0 =	vmmov $0xff;
	vm1 =	vcmask $0x3F20;
	s9 =	simm.s32 $0x60;
	s8 =	sadd.s32 $0x60, s4;
	s11 =	smov.u32 s4  }
.LBB2_10:
0xa: {  	s12 =	sshrl.u32 s11, $0x3  }
0xb: {  	s13 =	sand.u32 $0x7, s11;
	s12 =	sadd.s32 s6, s12  }
0xc: {  	[tilespmem:s9], [sflag:$0x2] =	stream.linear.gather [hbm4b:s12+s13], $0x60, $0x38;
	[tilespmem:$0x60C0] =	vst v63  }
.LBB2_8:
0xd: {  	s12 =	sadd.s32 $0x60, s11  }
0xe: {  	s13 =	smov.u32 s4;
	p0 =	slt.s32 s12, s8  }
0xf: {  	s13 =	smov.u32 @p0 s12  }
0x10: {  	s10 =	sadd.s32 $0x1, s10;
	s12 =	smov.u32 s11;
	s11 =	smov.u32 s13  }
.LBB2_1:
0x11: {  	p0 =	seq.s32 s10, $0x0  }
.Ltmp1:
0x12: {  	_ = 	snop;
	(pc) =	sbr.rel @p0 .LBB2_10-.Ltmp1, $1  }
0x13: {  	_ =	sdelay $0x3  }
0x14: {  	p0 =	seq.s32 s10, $0x1  }
.Ltmp2:
0x15: {  	_ = 	snop;
	(pc) =	sbr.rel @!p0 .LBB2_9-.Ltmp2, $1  }
0x16: {  	_ =	sdelay $0x3  }
0x17: {  	_ =	swait.ge [sflag:s5], $0x60  }
0x18: {  	[sflag:s5] =	ssyncset.done $0x0  }
0x19: {  	s13 =	simm.s32 $0x0;
	[sflag:s5] =	ssyncadd.s32 $0xFFFFFFA0  }
0x1a: {  	v0 =	vld.msk [tilespmem:s13+$0x60 ss:$0x1], $0xffff;
	_ =	sdelay $0x4  }
0x1b: {  	v1 =	vand.u32 $0x3, v0;
	v2 =	vshll.u32 v0, $0x5  }
0x1c: {  	vm2 =	veq.s32 v0, $0x80000000;
	v0 =	vmul.u32 $0x18000, v1;
	v1 =	vand.u32 $0x1FF80, v2  }
0x1d: {  	v1 =	vsel vm2, $0xFFFFFF80, v1  }
0x1e: {  	v0 =	vsel vm2, $0xFFFE8000, v0;
	v2 =	vand.u32 $0xFFFFFC00, v1  }
0x1f: {  	v1 =	vand.u32 $0x380, v1;
	v0 =	vadd.s32 v0, v2  }
0x20: {  	v0 =	vor.u32 v1, v0  }
0x21: {  	v0 =	vshrl.u32 v0, $0x3;
	_ =	sdelay $0x3  }
0x22: {  	s13 =	simm.s32 $0x30C0  }
0x23: {  	[tilespmem:s13], [sflag:$0x1] =	stream.indirect_vreg.gather [hbm:s2], $0x80, v0, vm0, $0x38;
	[tilespmem:$0x60C0] =	vst v63  }
0x24: {  	s14 =	simm.s32 $0x34C0;
	s31 =	simm.s32 $0x10  }
0x25: {  	[tilespmem:s14], [sflag:$0x1] =	stream.indirect_vreg.gather [hbm:s2], $0x80, v0, vm1, $0x38;
	[tilespmem:$0x60C0] =	vst v63  }
0x26: {  	s14 =	simm.s32 $0x80;
	v0 =	vld.msk [tilespmem:s31+$0x60 ss:$0x1], $0xffff  }
.LBB2_4:
0x27: {  	p0 =	sne.s32 s14, $0x140;
	_ =	sdelay $0x4  }
0x28: {  	v1 =	vand.u32 $0x3, v0;
	v2 =	vshll.u32 v0, $0x5  }
0x29: {  	vm2 =	veq.s32 v0, $0x80000000;
	v0 =	vmul.u32 $0x18000, v1;
	v1 =	vand.u32 $0x1FF80, v2  }
0x2a: {  	v1 =	vsel vm2, $0xFFFFFF80, v1  }
0x2b: {  	v0 =	vsel vm2, $0xFFFE8000, v0;
	v2 =	vand.u32 $0xFFFFFC00, v1  }
0x2c: {  	v1 =	vand.u32 $0x380, v1;
	v0 =	vadd.s32 v0, v2  }
0x2d: {  	v0 =	vor.u32 v1, v0  }
0x2e: {  	v0 =	vshrl.u32 v0, $0x3;
	_ =	sdelay $0x3  }
.Ltmp3:
0x2f: {  	s13 =	sadd.s32 $0x800, s13;
	(pc) =	sbr.rel @p0 .LBB2_4-.Ltmp3, $4  }
0x30: {  	[tilespmem:s13], [sflag:$0x1] =	stream.indirect_vreg.gather [hbm:s2], $0x80, v0, vm0, $0x38;
	[tilespmem:$0x60C0] =	vst v63  }
0x31: {  	s15 =	sshra.s32 s14, $0x2;
	s16 =	sadd.s32 $0x400, s13  }
0x32: {  	[tilespmem:s16], [sflag:$0x1] =	stream.indirect_vreg.gather [hbm:s2], $0x80, v0, vm1, $0x38;
	[tilespmem:$0x60C0] =	vst v63  }
0x33: {  	s14 =	sadd.s32 $0x40, s14;
	v0 =	vld.msk [tilespmem:s15+$0x60 ss:$0x1], $0xffff  }
0x34: {  	_ =	sdelay $0x3  }
0x35: {  	v1 =	vand.u32 $0x3, v0;
	v2 =	vshll.u32 v0, $0x5  }
0x36: {  	vm2 =	veq.s32 v0, $0x80000000;
	v61 =	vmul.u32 $0x18000, v1;
	v62 =	vand.u32 $0x1FF80, v2  }
0x37: {  	v1 =	vsel vm2, $0xFFFFFF80, v62  }
0x38: {  	v0 =	vsel vm2, $0xFFFE8000, v61;
	v63 =	vand.u32 $0xFFFFFC00, v1  }
0x39: {  	v1 =	vand.u32 $0x380, v1;
	v0 =	vadd.s32 v0, v63  }
0x3a: {  	v0 =	vor.u32 v1, v0  }
0x3b: {  	v0 =	vshrl.u32 v0, $0x3;
	_ =	sdelay $0x3  }
0x3c: {  	s13 =	sadd.s32 $0x800, s13  }
0x3d: {  	[tilespmem:s13], [sflag:$0x1] =	stream.indirect_vreg.gather [hbm:s2], $0x80, v0, vm0, $0x38;
	[tilespmem:$0x60C0] =	vst v63  }
0x3e: {  	s13 =	sadd.s32 $0x400, s13  }
0x3f: {  	[tilespmem:s13], [sflag:$0x1] =	stream.indirect_vreg.gather [hbm:s2], $0x80, v0, vm1, $0x38;
	[tilespmem:$0x60C0] =	vst v63  }
0x40: {  	s12 =	sshll.u32 s12, $0x4;
	s14 =	simm.s32 $0x80;
	_ =	swait.ge [sflag:s3], $0x3000  }
0x41: {  	s15 =	simm.s32 $0x34C0;
	s12 =	sadd.s32 s12, s7;
	[sflag:s3] =	ssyncset.done $0x0  }
0x42: {  	s16 =	sadd.s32 $0x0, s12;
	s13 =	simm.s32 $0x30C0;
	[sflag:s3] =	ssyncadd.s32 $0xFFFFD000  }
.LBB2_6:
0x43: {  	[hbm:s16] =	stream.linear.scatter [tilespmem:s13], [sflag:$0x3], $0x400, $0x38;
	[tilespmem:$0x60C0] =	vst v63  }
0x44: {  	s16 =	smov.u32 s14;
	s13 =	smov.u32 s15;
	p0 =	seq.s32 s14, $0x580  }
.Ltmp4:
0x45: {  	s14 =	sadd.s32 $0x80, s14;
	(pc) =	sbr.rel @!p0 .LBB2_6-.Ltmp4, $2  }
0x46: {  	_ =	sdelay $0x2  }
0x47: {  	s15 =	sadd.s32 $0x400, s15;
	s16 =	sadd.s32 s16, s12  }
.Ltmp5:
0x48: {  	(pc) =	sbr.rel .LBB2_8-.Ltmp5, $2  }
0x49: {  	_ =	sdelay $0x2  }
0x4a: {  	[hbm:s16] =	stream.linear.scatter [tilespmem:s13], [sflag:$0x3], $0x400, $0x38;
	[tilespmem:$0x60C0] =	vst v63  }
.LBB2_9:
0x4b: {  	s2 =	simm.s32 $0x3  }
0x4c: {  	_ =	swait.ge [sflag:s2], $0x3000  }
0x4d: {  	[sflag:s2] =	ssyncset.done $0x0  }
0x4e: {  	[sflag:s2] =	ssyncadd.s32 $0xFFFFD000  }
0x4f: {  	_ =	sfence.sel $0x180000  }
0x50: {  	s3 =	simm.s32 $0x2;
	[bflag:$0x0] =	sbarrier.arrive $0xFFFF  }
0x51: {  	[sflag:s3] =	ssyncpa.u1 $0x1  }
0x52: {  	s31 =	simm.s32 $0x1;
	[sflag:s2] =	ssyncpa.u1 $0x1  }
0x53: {  	[sflag:s31] =	ssyncpa.u1 $0x1  }
0x54: {  	p0 =	sne.s32 s1, $0x0;
	_ =	strace $0x90000047  }
0x55: {  	s0 =	sadd.s32 @!p0 $0x100000, s0;
	[bflag:$0x2] =	sbarrier.arrive $0xFFFF  }
0x56: {  	[sflag:s0] =	ssyncadd.tile.s32 @!p0 $0x1;
	_ =	shalt  }
.Lfunc_end2:
_tile_overlayer_lowered:
.L_overlay_start_2:
0x57: {  	(tag) =	ssettag $0x2  }
0x58: {  	s0 =	rddreg [dreg:$0x0];
	s2 =	stileid.u32  }
0x59: {  	s1 =	rddreg [dreg:$0x1];
	p0 =	sne.s32 s2, $0x0  }
0x5a: {  	s3 =	rddreg [dreg:$0x2];
	[bflag:$0x3] =	sbarrier.arrive $0xFFFF;
	s2 =	simm.s32 @!p0 $0x1C01  }
0x5b: {  	[timem:s3], [sflag:s2] =	dma.local @!p0 [hbm:s0], s1  }
0x5c: {  	s0 =	simm.s32 @!p0 $0x1  }
0x5d: {  	_ =	swait.ge @!p0 [sflag:s0], s1  }
0x5e: {  	s1 =	ssub.s32 @!p0 $0x0, s1;
	[sflag:s0] =	ssyncset.done @!p0 $0x0  }
0x5f: {  	[sflag:s0] =	ssyncadd.s32 @!p0 s1  }
0x60: {  	[bflag:$0x3] =	sbarrier.arrive $0xFFFF  }
0x61: {  	_ =	shalt  }

// kernel: gather_offload_async_start.7
scs
__scs_entry_jumppad:
0x0: {  	(pc) =	sbr.rel $0x88, $3  }
0x1: {  	(tag) =	ssettag $0x0;
	lr =	simm.s32 $0x1  }
0x2: {  	[smem:$0x3F97] =	sst lr;
	_ =	strace $0xD0000000  }
0x3: {  	_ = 	snop  }
0x4: {  	_ = 	snop  }
0x5: {  	_ = 	snop  }
0x6: {  	_ = 	snop  }
0x7: {  	_ = 	snop  }
__scs_overlays_trampoline_lowered:
0x8: {  	[smem:$0x3FA6] =	sst s0  }
0x9: {  	[smem:$0x3FA7] =	sst s1  }
0xa: {  	[smem:$0x3FA8] =	sst s2  }
0xb: {  	[smem:$0x3FA9] =	sst s3  }
0xc: {  	[smem:$0x3FAA] =	sst s4  }
0xd: {  	[smem:$0x3FAB] =	sst s5  }
0xe: {  	[smem:$0x3FAC] =	sst s6  }
0xf: {  	[smem:$0x3FAD] =	sst s7  }
0x10: {  	[smem:$0x3FAE] =	sst s8  }
0x11: {  	[smem:$0x3FAF] =	sst s9;
	s0 =	simm.s32 @!p0 $0x0  }
0x12: {  	s1 =	sld [smem:$0x3F95];
	s0 =	simm.s32 @p0 $0x1  }
0x13: {  	[smem:$0x3FB0] =	sst s0;
	s0 =	simm.s32 @!p1 $0x0  }
0x14: {  	s2 =	sld [smem:$0x3F94];
	s0 =	simm.s32 @p1 $0x1  }
0x15: {  	[smem:$0x3FB1] =	sst s0;
	s0 =	simm.s32 @!p2 $0x0  }
0x16: {  	s3 =	sld [smem:$0x3FDB];
	s0 =	simm.s32 @p2 $0x1  }
0x17: {  	s4 =	simm.s32 $0x1BF5;
	[smem:$0x3FB3] =	sst s0  }
0x18: {  	s0 =	sld [smem:$0x3F96];
	_ =	swait.ge [sflag:s4], $0x0  }
0x19: {  	s7 =	sld [smem:$0x3F97]  }
0x1a: {  	s8 =	sadd.s32 $0xFFFFE003, lr  }
0x1b: {  	s9 =	sadd.s32 $0xFFFFFEF7, lr;
	s5 =	simm.s32 $0xFFFFFFFF;
	p2 =	slt.u32 s8, $0xFFFFF086  }
0x1c: {  	p1 =	slt.u32 s9, $0xF7A;
	s5 =	simm.s32 @!p2 $0x0  }
0x1d: {  	s5 =	simm.s32 @p1 $0x1;
	p0 =	seq.s32 s7, s2  }
0x1e: {  	s7 =	smul.u32 @!p0 $0xF7A, s2;
	p2 =	seq.s32 @!p0 s5, $0x0  }
0x1f: {  	s9 =	smul.u32 $0xF7A, s1;
	s8 =	simm.s32 @!p0 $0x1BF5;
	p2 =	por !p2, p0  }
0x20: {  	[sflag:s8] =	ssyncset.s32 @!p0 $0xFFFFF086;
	s6 =	sadd.s32 @!p0 s3, s7;
	s7 =	simm.s32 @!p0 $0x108  }
0x21: {  	s3 =	sadd.s32 s3, s9;
	s6 =	sadd.s32 @!p0 $0x88, s6;
	s7 =	simm.s32 @p2 $0x1082  }
0x22: {  	[simem:s7], [sflag:s8] =	dma.local @!p0 [hbm:s6], $0xF7A  }
0x23: {  	s9 =	sor.u32 $0xD0000000, s2;
	s6 =	simm.s32 $0x108;
	_ =	swait.ge @!p0 [sflag:s8], $0x0  }
0x24: {  	s3 =	sadd.s32 $0x88, s3;
	s6 =	simm.s32 @!p1 $0x1082;
	[sflag:s4] =	ssyncset.s32 $0xFFFFF086  }
0x25: {  	[simem:s6], [sflag:s4] =	dma.local [hbm:s3], $0xF7A  }
0x26: {  	[smem:$0x3F97] =	sst s1;
	(tag) =	ssettag s2;
	_ =	strace s9  }
0x27: {  	s1 =	sld [smem:$0x3FA7]  }
0x28: {  	s2 =	sld [smem:$0x3FA8]  }
0x29: {  	s4 =	sld [smem:$0x3FAA]  }
0x2a: {  	p0 =	seq.s32 s5, $0x0;
	s5 =	sld [smem:$0x3FAB]  }
0x2b: {  	s6 =	sld [smem:$0x3FAC]  }
0x2c: {  	s7 =	sld [smem:$0x3FAD]  }
0x2d: {  	s3 =	simm.s32 $0x108;
	s8 =	sld [smem:$0x3FAE]  }
0x2e: {  	s3 =	simm.s32 @!p0 $0x1082;
	s9 =	sld [smem:$0x3FAF]  }
0x2f: {  	lr =	sadd.s32 s0, s3;
	s0 =	sld [smem:$0x3FA6]  }
0x30: {  	s3 =	sld [smem:$0x3FA9]  }
0x31: {  	[smem:$0x3FB2] =	sst s10  }
0x32: {  	s10 =	sld [smem:$0x3FB0];
	_ =	sdelay $0x3  }
0x33: {  	p0 =	seq.s32 s10, $0x1;
	s10 =	sld [smem:$0x3FB2];
	_ =	sdelay $0x3  }
0x34: {  	[smem:$0x3FB2] =	sst s10  }
0x35: {  	s10 =	sld [smem:$0x3FB1];
	_ =	sdelay $0x3  }
0x36: {  	p1 =	seq.s32 s10, $0x1;
	s10 =	sld [smem:$0x3FB2];
	_ =	sdelay $0x3  }
0x37: {  	[smem:$0x3FB2] =	sst s10  }
0x38: {  	s10 =	sld [smem:$0x3FB3]  }
0x39: {  	_ = 	snop;
	(pc) =	sbr.ind lr, $3  }
0x3a: {  	_ = 	snop  }
0x3b: {  	_ = 	snop  }
0x3c: {  	p2 =	seq.s32 s10, $0x1;
	s10 =	sld [smem:$0x3FB2]  }
0x3d: {  	_ =	shalt  }
0x3e: {  	_ =	shalt  }
0x3f: {  	_ =	shalt  }
0x40: {  	_ =	shalt  }
0x41: {  	_ =	shalt  }
0x42: {  	_ =	shalt  }
0x43: {  	_ =	shalt  }
0x44: {  	_ =	shalt  }
0x45: {  	_ =	shalt  }
0x46: {  	_ =	shalt  }
0x47: {  	_ =	shalt  }
0x48: {  	_ =	shalt  }
0x49: {  	_ =	shalt  }
0x4a: {  	_ =	shalt  }
0x4b: {  	_ =	shalt  }
0x4c: {  	_ =	shalt  }
0x4d: {  	_ =	shalt  }
0x4e: {  	_ =	shalt  }
0x4f: {  	_ =	shalt  }
0x50: {  	_ =	shalt  }
0x51: {  	_ =	shalt  }
0x52: {  	_ =	shalt  }
0x53: {  	_ =	shalt  }
0x54: {  	_ =	shalt  }
0x55: {  	_ =	shalt  }
0x56: {  	_ =	shalt  }
0x57: {  	_ =	shalt  }
0x58: {  	_ =	shalt  }
0x59: {  	_ =	shalt  }
0x5a: {  	_ =	shalt  }
0x5b: {  	_ =	shalt  }
0x5c: {  	_ =	shalt  }
0x5d: {  	_ =	shalt  }
0x5e: {  	_ =	shalt  }
0x5f: {  	_ =	shalt  }
0x60: {  	_ =	shalt  }
0x61: {  	_ =	shalt  }
0x62: {  	_ =	shalt  }
0x63: {  	_ =	shalt  }
0x64: {  	_ =	shalt  }
0x65: {  	_ =	shalt  }
0x66: {  	_ =	shalt  }
0x67: {  	_ =	shalt  }
0x68: {  	_ =	shalt  }
0x69: {  	_ =	shalt  }
0x6a: {  	_ =	shalt  }
0x6b: {  	_ =	shalt  }
0x6c: {  	_ =	shalt  }
0x6d: {  	_ =	shalt  }
0x6e: {  	_ =	shalt  }
0x6f: {  	_ =	shalt  }
0x70: {  	_ =	shalt  }
0x71: {  	_ =	shalt  }
0x72: {  	_ =	shalt  }
0x73: {  	_ =	shalt  }
0x74: {  	_ =	shalt  }
0x75: {  	_ =	shalt  }
0x76: {  	_ =	shalt  }
0x77: {  	_ =	shalt  }
0x78: {  	_ =	shalt  }
0x79: {  	_ =	shalt  }
0x7a: {  	_ =	shalt  }
0x7b: {  	_ =	shalt  }
0x7c: {  	_ =	shalt  }
0x7d: {  	_ =	shalt  }
0x7e: {  	_ =	shalt  }
0x7f: {  	_ =	shalt  }
0x80: {  	_ =	shalt  }
0x81: {  	_ =	shalt  }
0x82: {  	_ =	shalt  }
0x83: {  	_ =	shalt  }
0x84: {  	_ =	shalt  }
0x85: {  	_ =	shalt  }
0x86: {  	_ =	shalt  }
0x87: {  	_ =	shalt  }
.Lfunc_end0:
.L_simem_size_0:
called_computation.7_lowered:
.L_overlay_start_0:
0x88: {  	s2 =	sld [smem:$0x3FD9]  }
0x89: {  	s3 =	sld [smem:$0x3FFE];
	_ =	sdelay $0x1  }
0x8a: {  	s1 =	srdreg.scid  }
0x8b: {  	s0 =	sand.u32 $0x1, s1  }
0x8c: {  	s16 =	sshll.u32 s0, $0xA;
	s2 =	sadd.s32 s3, s2  }
0x8d: {  	s2 =	sadd.s32 s2, s16  }
0x8e: {  	[smem:$0x3FBE] =	sst s2  }
0x8f: {  	_ = 	snop  }
0x90: {  	(tm) =	ssettm $0x1  }
0x91: {  	s17 =	sld [smem:$0x3FFB];
	_ =	sdelay $0x3  }
0x92: {  	_ =	strace s17  }
0x93: {  	s2 =	sld [smem:$0x3FFC];
	_ =	sdelay $0x3  }
0x94: {  	_ =	strace s2  }
0x95: {  	s2 =	sld [smem:$0x3FFD];
	_ =	sdelay $0x3  }
0x96: {  	_ =	strace s2  }
0x97: {  	_ =	strace $0x8FFFFFFF  }
0x98: {  	s18 =	sld [smem:$0x3FDB];
	_ =	sdelay $0x1  }
0x99: {  	s19 =	simm.s32 $_scs_section_size  }
0x9a: {  	s4 =	simm.s32 $_size__tile_overlayer_lowered;
	s5 =	simm.s32 $_tile_overlayer_lowered  }
0x9b: {  	s22 =	simm.s32 $0x1BFF;
	s21 =	sshll.u32 s5, $0x1;
	s2 =	sadd.s32 s19, s18  }
0x9c: {  	s6 =	simm.s32 $0x0;
	s20 =	sshll.u32 s4, $0x1;
	s4 =	sadd.s32 s21, s2  }
0x9d: {  	[timem:s6], [sflag:s22] =	dma.local [hbm:s4], s20  }
0x9e: {  	_ =	swait.ge [sflag:s22], s20  }
0x9f: {  	s3 =	ssub.s32 $0x0, s20;
	[sflag:s22] =	ssyncset.done $0x0  }
0xa0: {  	[sflag:s22] =	ssyncadd.s32 s3;
	_ =	sdelay $0x1  }
0xa1: {  	s23 =	simm.s32 $0x1B8B  }
0xa2: {  	_ =	swait.ge [sflag:s23], $0x1  }
0xa3: {  	[sflag:s23] =	ssyncset.done $0x0  }
0xa4: {  	s25 =	simm.s32 $0x1B8E;
	s24 =	sld [smem:$0x3FFE];
	[sflag:s23] =	ssyncadd.s32 $0xFFFFFFFF  }
0xa5: {  	s26 =	simm.s32 $execute0_lowered;
	[smem:$0x3FD2] =	sst s25  }
0xa6: {  	s4 =	sshll.u32 s26, $0x1;
	_ =	strace $0x8000005B;
	[dreg:$0x1] =	wrdreg $0xFFFFFFFF  }
0xa7: {  	s28 =	simm.s32 $_size_execute0_lowered;
	s2 =	sadd.s32 s2, s4;
	[dreg:$0x0] =	wrdreg $0x0  }
0xa8: {  	s4 =	sshll.u32 s28, $0x1;
	[dreg:$0x2] =	wrdreg s2  }
0xa9: {  	[dreg:$0x3] =	wrdreg s4  }
0xaa: {  	[dreg:$0x4] =	wrdreg $0xC0  }
0xab: {  	_ =	task [dreg:s6], $0x5FFFF  }
0xac: {  	[dreg:$0x1] =	wrdreg $0xFFFFFFFF  }
0xad: {  	[dreg:$0x0] =	wrdreg $0x60  }
0xae: {  	[dreg:$0x2] =	wrdreg s24  }
0xaf: {  	[dreg:$0x3] =	wrdreg $0x9  }
0xb0: {  	_ =	task.clear_ibuf [dreg:s6], $0x4FFFF;
	_ =	strace $0x9000005B  }
0xb1: {  	s29 =	simm.s32 $0x9;
	_ =	strace $0x8000005D  }
0xb2: {  	_ =	swait.ge [sflag:s29], $0x1  }
0xb3: {  	[sflag:s29] =	ssyncadd.s32 $0xFFFFFFFF  }
0xb4: {  	_ =	strace $0x9000005D  }
0xb5: {  	_ =	sfence  }
0xb6: {  	s30 =	sld [smem:$0x0];
	_ =	sdelay $0x2  }
0xb7: {  	s31 =	sshll.u32 s1, $0xD;
	s1 =	sshrl.u32 s1, $0x2  }
0xb8: {  	s3 =	sand.u32 $0x4000, s31;
	s1 =	sadd.s32 s1, s30  }
0xb9: {  	s0 =	sor.u32 s3, s0;
	s1 =	sshll.u32 s1, $0x11  }
0xba: {  	s0 =	sor.u32 s1, s0  }
0xbb: {  	s0 =	sadd.s32 $0x8F2B, s0  }
0xbc: {  	[sflag:s0] =	ssyncadd.remote.s32 $0x1  }
0xbd: {  	_ =	sfence.sel $0xFFFF  }
0xbe: {  	[dreg:$0x0] =	wrdreg $0xFFFFFFFF;
	(pc) =	sbr.abs _section_cstart, $3  }
0xbf: {  	[dreg:$0x1] =	wrdreg $0xFFFFFFFF  }
0xc0: {  	_ =	task.clear_ibuf [dreg:s6], $0x2FFFF;
	_ =	strace $0x9FFFFFFF  }
0xc1: {  	(tm) =	ssettm $0x7FFFFFFF  }
tec
execute0_lowered:
.L_overlay_start_1:
0x0: {  	(tag) =	ssettag $0x1  }
0x1: {  	s0 =	srdreg.scid  }
0x2: {  	s1 =	sshll.u32 s0, $0x4  }
0x3: {  	s0 =	stileid.u32;
	s1 =	sand.u32 $0x10, s1  }
0x4: {  	s1 =	sor.u32 s0, s1  }
0x5: {  	s2 =	smin.u32 s1, $0x12  }
0x6: {  	s2 =	sadd.s32 s1, s2  }
0x7: {  	p0 =	slt.u32 s1, $0x12;
	s1 =	simm.s32 $0xA0;
	s2 =	smul.u32 $0x50, s2  }
0x8: {  	s1 =	simm.s32 @!p0 $0x50  }
0x9: {  	s1 =	sadd.s32 s1, s2  }
0xa: {  	s3 =	smin.u32 s1, $0xFA0  }
0xb: {  	s7 =	ssub.s32 s3, s2  }
0xc: {  	p0 =	sgt.s32 s7, $0x0  }
0xd: {  	s7 =	simm.s32 @!p0 $0x0  }
0xe: {  	s31 =	smul.u32 $0xCCCD, s7  }
0xf: {  	s9 =	rddreg [dreg:$0x0];
	s6 =	simm.s32 $0x1;
	s11 =	simm.s32 $0x3  }
0x10: {  	s13 =	simm.s32 $0x0;
	s12 =	simm.s32 $0x0;
	s8 =	sshrl.u32 s31, $0x16  }
0x11: {  	s4 =	sadd.s32 $0x1C600, s9;
	s5 =	sadd.s32 $0x600, s9;
	s10 =	smul.u32 $0x50, s8  }
.Ltmp0:
0x12: {  	s9 =	sadd.s32 $0x3BA00, s9;
	s1 =	rddreg [dreg:$0x1];
	(pc) =	sbr.rel .LBB2_1-.Ltmp0, $4  }
0x13: {  	_ =	strace $0x8000005C;
	p0 =	sne.s32 s7, s10;
	s10 =	simm.s32 $0x1  }
0x14: {  	[sflag:s6] =	ssyncpa.u1 $0x0;
	s7 =	simm.s32 $0x2;
	s10 =	simm.s32 @!p0 $0x0  }
0x15: {  	[sflag:s7] =	ssyncpa.u1 $0x0;
	p0 =	por $0x0, $0x0;
	s8 =	sadd.s32 s8, s10  }
0x16: {  	vm0 =	vmmov $0xff;
	vm1 =	vcmask $0x3F20;
	[sflag:s11] =	ssyncpa.u1 $0x0;
	s11 =	smov.u32 s2;
	s10 =	sadd.s32 $0x1, s8  }
.LBB2_6:
0x17: {  	[hbm:s17] =	stream.linear.scatter [tilespmem:s14], [sflag:$0x3], $0x400, $0x38;
	[tilespmem:$0x50A0] =	vst v63  }
.LBB2_7:
0x18: {  	s13 =	sadd.s32 $0x50, s11  }
0x19: {  	s15 =	smov.u32 s2;
	p2 =	slt.s32 s13, s3  }
0x1a: {  	s15 =	smov.u32 @p2 s13;
	p2 =	sne.s32 s12, s10  }
.Ltmp1:
0x1b: {  	p1 =	slt.u32 s12, $0x2;
	(pc) =	sbr.rel @!p2 .LBB2_8-.Ltmp1, $4  }
0x1c: {  	s14 =	simm.s32 @!p1 $0x3  }
0x1d: {  	s16 =	sadd.s32 $0x1, s12;
	_ =	swait.ge @!p1 [sflag:s14], $0x2800  }
0x1e: {  	p0 =	por !p0, !p0;
	s13 =	smov.u32 s11;
	[sflag:s14] =	ssyncset.done @!p1 $0x0  }
0x1f: {  	s12 =	smov.u32 s16;
	s11 =	smov.u32 s15;
	[sflag:s14] =	ssyncadd.s32 @!p1 $0xFFFFD800  }
.LBB2_1:
0x20: {  	p1 =	sge.u32 s12, s8  }
0x21: {  	s14 =	sxor.u32 @!p1 $0xFFFFFFFF, s12  }
0x22: {  	s14 =	sand.u32 @!p1 $0x1, s14  }
0x23: {  	s14 =	smul.u32 @!p1 $0x140, s14  }
0x24: {  	s31 =	sadd.s32 $0xFFFFFFFF, s12;
	s15 =	sshrl.u32 @!p1 s11, $0x3  }
0x25: {  	s16 =	sand.u32 @!p1 $0x7, s11;
	s15 =	sadd.s32 @!p1 s5, s15;
	s14 =	sshrl.u32 @!p1 s14, $0x2  }
0x26: {  	[tilespmem:s14], [sflag:$0x2] =	stream.linear.gather @!p1 [hbm4b:s15+s16], $0x50, $0x38;
	[tilespmem:$0x50A0] =	vst v63  }
0x27: {  	p1 =	sge.u32 s31, s8  }
.Ltmp2:
0x28: {  	_ = 	snop;
	(pc) =	sbr.rel @p1 .LBB2_7-.Ltmp2, $1  }
0x29: {  	_ =	sdelay $0x3  }
0x2a: {  	s14 =	simm.s32 $0x1  }
0x2b: {  	s14 =	simm.s32 @!p0 $0x0  }
0x2c: {  	s15 =	smul.u32 $0x140, s14  }
0x2d: {  	_ =	swait.ge [sflag:s7], $0x50  }
0x2e: {  	[sflag:s7] =	ssyncset.done $0x0;
	s16 =	sshrl.u32 s15, $0x2  }
0x2f: {  	[sflag:s7] =	ssyncadd.s32 $0xFFFFFFB0;
	s15 =	sadd.s32 $0x0, s16  }
0x30: {  	v0 =	vld.msk [tilespmem:s15+$0x0 ss:$0x1], $0xffff;
	_ =	sdelay $0x4  }
0x31: {  	v1 =	vand.u32 $0x3, v0;
	v2 =	vshll.u32 v0, $0x5  }
0x32: {  	vm2 =	veq.s32 v0, $0x80000000;
	v0 =	vmul.u32 $0x1F400, v1;
	v1 =	vand.u32 $0x1FF80, v2  }
0x33: {  	v1 =	vsel vm2, $0xFFFFFF80, v1  }
0x34: {  	v0 =	vsel vm2, $0xFFFE0C00, v0;
	v2 =	vand.u32 $0xFFFFFC00, v1  }
0x35: {  	v1 =	vand.u32 $0x380, v1;
	v0 =	vadd.s32 v0, v2  }
0x36: {  	v0 =	vor.u32 v1, v0  }
0x37: {  	v0 =	vshrl.u32 v0, $0x3  }
0x38: {  	s14 =	smul.u32 $0xA000, s14;
	_ =	sdelay $0x1  }
0x39: {  	s14 =	sshrl.u32 s14, $0x2  }
0x3a: {  	s14 =	sor.u32 $0xA0, s14  }
0x3b: {  	[tilespmem:s14], [sflag:$0x1] =	stream.indirect_vreg.gather [hbm:s4], $0x80, v0, vm0, $0x38;
	[tilespmem:$0x50A0] =	vst v63  }
0x3c: {  	s17 =	sadd.s32 $0x10, s16;
	s15 =	sadd.s32 $0x400, s14  }
0x3d: {  	[tilespmem:s15], [sflag:$0x1] =	stream.indirect_vreg.gather [hbm:s4], $0x80, v0, vm1, $0x38;
	[tilespmem:$0x50A0] =	vst v63  }
0x3e: {  	s18 =	simm.s32 $0x80;
	v0 =	vld.msk [tilespmem:s17+$0x0 ss:$0x1], $0xffff;
	s17 =	smov.u32 s14  }
.LBB2_3:
0x3f: {  	p1 =	sne.s32 s18, $0x100;
	_ =	sdelay $0x4  }
0x40: {  	v1 =	vand.u32 $0x3, v0;
	v2 =	vshll.u32 v0, $0x5  }
0x41: {  	vm2 =	veq.s32 v0, $0x80000000;
	v0 =	vmul.u32 $0x1F400, v1;
	v1 =	vand.u32 $0x1FF80, v2  }
0x42: {  	v1 =	vsel vm2, $0xFFFFFF80, v1  }
0x43: {  	v0 =	vsel vm2, $0xFFFE0C00, v0;
	v2 =	vand.u32 $0xFFFFFC00, v1  }
0x44: {  	v1 =	vand.u32 $0x380, v1;
	v0 =	vadd.s32 v0, v2  }
0x45: {  	v0 =	vor.u32 v1, v0  }
0x46: {  	v0 =	vshrl.u32 v0, $0x3;
	_ =	sdelay $0x3  }
.Ltmp3:
0x47: {  	s19 =	sshra.s32 s18, $0x2;
	s17 =	sadd.s32 $0x800, s17;
	(pc) =	sbr.rel @p1 .LBB2_3-.Ltmp3, $4  }
0x48: {  	[tilespmem:s17], [sflag:$0x1] =	stream.indirect_vreg.gather [hbm:s4], $0x80, v0, vm0, $0x38;
	[tilespmem:$0x50A0] =	vst v63  }
0x49: {  	s19 =	sadd.s32 s19, s16;
	s20 =	sadd.s32 $0x400, s17  }
0x4a: {  	[tilespmem:s20], [sflag:$0x1] =	stream.indirect_vreg.gather [hbm:s4], $0x80, v0, vm1, $0x38;
	[tilespmem:$0x50A0] =	vst v63  }
0x4b: {  	s18 =	sadd.s32 $0x40, s18;
	v0 =	vld.msk [tilespmem:s19+$0x0 ss:$0x1], $0xffff  }
0x4c: {  	_ =	sdelay $0x3  }
0x4d: {  	v1 =	vand.u32 $0x3, v0;
	v2 =	vshll.u32 v0, $0x5  }
0x4e: {  	vm2 =	veq.s32 v0, $0x80000000;
	v61 =	vmul.u32 $0x1F400, v1;
	v62 =	vand.u32 $0x1FF80, v2  }
0x4f: {  	v1 =	vsel vm2, $0xFFFFFF80, v62  }
0x50: {  	v0 =	vsel vm2, $0xFFFE0C00, v61;
	v63 =	vand.u32 $0xFFFFFC00, v1  }
0x51: {  	v1 =	vand.u32 $0x380, v1;
	v0 =	vadd.s32 v0, v63  }
0x52: {  	v0 =	vor.u32 v1, v0  }
0x53: {  	v0 =	vshrl.u32 v0, $0x3;
	_ =	sdelay $0x3  }
0x54: {  	s16 =	sadd.s32 $0x800, s17  }
0x55: {  	[tilespmem:s16], [sflag:$0x1] =	stream.indirect_vreg.gather [hbm:s4], $0x80, v0, vm0, $0x38;
	[tilespmem:$0x50A0] =	vst v63  }
0x56: {  	s16 =	sadd.s32 $0x400, s16  }
0x57: {  	[tilespmem:s16], [sflag:$0x1] =	stream.indirect_vreg.gather [hbm:s4], $0x80, v0, vm1, $0x38;
	[tilespmem:$0x50A0] =	vst v63  }
0x58: {  	s13 =	sshll.u32 s13, $0x4;
	_ =	swait.ge [sflag:s6], $0x2800  }
0x59: {  	s13 =	sadd.s32 s13, s9;
	[sflag:s6] =	ssyncset.done $0x0  }
0x5a: {  	s17 =	sadd.s32 $0x0, s13;
	s16 =	simm.s32 $0x80;
	[sflag:s6] =	ssyncadd.s32 $0xFFFFD800  }
.LBB2_5:
0x5b: {  	[hbm:s17] =	stream.linear.scatter [tilespmem:s14], [sflag:$0x3], $0x400, $0x38;
	[tilespmem:$0x50A0] =	vst v63  }
0x5c: {  	s17 =	smov.u32 s16;
	s14 =	smov.u32 s15;
	p1 =	sne.s32 s16, $0x480  }
.Ltmp4:
0x5d: {  	s16 =	sadd.s32 $0x80, s16;
	(pc) =	sbr.rel @p1 .LBB2_5-.Ltmp4, $2  }
0x5e: {  	_ =	sdelay $0x2  }
0x5f: {  	s15 =	sadd.s32 $0x400, s15;
	s17 =	sadd.s32 s17, s13  }
.Ltmp5:
0x60: {  	_ = 	snop;
	(pc) =	sbr.rel .LBB2_6-.Ltmp5, $1  }
0x61: {  	_ =	sdelay $0x3  }
.LBB2_8:
0x62: {  	_ =	sfence.sel $0x180000  }
0x63: {  	s2 =	simm.s32 $0x2;
	[bflag:$0x0] =	sbarrier.arrive $0xFFFF  }
0x64: {  	s30 =	simm.s32 $0x3;
	[sflag:s2] =	ssyncpa.u1 $0x1  }
0x65: {  	s31 =	simm.s32 $0x1;
	[sflag:s30] =	ssyncpa.u1 $0x1  }
0x66: {  	[sflag:s31] =	ssyncpa.u1 $0x1  }
0x67: {  	p0 =	sne.s32 s0, $0x0;
	_ =	strace $0x9000005C  }
0x68: {  	s0 =	sadd.s32 @!p0 $0x100000, s1;
	[bflag:$0x2] =	sbarrier.arrive $0xFFFF  }
0x69: {  	[sflag:s0] =	ssyncadd.tile.s32 @!p0 $0x1;
	_ =	shalt  }
.Lfunc_end2:
_tile_overlayer_lowered:
.L_overlay_start_2:
0x6a: {  	(tag) =	ssettag $0x2  }
0x6b: {  	s0 =	rddreg [dreg:$0x0];
	s2 =	stileid.u32  }
0x6c: {  	s1 =	rddreg [dreg:$0x1];
	p0 =	sne.s32 s2, $0x0  }
0x6d: {  	s3 =	rddreg [dreg:$0x2];
	[bflag:$0x3] =	sbarrier.arrive $0xFFFF;
	s2 =	simm.s32 @!p0 $0x1C01  }
0x6e: {  	[timem:s3], [sflag:s2] =	dma.local @!p0 [hbm:s0], s1  }
0x6f: {  	s0 =	simm.s32 @!p0 $0x1  }
0x70: {  	_ =	swait.ge @!p0 [sflag:s0], s1  }
0x71: {  	s1 =	ssub.s32 @!p0 $0x0, s1;
	[sflag:s0] =	ssyncset.done @!p0 $0x0  }
0x72: {  	[sflag:s0] =	ssyncadd.s32 @!p0 s1  }
0x73: {  	[bflag:$0x3] =	sbarrier.arrive $0xFFFF  }
0x74: {  	_ =	shalt  }

// kernel: gather_offload_async_start.8
scs
__scs_entry_jumppad:
0x0: {  	(pc) =	sbr.rel $0x88, $3  }
0x1: {  	(tag) =	ssettag $0x0;
	lr =	simm.s32 $0x1  }
0x2: {  	[smem:$0x3F97] =	sst lr;
	_ =	strace $0xD0000000  }
0x3: {  	_ = 	snop  }
0x4: {  	_ = 	snop  }
0x5: {  	_ = 	snop  }
0x6: {  	_ = 	snop  }
0x7: {  	_ = 	snop  }
__scs_overlays_trampoline_lowered:
0x8: {  	[smem:$0x3FA6] =	sst s0  }
0x9: {  	[smem:$0x3FA7] =	sst s1  }
0xa: {  	[smem:$0x3FA8] =	sst s2  }
0xb: {  	[smem:$0x3FA9] =	sst s3  }
0xc: {  	[smem:$0x3FAA] =	sst s4  }
0xd: {  	[smem:$0x3FAB] =	sst s5  }
0xe: {  	[smem:$0x3FAC] =	sst s6  }
0xf: {  	[smem:$0x3FAD] =	sst s7  }
0x10: {  	[smem:$0x3FAE] =	sst s8  }
0x11: {  	[smem:$0x3FAF] =	sst s9;
	s0 =	simm.s32 @!p0 $0x0  }
0x12: {  	s1 =	sld [smem:$0x3F95];
	s0 =	simm.s32 @p0 $0x1  }
0x13: {  	[smem:$0x3FB0] =	sst s0;
	s0 =	simm.s32 @!p1 $0x0  }
0x14: {  	s2 =	sld [smem:$0x3F94];
	s0 =	simm.s32 @p1 $0x1  }
0x15: {  	[smem:$0x3FB1] =	sst s0;
	s0 =	simm.s32 @!p2 $0x0  }
0x16: {  	s3 =	sld [smem:$0x3FDB];
	s0 =	simm.s32 @p2 $0x1  }
0x17: {  	s4 =	simm.s32 $0x1BF5;
	[smem:$0x3FB3] =	sst s0  }
0x18: {  	s0 =	sld [smem:$0x3F96];
	_ =	swait.ge [sflag:s4], $0x0  }
0x19: {  	s7 =	sld [smem:$0x3F97]  }
0x1a: {  	s8 =	sadd.s32 $0xFFFFE003, lr  }
0x1b: {  	s9 =	sadd.s32 $0xFFFFFEF7, lr;
	s5 =	simm.s32 $0xFFFFFFFF;
	p2 =	slt.u32 s8, $0xFFFFF086  }
0x1c: {  	p1 =	slt.u32 s9, $0xF7A;
	s5 =	simm.s32 @!p2 $0x0  }
0x1d: {  	s5 =	simm.s32 @p1 $0x1;
	p0 =	seq.s32 s7, s2  }
0x1e: {  	s7 =	smul.u32 @!p0 $0xF7A, s2;
	p2 =	seq.s32 @!p0 s5, $0x0  }
0x1f: {  	s9 =	smul.u32 $0xF7A, s1;
	s8 =	simm.s32 @!p0 $0x1BF5;
	p2 =	por !p2, p0  }
0x20: {  	[sflag:s8] =	ssyncset.s32 @!p0 $0xFFFFF086;
	s6 =	sadd.s32 @!p0 s3, s7;
	s7 =	simm.s32 @!p0 $0x108  }
0x21: {  	s3 =	sadd.s32 s3, s9;
	s6 =	sadd.s32 @!p0 $0x88, s6;
	s7 =	simm.s32 @p2 $0x1082  }
0x22: {  	[simem:s7], [sflag:s8] =	dma.local @!p0 [hbm:s6], $0xF7A  }
0x23: {  	s9 =	sor.u32 $0xD0000000, s2;
	s6 =	simm.s32 $0x108;
	_ =	swait.ge @!p0 [sflag:s8], $0x0  }
0x24: {  	s3 =	sadd.s32 $0x88, s3;
	s6 =	simm.s32 @!p1 $0x1082;
	[sflag:s4] =	ssyncset.s32 $0xFFFFF086  }
0x25: {  	[simem:s6], [sflag:s4] =	dma.local [hbm:s3], $0xF7A  }
0x26: {  	[smem:$0x3F97] =	sst s1;
	(tag) =	ssettag s2;
	_ =	strace s9  }
0x27: {  	s1 =	sld [smem:$0x3FA7]  }
0x28: {  	s2 =	sld [smem:$0x3FA8]  }
0x29: {  	s4 =	sld [smem:$0x3FAA]  }
0x2a: {  	p0 =	seq.s32 s5, $0x0;
	s5 =	sld [smem:$0x3FAB]  }
0x2b: {  	s6 =	sld [smem:$0x3FAC]  }
0x2c: {  	s7 =	sld [smem:$0x3FAD]  }
0x2d: {  	s3 =	simm.s32 $0x108;
	s8 =	sld [smem:$0x3FAE]  }
0x2e: {  	s3 =	simm.s32 @!p0 $0x1082;
	s9 =	sld [smem:$0x3FAF]  }
0x2f: {  	lr =	sadd.s32 s0, s3;
	s0 =	sld [smem:$0x3FA6]  }
0x30: {  	s3 =	sld [smem:$0x3FA9]  }
0x31: {  	[smem:$0x3FB2] =	sst s10  }
0x32: {  	s10 =	sld [smem:$0x3FB0];
	_ =	sdelay $0x3  }
0x33: {  	p0 =	seq.s32 s10, $0x1;
	s10 =	sld [smem:$0x3FB2];
	_ =	sdelay $0x3  }
0x34: {  	[smem:$0x3FB2] =	sst s10  }
0x35: {  	s10 =	sld [smem:$0x3FB1];
	_ =	sdelay $0x3  }
0x36: {  	p1 =	seq.s32 s10, $0x1;
	s10 =	sld [smem:$0x3FB2];
	_ =	sdelay $0x3  }
0x37: {  	[smem:$0x3FB2] =	sst s10  }
0x38: {  	s10 =	sld [smem:$0x3FB3]  }
0x39: {  	_ = 	snop;
	(pc) =	sbr.ind lr, $3  }
0x3a: {  	_ = 	snop  }
0x3b: {  	_ = 	snop  }
0x3c: {  	p2 =	seq.s32 s10, $0x1;
	s10 =	sld [smem:$0x3FB2]  }
0x3d: {  	_ =	shalt  }
0x3e: {  	_ =	shalt  }
0x3f: {  	_ =	shalt  }
0x40: {  	_ =	shalt  }
0x41: {  	_ =	shalt  }
0x42: {  	_ =	shalt  }
0x43: {  	_ =	shalt  }
0x44: {  	_ =	shalt  }
0x45: {  	_ =	shalt  }
0x46: {  	_ =	shalt  }
0x47: {  	_ =	shalt  }
0x48: {  	_ =	shalt  }
0x49: {  	_ =	shalt  }
0x4a: {  	_ =	shalt  }
0x4b: {  	_ =	shalt  }
0x4c: {  	_ =	shalt  }
0x4d: {  	_ =	shalt  }
0x4e: {  	_ =	shalt  }
0x4f: {  	_ =	shalt  }
0x50: {  	_ =	shalt  }
0x51: {  	_ =	shalt  }
0x52: {  	_ =	shalt  }
0x53: {  	_ =	shalt  }
0x54: {  	_ =	shalt  }
0x55: {  	_ =	shalt  }
0x56: {  	_ =	shalt  }
0x57: {  	_ =	shalt  }
0x58: {  	_ =	shalt  }
0x59: {  	_ =	shalt  }
0x5a: {  	_ =	shalt  }
0x5b: {  	_ =	shalt  }
0x5c: {  	_ =	shalt  }
0x5d: {  	_ =	shalt  }
0x5e: {  	_ =	shalt  }
0x5f: {  	_ =	shalt  }
0x60: {  	_ =	shalt  }
0x61: {  	_ =	shalt  }
0x62: {  	_ =	shalt  }
0x63: {  	_ =	shalt  }
0x64: {  	_ =	shalt  }
0x65: {  	_ =	shalt  }
0x66: {  	_ =	shalt  }
0x67: {  	_ =	shalt  }
0x68: {  	_ =	shalt  }
0x69: {  	_ =	shalt  }
0x6a: {  	_ =	shalt  }
0x6b: {  	_ =	shalt  }
0x6c: {  	_ =	shalt  }
0x6d: {  	_ =	shalt  }
0x6e: {  	_ =	shalt  }
0x6f: {  	_ =	shalt  }
0x70: {  	_ =	shalt  }
0x71: {  	_ =	shalt  }
0x72: {  	_ =	shalt  }
0x73: {  	_ =	shalt  }
0x74: {  	_ =	shalt  }
0x75: {  	_ =	shalt  }
0x76: {  	_ =	shalt  }
0x77: {  	_ =	shalt  }
0x78: {  	_ =	shalt  }
0x79: {  	_ =	shalt  }
0x7a: {  	_ =	shalt  }
0x7b: {  	_ =	shalt  }
0x7c: {  	_ =	shalt  }
0x7d: {  	_ =	shalt  }
0x7e: {  	_ =	shalt  }
0x7f: {  	_ =	shalt  }
0x80: {  	_ =	shalt  }
0x81: {  	_ =	shalt  }
0x82: {  	_ =	shalt  }
0x83: {  	_ =	shalt  }
0x84: {  	_ =	shalt  }
0x85: {  	_ =	shalt  }
0x86: {  	_ =	shalt  }
0x87: {  	_ =	shalt  }
.Lfunc_end0:
.L_simem_size_0:
called_computation.8_lowered:
.L_overlay_start_0:
0x88: {  	s2 =	sld [smem:$0x3FD9]  }
0x89: {  	s3 =	sld [smem:$0x3FFE];
	_ =	sdelay $0x1  }
0x8a: {  	s1 =	srdreg.scid  }
0x8b: {  	s0 =	sand.u32 $0x1, s1  }
0x8c: {  	s15 =	sshll.u32 s0, $0xA;
	s2 =	sadd.s32 s3, s2  }
0x8d: {  	s2 =	sadd.s32 s2, s15  }
0x8e: {  	[smem:$0x3FBE] =	sst s2  }
0x8f: {  	_ = 	snop  }
0x90: {  	s2 =	sld [smem:$0x3FD0];
	_ =	sdelay $0x2  }
0x91: {  	s16 =	simm.s32 $0xB;
	s4 =	simm.s32 $0x10  }
0x92: {  	[smem:s4], [sflag:s16] =	dma.local [hbm:s2], $0x1  }
0x93: {  	_ =	swait.eq [sflag:s16], $0x1  }
0x94: {  	[sflag:s16] =	ssyncset.done $0x0  }
0x95: {  	[sflag:s16] =	ssyncadd.s32 $0xFFFFFFFF  }
0x96: {  	s17 =	sld [smem:$0x10];
	(tm) =	ssettm $0x1  }
0x97: {  	s18 =	sld [smem:$0x3FFB];
	_ =	sdelay $0x3  }
0x98: {  	_ =	strace s18  }
0x99: {  	s2 =	sld [smem:$0x3FFC];
	_ =	sdelay $0x3  }
0x9a: {  	_ =	strace s2  }
0x9b: {  	s2 =	sld [smem:$0x3FFD];
	_ =	sdelay $0x3  }
0x9c: {  	_ =	strace s2  }
0x9d: {  	_ =	strace $0x8FFFFFFF  }
0x9e: {  	s19 =	sld [smem:$0x3FDB];
	_ =	sdelay $0x1  }
0x9f: {  	s20 =	simm.s32 $_scs_section_size  }
0xa0: {  	s5 =	simm.s32 $_size__tile_overlayer_lowered;
	s6 =	simm.s32 $_tile_overlayer_lowered  }
0xa1: {  	s7 =	simm.s32 $0x1BFF;
	s21 =	sshll.u32 s6, $0x1;
	s4 =	sadd.s32 s20, s19  }
0xa2: {  	s22 =	simm.s32 $0x0;
	s5 =	sshll.u32 s5, $0x1;
	s6 =	sadd.s32 s21, s4  }
0xa3: {  	[timem:s22], [sflag:s7] =	dma.local [hbm:s6], s5  }
0xa4: {  	_ =	swait.ge [sflag:s7], s5  }
0xa5: {  	s5 =	ssub.s32 $0x0, s5;
	[sflag:s7] =	ssyncset.done $0x0  }
0xa6: {  	[sflag:s7] =	ssyncadd.s32 s5;
	_ =	sdelay $0x1  }
0xa7: {  	s23 =	simm.s32 $0x1B8B  }
0xa8: {  	_ =	swait.ge [sflag:s23], $0x1  }
0xa9: {  	[sflag:s23] =	ssyncset.done $0x0  }
0xaa: {  	[sflag:s23] =	ssyncadd.s32 $0xFFFFFFFF  }
0xab: {  	s5 =	sld [smem:$0x0]  }
0xac: {  	s6 =	sand.u32 $0xFFFFFFFE, s1  }
0xad: {  	p0 =	sne.s32 s1, s6  }
0xae: {  	s6 =	sshll.u32 @p0 s6, $0xE  }
0xaf: {  	s6 =	sadd.s32 @p0 $0x11B8D, s6;
	s7 =	sshll.u32 @p0 s5, $0x11  }
0xb0: {  	s6 =	sor.u32 @p0 s7, s6  }
0xb1: {  	[sflag:s6] =	ssyncadd.remote.s32 @p0 $0x1;
	_ =	sdelay $0x1  }
0xb2: {  	s6 =	simm.s32 @p0 $0x1B8D  }
0xb3: {  	_ =	swait.eq @p0 [sflag:s6], $0x1  }
0xb4: {  	[sflag:s6] =	ssyncadd.s32 @p0 $0xFFFFFFFF  }
0xb5: {  	s7 =	sshll.u32 @!p0 s1, $0xE  }
0xb6: {  	s7 =	sor.u32 @!p0 $0x4000, s7;
	s6 =	simm.s32 @!p0 $0x1B8D  }
0xb7: {  	s5 =	sshll.u32 @!p0 s5, $0x11;
	s7 =	sadd.s32 @!p0 $0x11B8D, s7;
	_ =	swait.eq @!p0 [sflag:s6], $0x1  }
0xb8: {  	s5 =	sor.u32 @!p0 s5, s7;
	[sflag:s6] =	ssyncadd.s32 @!p0 $0xFFFFFFFF  }
0xb9: {  	s25 =	simm.s32 $0x1B8E;
	s24 =	sld [smem:$0x3FFE];
	[sflag:s5] =	ssyncadd.remote.s32 @!p0 $0x1  }
0xba: {  	s26 =	simm.s32 $execute0_lowered;
	[smem:$0x3FD2] =	sst s25  }
0xbb: {  	s6 =	sshll.u32 s26, $0x1;
	_ =	strace $0x8000005E;
	[dreg:$0x1] =	wrdreg $0xFFFFFFFF  }
0xbc: {  	s28 =	simm.s32 $_size_execute0_lowered;
	s4 =	sadd.s32 s4, s6;
	[dreg:$0x0] =	wrdreg $0x0  }
0xbd: {  	s6 =	sshll.u32 s28, $0x1;
	[dreg:$0x2] =	wrdreg s4  }
0xbe: {  	[dreg:$0x3] =	wrdreg s6  }
0xbf: {  	[dreg:$0x4] =	wrdreg $0xC0  }
0xc0: {  	_ =	task [dreg:s22], $0x5FFFF  }
0xc1: {  	[dreg:$0x1] =	wrdreg $0xFFFFFFFF  }
0xc2: {  	[dreg:$0x0] =	wrdreg $0x60  }
0xc3: {  	[dreg:$0x2] =	wrdreg s24  }
0xc4: {  	[dreg:$0x3] =	wrdreg s17  }
0xc5: {  	[dreg:$0x4] =	wrdreg $0xA  }
0xc6: {  	_ =	task.clear_ibuf [dreg:s22], $0x5FFFF;
	_ =	strace $0x9000005E  }
0xc7: {  	s29 =	simm.s32 $0xA;
	_ =	strace $0x80000060  }
0xc8: {  	_ =	swait.ge [sflag:s29], $0x1  }
0xc9: {  	[sflag:s29] =	ssyncadd.s32 $0xFFFFFFFF  }
0xca: {  	_ =	strace $0x90000060  }
0xcb: {  	_ =	sfence  }
0xcc: {  	s30 =	sld [smem:$0x0];
	_ =	sdelay $0x2  }
0xcd: {  	s31 =	sshll.u32 s1, $0xD;
	s1 =	sshrl.u32 s1, $0x2  }
0xce: {  	s4 =	sand.u32 $0x4000, s31;
	s1 =	sadd.s32 s1, s30  }
0xcf: {  	s0 =	sor.u32 s4, s0;
	s1 =	sshll.u32 s1, $0x11  }
0xd0: {  	s0 =	sor.u32 s1, s0  }
0xd1: {  	s0 =	sadd.s32 $0x8F2B, s0  }
0xd2: {  	[sflag:s0] =	ssyncadd.remote.s32 $0x1  }
0xd3: {  	_ =	sfence.sel $0xFFFF  }
0xd4: {  	[dreg:$0x0] =	wrdreg $0xFFFFFFFF;
	(pc) =	sbr.abs _section_cstart, $3  }
0xd5: {  	[dreg:$0x1] =	wrdreg $0xFFFFFFFF  }
0xd6: {  	_ =	task.clear_ibuf [dreg:s22], $0x2FFFF;
	_ =	strace $0x9FFFFFFF  }
0xd7: {  	(tm) =	ssettm $0x7FFFFFFF  }
tec
execute0_lowered:
.L_overlay_start_1:
0x0: {  	(tag) =	ssettag $0x1  }
0x1: {  	s0 =	srdreg.scid  }
0x2: {  	s1 =	sshll.u32 s0, $0x4  }
0x3: {  	s0 =	stileid.u32;
	s1 =	sand.u32 $0x10, s1  }
0x4: {  	s2 =	sor.u32 s0, s1  }
0x5: {  	s1 =	smin.u32 s2, $0x12  }
0x6: {  	s1 =	sadd.s32 s2, s1  }
0x7: {  	p0 =	slt.u32 s2, $0x12;
	s2 =	simm.s32 $0xA0;
	s1 =	smul.u32 $0x50, s1  }
0x8: {  	s2 =	simm.s32 @!p0 $0x50  }
0x9: {  	s2 =	sadd.s32 s2, s1  }
0xa: {  	s3 =	smin.u32 s2, $0xFA0  }
0xb: {  	s7 =	ssub.s32 s3, s1  }
0xc: {  	p0 =	sgt.s32 s7, $0x0  }
0xd: {  	s7 =	simm.s32 @!p0 $0x0  }
0xe: {  	s9 =	rddreg [dreg:$0x0];
	s31 =	smul.u32 $0xCCCD, s7  }
0xf: {  	s4 =	rddreg [dreg:$0x1];
	s6 =	simm.s32 $0x1  }
0x10: {  	s11 =	simm.s32 $0x3;
	s13 =	simm.s32 $0x0;
	s8 =	sshrl.u32 s31, $0x16  }
0x11: {  	s12 =	simm.s32 $0x0;
	s5 =	sadd.s32 $0x2C000, s9;
	s10 =	smul.u32 $0x50, s8  }
.Ltmp0:
0x12: {  	s9 =	sadd.s32 $0x1E00, s9;
	s2 =	rddreg [dreg:$0x2];
	(pc) =	sbr.rel .LBB2_1-.Ltmp0, $4  }
0x13: {  	_ =	strace $0x8000005F;
	p0 =	sne.s32 s7, s10;
	s10 =	simm.s32 $0x1  }
0x14: {  	[sflag:s6] =	ssyncpa.u1 $0x0;
	s7 =	simm.s32 $0x2;
	s10 =	simm.s32 @!p0 $0x0  }
0x15: {  	[sflag:s7] =	ssyncpa.u1 $0x0;
	p0 =	por $0x0, $0x0;
	s8 =	sadd.s32 s8, s10  }
0x16: {  	vm0 =	vmmov $0xff;
	vm1 =	vcmask $0x3F20;
	[sflag:s11] =	ssyncpa.u1 $0x0;
	s11 =	smov.u32 s1;
	s10 =	sadd.s32 $0x1, s8  }
.LBB2_6:
0x17: {  	[hbm:s17] =	stream.linear.scatter [tilespmem:s14], [sflag:$0x3], $0x400, $0x38;
	[tilespmem:$0x50A0] =	vst v63  }
.LBB2_7:
0x18: {  	s13 =	sadd.s32 $0x50, s11  }
0x19: {  	s15 =	smov.u32 s1;
	p2 =	slt.s32 s13, s3  }
0x1a: {  	s15 =	smov.u32 @p2 s13;
	p2 =	sne.s32 s12, s10  }
.Ltmp1:
0x1b: {  	p1 =	slt.u32 s12, $0x2;
	(pc) =	sbr.rel @!p2 .LBB2_8-.Ltmp1, $4  }
0x1c: {  	s14 =	simm.s32 @!p1 $0x3  }
0x1d: {  	s16 =	sadd.s32 $0x1, s12;
	_ =	swait.ge @!p1 [sflag:s14], $0x2800  }
0x1e: {  	p0 =	por !p0, !p0;
	s13 =	smov.u32 s11;
	[sflag:s14] =	ssyncset.done @!p1 $0x0  }
0x1f: {  	s12 =	smov.u32 s16;
	s11 =	smov.u32 s15;
	[sflag:s14] =	ssyncadd.s32 @!p1 $0xFFFFD800  }
.LBB2_1:
0x20: {  	p1 =	sge.u32 s12, s8  }
0x21: {  	s14 =	sxor.u32 @!p1 $0xFFFFFFFF, s12  }
0x22: {  	s14 =	sand.u32 @!p1 $0x1, s14  }
0x23: {  	s14 =	smul.u32 @!p1 $0x140, s14  }
0x24: {  	s31 =	sadd.s32 $0xFFFFFFFF, s12;
	s15 =	sshrl.u32 @!p1 s11, $0x3  }
0x25: {  	s16 =	sand.u32 @!p1 $0x7, s11;
	s15 =	sadd.s32 @!p1 s4, s15;
	s14 =	sshrl.u32 @!p1 s14, $0x2  }
0x26: {  	[tilespmem:s14], [sflag:$0x2] =	stream.linear.gather @!p1 [hbm4b:s15+s16], $0x50, $0x38;
	[tilespmem:$0x50A0] =	vst v63  }
0x27: {  	p1 =	sge.u32 s31, s8  }
.Ltmp2:
0x28: {  	_ = 	snop;
	(pc) =	sbr.rel @p1 .LBB2_7-.Ltmp2, $1  }
0x29: {  	_ =	sdelay $0x3  }
0x2a: {  	s14 =	simm.s32 $0x1  }
0x2b: {  	s14 =	simm.s32 @!p0 $0x0  }
0x2c: {  	s15 =	smul.u32 $0x140, s14  }
0x2d: {  	_ =	swait.ge [sflag:s7], $0x50  }
0x2e: {  	[sflag:s7] =	ssyncset.done $0x0;
	s16 =	sshrl.u32 s15, $0x2  }
0x2f: {  	[sflag:s7] =	ssyncadd.s32 $0xFFFFFFB0;
	s15 =	sadd.s32 $0x0, s16  }
0x30: {  	v0 =	vld.msk [tilespmem:s15+$0x0 ss:$0x1], $0xffff;
	_ =	sdelay $0x4  }
0x31: {  	v1 =	vand.u32 $0x3, v0;
	v2 =	vshll.u32 v0, $0x5  }
0x32: {  	vm2 =	veq.s32 v0, $0x80000000;
	v0 =	vmul.u32 $0x1F400, v1;
	v1 =	vand.u32 $0x1FF80, v2  }
0x33: {  	v1 =	vsel vm2, $0xFFFFFF80, v1  }
0x34: {  	v0 =	vsel vm2, $0xFFFE0C00, v0;
	v2 =	vand.u32 $0xFFFFFC00, v1  }
0x35: {  	v1 =	vand.u32 $0x380, v1;
	v0 =	vadd.s32 v0, v2  }
0x36: {  	v0 =	vor.u32 v1, v0  }
0x37: {  	v0 =	vshrl.u32 v0, $0x3  }
0x38: {  	s14 =	smul.u32 $0xA000, s14;
	_ =	sdelay $0x1  }
0x39: {  	s14 =	sshrl.u32 s14, $0x2  }
0x3a: {  	s14 =	sor.u32 $0xA0, s14  }
0x3b: {  	[tilespmem:s14], [sflag:$0x1] =	stream.indirect_vreg.gather [hbm:s5], $0x80, v0, vm0, $0x38;
	[tilespmem:$0x50A0] =	vst v63  }
0x3c: {  	s17 =	sadd.s32 $0x10, s16;
	s15 =	sadd.s32 $0x400, s14  }
0x3d: {  	[tilespmem:s15], [sflag:$0x1] =	stream.indirect_vreg.gather [hbm:s5], $0x80, v0, vm1, $0x38;
	[tilespmem:$0x50A0] =	vst v63  }
0x3e: {  	s18 =	simm.s32 $0x80;
	v0 =	vld.msk [tilespmem:s17+$0x0 ss:$0x1], $0xffff;
	s17 =	smov.u32 s14  }
.LBB2_3:
0x3f: {  	p1 =	sne.s32 s18, $0x100;
	_ =	sdelay $0x4  }
0x40: {  	v1 =	vand.u32 $0x3, v0;
	v2 =	vshll.u32 v0, $0x5  }
0x41: {  	vm2 =	veq.s32 v0, $0x80000000;
	v0 =	vmul.u32 $0x1F400, v1;
	v1 =	vand.u32 $0x1FF80, v2  }
0x42: {  	v1 =	vsel vm2, $0xFFFFFF80, v1  }
0x43: {  	v0 =	vsel vm2, $0xFFFE0C00, v0;
	v2 =	vand.u32 $0xFFFFFC00, v1  }
0x44: {  	v1 =	vand.u32 $0x380, v1;
	v0 =	vadd.s32 v0, v2  }
0x45: {  	v0 =	vor.u32 v1, v0  }
0x46: {  	v0 =	vshrl.u32 v0, $0x3;
	_ =	sdelay $0x3  }
.Ltmp3:
0x47: {  	s19 =	sshra.s32 s18, $0x2;
	s17 =	sadd.s32 $0x800, s17;
	(pc) =	sbr.rel @p1 .LBB2_3-.Ltmp3, $4  }
0x48: {  	[tilespmem:s17], [sflag:$0x1] =	stream.indirect_vreg.gather [hbm:s5], $0x80, v0, vm0, $0x38;
	[tilespmem:$0x50A0] =	vst v63  }
0x49: {  	s19 =	sadd.s32 s19, s16;
	s20 =	sadd.s32 $0x400, s17  }
0x4a: {  	[tilespmem:s20], [sflag:$0x1] =	stream.indirect_vreg.gather [hbm:s5], $0x80, v0, vm1, $0x38;
	[tilespmem:$0x50A0] =	vst v63  }
0x4b: {  	s18 =	sadd.s32 $0x40, s18;
	v0 =	vld.msk [tilespmem:s19+$0x0 ss:$0x1], $0xffff  }
0x4c: {  	_ =	sdelay $0x3  }
0x4d: {  	v1 =	vand.u32 $0x3, v0;
	v2 =	vshll.u32 v0, $0x5  }
0x4e: {  	vm2 =	veq.s32 v0, $0x80000000;
	v61 =	vmul.u32 $0x1F400, v1;
	v62 =	vand.u32 $0x1FF80, v2  }
0x4f: {  	v1 =	vsel vm2, $0xFFFFFF80, v62  }
0x50: {  	v0 =	vsel vm2, $0xFFFE0C00, v61;
	v63 =	vand.u32 $0xFFFFFC00, v1  }
0x51: {  	v1 =	vand.u32 $0x380, v1;
	v0 =	vadd.s32 v0, v63  }
0x52: {  	v0 =	vor.u32 v1, v0  }
0x53: {  	v0 =	vshrl.u32 v0, $0x3;
	_ =	sdelay $0x3  }
0x54: {  	s16 =	sadd.s32 $0x800, s17  }
0x55: {  	[tilespmem:s16], [sflag:$0x1] =	stream.indirect_vreg.gather [hbm:s5], $0x80, v0, vm0, $0x38;
	[tilespmem:$0x50A0] =	vst v63  }
0x56: {  	s16 =	sadd.s32 $0x400, s16  }
0x57: {  	[tilespmem:s16], [sflag:$0x1] =	stream.indirect_vreg.gather [hbm:s5], $0x80, v0, vm1, $0x38;
	[tilespmem:$0x50A0] =	vst v63  }
0x58: {  	s13 =	sshll.u32 s13, $0x4;
	_ =	swait.ge [sflag:s6], $0x2800  }
0x59: {  	s13 =	sadd.s32 s13, s9;
	[sflag:s6] =	ssyncset.done $0x0  }
0x5a: {  	s17 =	sadd.s32 $0x0, s13;
	s16 =	simm.s32 $0x80;
	[sflag:s6] =	ssyncadd.s32 $0xFFFFD800  }
.LBB2_5:
0x5b: {  	[hbm:s17] =	stream.linear.scatter [tilespmem:s14], [sflag:$0x3], $0x400, $0x38;
	[tilespmem:$0x50A0] =	vst v63  }
0x5c: {  	s17 =	smov.u32 s16;
	s14 =	smov.u32 s15;
	p1 =	sne.s32 s16, $0x480  }
.Ltmp4:
0x5d: {  	s16 =	sadd.s32 $0x80, s16;
	(pc) =	sbr.rel @p1 .LBB2_5-.Ltmp4, $2  }
0x5e: {  	_ =	sdelay $0x2  }
0x5f: {  	s15 =	sadd.s32 $0x400, s15;
	s17 =	sadd.s32 s17, s13  }
.Ltmp5:
0x60: {  	_ = 	snop;
	(pc) =	sbr.rel .LBB2_6-.Ltmp5, $1  }
0x61: {  	_ =	sdelay $0x3  }
.LBB2_8:
0x62: {  	_ =	sfence.sel $0x180000  }
0x63: {  	s1 =	simm.s32 $0x2;
	[bflag:$0x0] =	sbarrier.arrive $0xFFFF  }
0x64: {  	s30 =	simm.s32 $0x3;
	[sflag:s1] =	ssyncpa.u1 $0x1  }
0x65: {  	s31 =	simm.s32 $0x1;
	[sflag:s30] =	ssyncpa.u1 $0x1  }
0x66: {  	[sflag:s31] =	ssyncpa.u1 $0x1  }
0x67: {  	p0 =	sne.s32 s0, $0x0;
	_ =	strace $0x9000005F  }
0x68: {  	s0 =	sadd.s32 @!p0 $0x100000, s2;
	[bflag:$0x2] =	sbarrier.arrive $0xFFFF  }
0x69: {  	[sflag:s0] =	ssyncadd.tile.s32 @!p0 $0x1;
	_ =	shalt  }
.Lfunc_end2:
_tile_overlayer_lowered:
.L_overlay_start_2:
0x6a: {  	(tag) =	ssettag $0x2  }
0x6b: {  	s0 =	rddreg [dreg:$0x0];
	s2 =	stileid.u32  }
0x6c: {  	s1 =	rddreg [dreg:$0x1];
	p0 =	sne.s32 s2, $0x0  }
0x6d: {  	s3 =	rddreg [dreg:$0x2];
	[bflag:$0x3] =	sbarrier.arrive $0xFFFF;
	s2 =	simm.s32 @!p0 $0x1C01  }
0x6e: {  	[timem:s3], [sflag:s2] =	dma.local @!p0 [hbm:s0], s1  }
0x6f: {  	s0 =	simm.s32 @!p0 $0x1  }
0x70: {  	_ =	swait.ge @!p0 [sflag:s0], s1  }
0x71: {  	s1 =	ssub.s32 @!p0 $0x0, s1;
	[sflag:s0] =	ssyncset.done @!p0 $0x0  }
0x72: {  	[sflag:s0] =	ssyncadd.s32 @!p0 s1  }
0x73: {  	[bflag:$0x3] =	sbarrier.arrive $0xFFFF  }
0x74: {  	_ =	shalt  }

// kernel: gather_offload_async_start.9
scs
__scs_entry_jumppad:
0x0: {  	(pc) =	sbr.rel $0x88, $3  }
0x1: {  	(tag) =	ssettag $0x0;
	lr =	simm.s32 $0x1  }
0x2: {  	[smem:$0x3F97] =	sst lr;
	_ =	strace $0xD0000000  }
0x3: {  	_ = 	snop  }
0x4: {  	_ = 	snop  }
0x5: {  	_ = 	snop  }
0x6: {  	_ = 	snop  }
0x7: {  	_ = 	snop  }
__scs_overlays_trampoline_lowered:
0x8: {  	[smem:$0x3FA6] =	sst s0  }
0x9: {  	[smem:$0x3FA7] =	sst s1  }
0xa: {  	[smem:$0x3FA8] =	sst s2  }
0xb: {  	[smem:$0x3FA9] =	sst s3  }
0xc: {  	[smem:$0x3FAA] =	sst s4  }
0xd: {  	[smem:$0x3FAB] =	sst s5  }
0xe: {  	[smem:$0x3FAC] =	sst s6  }
0xf: {  	[smem:$0x3FAD] =	sst s7  }
0x10: {  	[smem:$0x3FAE] =	sst s8  }
0x11: {  	[smem:$0x3FAF] =	sst s9;
	s0 =	simm.s32 @!p0 $0x0  }
0x12: {  	s1 =	sld [smem:$0x3F95];
	s0 =	simm.s32 @p0 $0x1  }
0x13: {  	[smem:$0x3FB0] =	sst s0;
	s0 =	simm.s32 @!p1 $0x0  }
0x14: {  	s2 =	sld [smem:$0x3F94];
	s0 =	simm.s32 @p1 $0x1  }
0x15: {  	[smem:$0x3FB1] =	sst s0;
	s0 =	simm.s32 @!p2 $0x0  }
0x16: {  	s3 =	sld [smem:$0x3FDB];
	s0 =	simm.s32 @p2 $0x1  }
0x17: {  	s4 =	simm.s32 $0x1BF5;
	[smem:$0x3FB3] =	sst s0  }
0x18: {  	s0 =	sld [smem:$0x3F96];
	_ =	swait.ge [sflag:s4], $0x0  }
0x19: {  	s7 =	sld [smem:$0x3F97]  }
0x1a: {  	s8 =	sadd.s32 $0xFFFFE003, lr  }
0x1b: {  	s9 =	sadd.s32 $0xFFFFFEF7, lr;
	s5 =	simm.s32 $0xFFFFFFFF;
	p2 =	slt.u32 s8, $0xFFFFF086  }
0x1c: {  	p1 =	slt.u32 s9, $0xF7A;
	s5 =	simm.s32 @!p2 $0x0  }
0x1d: {  	s5 =	simm.s32 @p1 $0x1;
	p0 =	seq.s32 s7, s2  }
0x1e: {  	s7 =	smul.u32 @!p0 $0xF7A, s2;
	p2 =	seq.s32 @!p0 s5, $0x0  }
0x1f: {  	s9 =	smul.u32 $0xF7A, s1;
	s8 =	simm.s32 @!p0 $0x1BF5;
	p2 =	por !p2, p0  }
0x20: {  	[sflag:s8] =	ssyncset.s32 @!p0 $0xFFFFF086;
	s6 =	sadd.s32 @!p0 s3, s7;
	s7 =	simm.s32 @!p0 $0x108  }
0x21: {  	s3 =	sadd.s32 s3, s9;
	s6 =	sadd.s32 @!p0 $0x88, s6;
	s7 =	simm.s32 @p2 $0x1082  }
0x22: {  	[simem:s7], [sflag:s8] =	dma.local @!p0 [hbm:s6], $0xF7A  }
0x23: {  	s9 =	sor.u32 $0xD0000000, s2;
	s6 =	simm.s32 $0x108;
	_ =	swait.ge @!p0 [sflag:s8], $0x0  }
0x24: {  	s3 =	sadd.s32 $0x88, s3;
	s6 =	simm.s32 @!p1 $0x1082;
	[sflag:s4] =	ssyncset.s32 $0xFFFFF086  }
0x25: {  	[simem:s6], [sflag:s4] =	dma.local [hbm:s3], $0xF7A  }
0x26: {  	[smem:$0x3F97] =	sst s1;
	(tag) =	ssettag s2;
	_ =	strace s9  }
0x27: {  	s1 =	sld [smem:$0x3FA7]  }
0x28: {  	s2 =	sld [smem:$0x3FA8]  }
0x29: {  	s4 =	sld [smem:$0x3FAA]  }
0x2a: {  	p0 =	seq.s32 s5, $0x0;
	s5 =	sld [smem:$0x3FAB]  }
0x2b: {  	s6 =	sld [smem:$0x3FAC]  }
0x2c: {  	s7 =	sld [smem:$0x3FAD]  }
0x2d: {  	s3 =	simm.s32 $0x108;
	s8 =	sld [smem:$0x3FAE]  }
0x2e: {  	s3 =	simm.s32 @!p0 $0x1082;
	s9 =	sld [smem:$0x3FAF]  }
0x2f: {  	lr =	sadd.s32 s0, s3;
	s0 =	sld [smem:$0x3FA6]  }
0x30: {  	s3 =	sld [smem:$0x3FA9]  }
0x31: {  	[smem:$0x3FB2] =	sst s10  }
0x32: {  	s10 =	sld [smem:$0x3FB0];
	_ =	sdelay $0x3  }
0x33: {  	p0 =	seq.s32 s10, $0x1;
	s10 =	sld [smem:$0x3FB2];
	_ =	sdelay $0x3  }
0x34: {  	[smem:$0x3FB2] =	sst s10  }
0x35: {  	s10 =	sld [smem:$0x3FB1];
	_ =	sdelay $0x3  }
0x36: {  	p1 =	seq.s32 s10, $0x1;
	s10 =	sld [smem:$0x3FB2];
	_ =	sdelay $0x3  }
0x37: {  	[smem:$0x3FB2] =	sst s10  }
0x38: {  	s10 =	sld [smem:$0x3FB3]  }
0x39: {  	_ = 	snop;
	(pc) =	sbr.ind lr, $3  }
0x3a: {  	_ = 	snop  }
0x3b: {  	_ = 	snop  }
0x3c: {  	p2 =	seq.s32 s10, $0x1;
	s10 =	sld [smem:$0x3FB2]  }
0x3d: {  	_ =	shalt  }
0x3e: {  	_ =	shalt  }
0x3f: {  	_ =	shalt  }
0x40: {  	_ =	shalt  }
0x41: {  	_ =	shalt  }
0x42: {  	_ =	shalt  }
0x43: {  	_ =	shalt  }
0x44: {  	_ =	shalt  }
0x45: {  	_ =	shalt  }
0x46: {  	_ =	shalt  }
0x47: {  	_ =	shalt  }
0x48: {  	_ =	shalt  }
0x49: {  	_ =	shalt  }
0x4a: {  	_ =	shalt  }
0x4b: {  	_ =	shalt  }
0x4c: {  	_ =	shalt  }
0x4d: {  	_ =	shalt  }
0x4e: {  	_ =	shalt  }
0x4f: {  	_ =	shalt  }
0x50: {  	_ =	shalt  }
0x51: {  	_ =	shalt  }
0x52: {  	_ =	shalt  }
0x53: {  	_ =	shalt  }
0x54: {  	_ =	shalt  }
0x55: {  	_ =	shalt  }
0x56: {  	_ =	shalt  }
0x57: {  	_ =	shalt  }
0x58: {  	_ =	shalt  }
0x59: {  	_ =	shalt  }
0x5a: {  	_ =	shalt  }
0x5b: {  	_ =	shalt  }
0x5c: {  	_ =	shalt  }
0x5d: {  	_ =	shalt  }
0x5e: {  	_ =	shalt  }
0x5f: {  	_ =	shalt  }
0x60: {  	_ =	shalt  }
0x61: {  	_ =	shalt  }
0x62: {  	_ =	shalt  }
0x63: {  	_ =	shalt  }
0x64: {  	_ =	shalt  }
0x65: {  	_ =	shalt  }
0x66: {  	_ =	shalt  }
0x67: {  	_ =	shalt  }
0x68: {  	_ =	shalt  }
0x69: {  	_ =	shalt  }
0x6a: {  	_ =	shalt  }
0x6b: {  	_ =	shalt  }
0x6c: {  	_ =	shalt  }
0x6d: {  	_ =	shalt  }
0x6e: {  	_ =	shalt  }
0x6f: {  	_ =	shalt  }
0x70: {  	_ =	shalt  }
0x71: {  	_ =	shalt  }
0x72: {  	_ =	shalt  }
0x73: {  	_ =	shalt  }
0x74: {  	_ =	shalt  }
0x75: {  	_ =	shalt  }
0x76: {  	_ =	shalt  }
0x77: {  	_ =	shalt  }
0x78: {  	_ =	shalt  }
0x79: {  	_ =	shalt  }
0x7a: {  	_ =	shalt  }
0x7b: {  	_ =	shalt  }
0x7c: {  	_ =	shalt  }
0x7d: {  	_ =	shalt  }
0x7e: {  	_ =	shalt  }
0x7f: {  	_ =	shalt  }
0x80: {  	_ =	shalt  }
0x81: {  	_ =	shalt  }
0x82: {  	_ =	shalt  }
0x83: {  	_ =	shalt  }
0x84: {  	_ =	shalt  }
0x85: {  	_ =	shalt  }
0x86: {  	_ =	shalt  }
0x87: {  	_ =	shalt  }
.Lfunc_end0:
.L_simem_size_0:
called_computation.9_lowered:
.L_overlay_start_0:
0x88: {  	s2 =	sld [smem:$0x3FD9]  }
0x89: {  	s3 =	sld [smem:$0x3FFE];
	_ =	sdelay $0x1  }
0x8a: {  	s1 =	srdreg.scid  }
0x8b: {  	s0 =	sand.u32 $0x1, s1  }
0x8c: {  	s16 =	sshll.u32 s0, $0xA;
	s2 =	sadd.s32 s3, s2  }
0x8d: {  	s2 =	sadd.s32 s2, s16  }
0x8e: {  	[smem:$0x3FBE] =	sst s2  }
0x8f: {  	_ = 	snop  }
0x90: {  	(tm) =	ssettm $0x1  }
0x91: {  	s17 =	sld [smem:$0x3FFB];
	_ =	sdelay $0x3  }
0x92: {  	_ =	strace s17  }
0x93: {  	s2 =	sld [smem:$0x3FFC];
	_ =	sdelay $0x3  }
0x94: {  	_ =	strace s2  }
0x95: {  	s2 =	sld [smem:$0x3FFD];
	_ =	sdelay $0x3  }
0x96: {  	_ =	strace s2  }
0x97: {  	_ =	strace $0x8FFFFFFF  }
0x98: {  	s18 =	sld [smem:$0x3FDB];
	_ =	sdelay $0x1  }
0x99: {  	s19 =	simm.s32 $_scs_section_size  }
0x9a: {  	s4 =	simm.s32 $_size__tile_overlayer_lowered;
	s5 =	simm.s32 $_tile_overlayer_lowered  }
0x9b: {  	s22 =	simm.s32 $0x1BFF;
	s21 =	sshll.u32 s5, $0x1;
	s2 =	sadd.s32 s19, s18  }
0x9c: {  	s6 =	simm.s32 $0x0;
	s20 =	sshll.u32 s4, $0x1;
	s4 =	sadd.s32 s21, s2  }
0x9d: {  	[timem:s6], [sflag:s22] =	dma.local [hbm:s4], s20  }
0x9e: {  	_ =	swait.ge [sflag:s22], s20  }
0x9f: {  	s3 =	ssub.s32 $0x0, s20;
	[sflag:s22] =	ssyncset.done $0x0  }
0xa0: {  	[sflag:s22] =	ssyncadd.s32 s3;
	_ =	sdelay $0x1  }
0xa1: {  	s23 =	simm.s32 $0x1B8B  }
0xa2: {  	_ =	swait.ge [sflag:s23], $0x1  }
0xa3: {  	[sflag:s23] =	ssyncset.done $0x0  }
0xa4: {  	s25 =	simm.s32 $0x1B8E;
	s24 =	sld [smem:$0x3FFE];
	[sflag:s23] =	ssyncadd.s32 $0xFFFFFFFF  }
0xa5: {  	s26 =	simm.s32 $execute0_lowered;
	[smem:$0x3FD2] =	sst s25  }
0xa6: {  	s4 =	sshll.u32 s26, $0x1;
	_ =	strace $0x80000058;
	[dreg:$0x1] =	wrdreg $0xFFFFFFFF  }
0xa7: {  	s28 =	simm.s32 $_size_execute0_lowered;
	s2 =	sadd.s32 s2, s4;
	[dreg:$0x0] =	wrdreg $0x0  }
0xa8: {  	s4 =	sshll.u32 s28, $0x1;
	[dreg:$0x2] =	wrdreg s2  }
0xa9: {  	[dreg:$0x3] =	wrdreg s4  }
0xaa: {  	[dreg:$0x4] =	wrdreg $0xC0  }
0xab: {  	_ =	task [dreg:s6], $0x5FFFF  }
0xac: {  	[dreg:$0x1] =	wrdreg $0xFFFFFFFF  }
0xad: {  	[dreg:$0x0] =	wrdreg $0x60  }
0xae: {  	[dreg:$0x2] =	wrdreg s24  }
0xaf: {  	[dreg:$0x3] =	wrdreg $0x9  }
0xb0: {  	_ =	task.clear_ibuf [dreg:s6], $0x4FFFF;
	_ =	strace $0x90000058  }
0xb1: {  	s29 =	simm.s32 $0x9;
	_ =	strace $0x8000005A  }
0xb2: {  	_ =	swait.ge [sflag:s29], $0x1  }
0xb3: {  	[sflag:s29] =	ssyncadd.s32 $0xFFFFFFFF  }
0xb4: {  	_ =	strace $0x9000005A  }
0xb5: {  	_ =	sfence  }
0xb6: {  	s30 =	sld [smem:$0x0];
	_ =	sdelay $0x2  }
0xb7: {  	s31 =	sshll.u32 s1, $0xD;
	s1 =	sshrl.u32 s1, $0x2  }
0xb8: {  	s3 =	sand.u32 $0x4000, s31;
	s1 =	sadd.s32 s1, s30  }
0xb9: {  	s0 =	sor.u32 s3, s0;
	s1 =	sshll.u32 s1, $0x11  }
0xba: {  	s0 =	sor.u32 s1, s0  }
0xbb: {  	s0 =	sadd.s32 $0x8F2B, s0  }
0xbc: {  	[sflag:s0] =	ssyncadd.remote.s32 $0x1  }
0xbd: {  	_ =	sfence.sel $0xFFFF  }
0xbe: {  	[dreg:$0x0] =	wrdreg $0xFFFFFFFF;
	(pc) =	sbr.abs _section_cstart, $3  }
0xbf: {  	[dreg:$0x1] =	wrdreg $0xFFFFFFFF  }
0xc0: {  	_ =	task.clear_ibuf [dreg:s6], $0x2FFFF;
	_ =	strace $0x9FFFFFFF  }
0xc1: {  	(tm) =	ssettm $0x7FFFFFFF  }
tec
execute0_lowered:
.L_overlay_start_1:
0x0: {  	(tag) =	ssettag $0x1  }
0x1: {  	s7 =	rddreg [dreg:$0x0]  }
0x2: {  	s1 =	srdreg.scid;
	s0 =	rddreg [dreg:$0x1]  }
0x3: {  	_ =	strace $0x80000059;
	s3 =	simm.s32 $0x1;
	s5 =	simm.s32 $0x2  }
0x4: {  	s9 =	simm.s32 $0x3;
	s12 =	simm.s32 $0x0;
	s2 =	sshll.u32 s1, $0x4  }
.Ltmp0:
0x5: {  	s1 =	stileid.u32;
	s4 =	sand.u32 $0x10, s2;
	(pc) =	sbr.rel .LBB2_1-.Ltmp0, $4  }
0x6: {  	s10 =	simm.s32 $0x0;
	[sflag:s3] =	ssyncpa.u1 $0x0;
	s4 =	sor.u32 s1, s4  }
0x7: {  	s6 =	sadd.s32 $0xE600, s7;
	[sflag:s5] =	ssyncpa.u1 $0x0;
	s4 =	smul.u32 $0x60, s4  }
0x8: {  	s2 =	sadd.s32 $0x1E00, s7;
	s7 =	sadd.s32 $0xE800, s7;
	[sflag:s9] =	ssyncpa.u1 $0x0  }
0x9: {  	vm0 =	vmmov $0xff;
	vm1 =	vcmask $0x3F20;
	s9 =	simm.s32 $0x60;
	s8 =	sadd.s32 $0x60, s4;
	s11 =	smov.u32 s4  }
.LBB2_10:
0xa: {  	s12 =	sshrl.u32 s11, $0x3  }
0xb: {  	s13 =	sand.u32 $0x7, s11;
	s12 =	sadd.s32 s6, s12  }
0xc: {  	[tilespmem:s9], [sflag:$0x2] =	stream.linear.gather [hbm4b:s12+s13], $0x60, $0x38;
	[tilespmem:$0x60C0] =	vst v63  }
.LBB2_8:
0xd: {  	s12 =	sadd.s32 $0x60, s11  }
0xe: {  	s13 =	smov.u32 s4;
	p0 =	slt.s32 s12, s8  }
0xf: {  	s13 =	smov.u32 @p0 s12  }
0x10: {  	s10 =	sadd.s32 $0x1, s10;
	s12 =	smov.u32 s11;
	s11 =	smov.u32 s13  }
.LBB2_1:
0x11: {  	p0 =	seq.s32 s10, $0x0  }
.Ltmp1:
0x12: {  	_ = 	snop;
	(pc) =	sbr.rel @p0 .LBB2_10-.Ltmp1, $1  }
0x13: {  	_ =	sdelay $0x3  }
0x14: {  	p0 =	seq.s32 s10, $0x1  }
.Ltmp2:
0x15: {  	_ = 	snop;
	(pc) =	sbr.rel @!p0 .LBB2_9-.Ltmp2, $1  }
0x16: {  	_ =	sdelay $0x3  }
0x17: {  	_ =	swait.ge [sflag:s5], $0x60  }
0x18: {  	[sflag:s5] =	ssyncset.done $0x0  }
0x19: {  	s13 =	simm.s32 $0x0;
	[sflag:s5] =	ssyncadd.s32 $0xFFFFFFA0  }
0x1a: {  	v0 =	vld.msk [tilespmem:s13+$0x60 ss:$0x1], $0xffff;
	_ =	sdelay $0x4  }
0x1b: {  	v1 =	vand.u32 $0x3, v0;
	v2 =	vshll.u32 v0, $0x5  }
0x1c: {  	vm2 =	veq.s32 v0, $0x80000000;
	v0 =	vmul.u32 $0x18000, v1;
	v1 =	vand.u32 $0x1FF80, v2  }
0x1d: {  	v1 =	vsel vm2, $0xFFFFFF80, v1  }
0x1e: {  	v0 =	vsel vm2, $0xFFFE8000, v0;
	v2 =	vand.u32 $0xFFFFFC00, v1  }
0x1f: {  	v1 =	vand.u32 $0x380, v1;
	v0 =	vadd.s32 v0, v2  }
0x20: {  	v0 =	vor.u32 v1, v0  }
0x21: {  	v0 =	vshrl.u32 v0, $0x3;
	_ =	sdelay $0x3  }
0x22: {  	s13 =	simm.s32 $0x30C0  }
0x23: {  	[tilespmem:s13], [sflag:$0x1] =	stream.indirect_vreg.gather [hbm:s2], $0x80, v0, vm0, $0x38;
	[tilespmem:$0x60C0] =	vst v63  }
0x24: {  	s14 =	simm.s32 $0x34C0;
	s31 =	simm.s32 $0x10  }
0x25: {  	[tilespmem:s14], [sflag:$0x1] =	stream.indirect_vreg.gather [hbm:s2], $0x80, v0, vm1, $0x38;
	[tilespmem:$0x60C0] =	vst v63  }
0x26: {  	s14 =	simm.s32 $0x80;
	v0 =	vld.msk [tilespmem:s31+$0x60 ss:$0x1], $0xffff  }
.LBB2_4:
0x27: {  	p0 =	sne.s32 s14, $0x140;
	_ =	sdelay $0x4  }
0x28: {  	v1 =	vand.u32 $0x3, v0;
	v2 =	vshll.u32 v0, $0x5  }
0x29: {  	vm2 =	veq.s32 v0, $0x80000000;
	v0 =	vmul.u32 $0x18000, v1;
	v1 =	vand.u32 $0x1FF80, v2  }
0x2a: {  	v1 =	vsel vm2, $0xFFFFFF80, v1  }
0x2b: {  	v0 =	vsel vm2, $0xFFFE8000, v0;
	v2 =	vand.u32 $0xFFFFFC00, v1  }
0x2c: {  	v1 =	vand.u32 $0x380, v1;
	v0 =	vadd.s32 v0, v2  }
0x2d: {  	v0 =	vor.u32 v1, v0  }
0x2e: {  	v0 =	vshrl.u32 v0, $0x3;
	_ =	sdelay $0x3  }
.Ltmp3:
0x2f: {  	s13 =	sadd.s32 $0x800, s13;
	(pc) =	sbr.rel @p0 .LBB2_4-.Ltmp3, $4  }
0x30: {  	[tilespmem:s13], [sflag:$0x1] =	stream.indirect_vreg.gather [hbm:s2], $0x80, v0, vm0, $0x38;
	[tilespmem:$0x60C0] =	vst v63  }
0x31: {  	s15 =	sshra.s32 s14, $0x2;
	s16 =	sadd.s32 $0x400, s13  }
0x32: {  	[tilespmem:s16], [sflag:$0x1] =	stream.indirect_vreg.gather [hbm:s2], $0x80, v0, vm1, $0x38;
	[tilespmem:$0x60C0] =	vst v63  }
0x33: {  	s14 =	sadd.s32 $0x40, s14;
	v0 =	vld.msk [tilespmem:s15+$0x60 ss:$0x1], $0xffff  }
0x34: {  	_ =	sdelay $0x3  }
0x35: {  	v1 =	vand.u32 $0x3, v0;
	v2 =	vshll.u32 v0, $0x5  }
0x36: {  	vm2 =	veq.s32 v0, $0x80000000;
	v61 =	vmul.u32 $0x18000, v1;
	v62 =	vand.u32 $0x1FF80, v2  }
0x37: {  	v1 =	vsel vm2, $0xFFFFFF80, v62  }
0x38: {  	v0 =	vsel vm2, $0xFFFE8000, v61;
	v63 =	vand.u32 $0xFFFFFC00, v1  }
0x39: {  	v1 =	vand.u32 $0x380, v1;
	v0 =	vadd.s32 v0, v63  }
0x3a: {  	v0 =	vor.u32 v1, v0  }
0x3b: {  	v0 =	vshrl.u32 v0, $0x3;
	_ =	sdelay $0x3  }
0x3c: {  	s13 =	sadd.s32 $0x800, s13  }
0x3d: {  	[tilespmem:s13], [sflag:$0x1] =	stream.indirect_vreg.gather [hbm:s2], $0x80, v0, vm0, $0x38;
	[tilespmem:$0x60C0] =	vst v63  }
0x3e: {  	s13 =	sadd.s32 $0x400, s13  }
0x3f: {  	[tilespmem:s13], [sflag:$0x1] =	stream.indirect_vreg.gather [hbm:s2], $0x80, v0, vm1, $0x38;
	[tilespmem:$0x60C0] =	vst v63  }
0x40: {  	s12 =	sshll.u32 s12, $0x4;
	s14 =	simm.s32 $0x80;
	_ =	swait.ge [sflag:s3], $0x3000  }
0x41: {  	s15 =	simm.s32 $0x34C0;
	s12 =	sadd.s32 s12, s7;
	[sflag:s3] =	ssyncset.done $0x0  }
0x42: {  	s16 =	sadd.s32 $0x0, s12;
	s13 =	simm.s32 $0x30C0;
	[sflag:s3] =	ssyncadd.s32 $0xFFFFD000  }
.LBB2_6:
0x43: {  	[hbm:s16] =	stream.linear.scatter [tilespmem:s13], [sflag:$0x3], $0x400, $0x38;
	[tilespmem:$0x60C0] =	vst v63  }
0x44: {  	s16 =	smov.u32 s14;
	s13 =	smov.u32 s15;
	p0 =	seq.s32 s14, $0x580  }
.Ltmp4:
0x45: {  	s14 =	sadd.s32 $0x80, s14;
	(pc) =	sbr.rel @!p0 .LBB2_6-.Ltmp4, $2  }
0x46: {  	_ =	sdelay $0x2  }
0x47: {  	s15 =	sadd.s32 $0x400, s15;
	s16 =	sadd.s32 s16, s12  }
.Ltmp5:
0x48: {  	(pc) =	sbr.rel .LBB2_8-.Ltmp5, $2  }
0x49: {  	_ =	sdelay $0x2  }
0x4a: {  	[hbm:s16] =	stream.linear.scatter [tilespmem:s13], [sflag:$0x3], $0x400, $0x38;
	[tilespmem:$0x60C0] =	vst v63  }
.LBB2_9:
0x4b: {  	s2 =	simm.s32 $0x3  }
0x4c: {  	_ =	swait.ge [sflag:s2], $0x3000  }
0x4d: {  	[sflag:s2] =	ssyncset.done $0x0  }
0x4e: {  	[sflag:s2] =	ssyncadd.s32 $0xFFFFD000  }
0x4f: {  	_ =	sfence.sel $0x180000  }
0x50: {  	s3 =	simm.s32 $0x2;
	[bflag:$0x0] =	sbarrier.arrive $0xFFFF  }
0x51: {  	[sflag:s3] =	ssyncpa.u1 $0x1  }
0x52: {  	s31 =	simm.s32 $0x1;
	[sflag:s2] =	ssyncpa.u1 $0x1  }
0x53: {  	[sflag:s31] =	ssyncpa.u1 $0x1  }
0x54: {  	p0 =	sne.s32 s1, $0x0;
	_ =	strace $0x90000059  }
0x55: {  	s0 =	sadd.s32 @!p0 $0x100000, s0;
	[bflag:$0x2] =	sbarrier.arrive $0xFFFF  }
0x56: {  	[sflag:s0] =	ssyncadd.tile.s32 @!p0 $0x1;
	_ =	shalt  }
.Lfunc_end2:
_tile_overlayer_lowered:
.L_overlay_start_2:
0x57: {  	(tag) =	ssettag $0x2  }
0x58: {  	s0 =	rddreg [dreg:$0x0];
	s2 =	stileid.u32  }
0x59: {  	s1 =	rddreg [dreg:$0x1];
	p0 =	sne.s32 s2, $0x0  }
0x5a: {  	s3 =	rddreg [dreg:$0x2];
	[bflag:$0x3] =	sbarrier.arrive $0xFFFF;
	s2 =	simm.s32 @!p0 $0x1C01  }
0x5b: {  	[timem:s3], [sflag:s2] =	dma.local @!p0 [hbm:s0], s1  }
0x5c: {  	s0 =	simm.s32 @!p0 $0x1  }
0x5d: {  	_ =	swait.ge @!p0 [sflag:s0], s1  }
0x5e: {  	s1 =	ssub.s32 @!p0 $0x0, s1;
	[sflag:s0] =	ssyncset.done @!p0 $0x0  }
0x5f: {  	[sflag:s0] =	ssyncadd.s32 @!p0 s1  }
0x60: {  	[bflag:$0x3] =	sbarrier.arrive $0xFFFF  }
0x61: {  	_ =	shalt  }

// kernel: gather_offload_async_start
scs
__scs_entry_jumppad:
0x0: {  	(pc) =	sbr.rel $0x88, $3  }
0x1: {  	(tag) =	ssettag $0x0;
	lr =	simm.s32 $0x1  }
0x2: {  	[smem:$0x3F97] =	sst lr;
	_ =	strace $0xD0000000  }
0x3: {  	_ = 	snop  }
0x4: {  	_ = 	snop  }
0x5: {  	_ = 	snop  }
0x6: {  	_ = 	snop  }
0x7: {  	_ = 	snop  }
__scs_overlays_trampoline_lowered:
0x8: {  	[smem:$0x3FA6] =	sst s0  }
0x9: {  	[smem:$0x3FA7] =	sst s1  }
0xa: {  	[smem:$0x3FA8] =	sst s2  }
0xb: {  	[smem:$0x3FA9] =	sst s3  }
0xc: {  	[smem:$0x3FAA] =	sst s4  }
0xd: {  	[smem:$0x3FAB] =	sst s5  }
0xe: {  	[smem:$0x3FAC] =	sst s6  }
0xf: {  	[smem:$0x3FAD] =	sst s7  }
0x10: {  	[smem:$0x3FAE] =	sst s8  }
0x11: {  	[smem:$0x3FAF] =	sst s9;
	s0 =	simm.s32 @!p0 $0x0  }
0x12: {  	s1 =	sld [smem:$0x3F95];
	s0 =	simm.s32 @p0 $0x1  }
0x13: {  	[smem:$0x3FB0] =	sst s0;
	s0 =	simm.s32 @!p1 $0x0  }
0x14: {  	s2 =	sld [smem:$0x3F94];
	s0 =	simm.s32 @p1 $0x1  }
0x15: {  	[smem:$0x3FB1] =	sst s0;
	s0 =	simm.s32 @!p2 $0x0  }
0x16: {  	s3 =	sld [smem:$0x3FDB];
	s0 =	simm.s32 @p2 $0x1  }
0x17: {  	s4 =	simm.s32 $0x1BF5;
	[smem:$0x3FB3] =	sst s0  }
0x18: {  	s0 =	sld [smem:$0x3F96];
	_ =	swait.ge [sflag:s4], $0x0  }
0x19: {  	s7 =	sld [smem:$0x3F97]  }
0x1a: {  	s8 =	sadd.s32 $0xFFFFE003, lr  }
0x1b: {  	s9 =	sadd.s32 $0xFFFFFEF7, lr;
	s5 =	simm.s32 $0xFFFFFFFF;
	p2 =	slt.u32 s8, $0xFFFFF086  }
0x1c: {  	p1 =	slt.u32 s9, $0xF7A;
	s5 =	simm.s32 @!p2 $0x0  }
0x1d: {  	s5 =	simm.s32 @p1 $0x1;
	p0 =	seq.s32 s7, s2  }
0x1e: {  	s7 =	smul.u32 @!p0 $0xF7A, s2;
	p2 =	seq.s32 @!p0 s5, $0x0  }
0x1f: {  	s9 =	smul.u32 $0xF7A, s1;
	s8 =	simm.s32 @!p0 $0x1BF5;
	p2 =	por !p2, p0  }
0x20: {  	[sflag:s8] =	ssyncset.s32 @!p0 $0xFFFFF086;
	s6 =	sadd.s32 @!p0 s3, s7;
	s7 =	simm.s32 @!p0 $0x108  }
0x21: {  	s3 =	sadd.s32 s3, s9;
	s6 =	sadd.s32 @!p0 $0x88, s6;
	s7 =	simm.s32 @p2 $0x1082  }
0x22: {  	[simem:s7], [sflag:s8] =	dma.local @!p0 [hbm:s6], $0xF7A  }
0x23: {  	s9 =	sor.u32 $0xD0000000, s2;
	s6 =	simm.s32 $0x108;
	_ =	swait.ge @!p0 [sflag:s8], $0x0  }
0x24: {  	s3 =	sadd.s32 $0x88, s3;
	s6 =	simm.s32 @!p1 $0x1082;
	[sflag:s4] =	ssyncset.s32 $0xFFFFF086  }
0x25: {  	[simem:s6], [sflag:s4] =	dma.local [hbm:s3], $0xF7A  }
0x26: {  	[smem:$0x3F97] =	sst s1;
	(tag) =	ssettag s2;
	_ =	strace s9  }
0x27: {  	s1 =	sld [smem:$0x3FA7]  }
0x28: {  	s2 =	sld [smem:$0x3FA8]  }
0x29: {  	s4 =	sld [smem:$0x3FAA]  }
0x2a: {  	p0 =	seq.s32 s5, $0x0;
	s5 =	sld [smem:$0x3FAB]  }
0x2b: {  	s6 =	sld [smem:$0x3FAC]  }
0x2c: {  	s7 =	sld [smem:$0x3FAD]  }
0x2d: {  	s3 =	simm.s32 $0x108;
	s8 =	sld [smem:$0x3FAE]  }
0x2e: {  	s3 =	simm.s32 @!p0 $0x1082;
	s9 =	sld [smem:$0x3FAF]  }
0x2f: {  	lr =	sadd.s32 s0, s3;
	s0 =	sld [smem:$0x3FA6]  }
0x30: {  	s3 =	sld [smem:$0x3FA9]  }
0x31: {  	[smem:$0x3FB2] =	sst s10  }
0x32: {  	s10 =	sld [smem:$0x3FB0];
	_ =	sdelay $0x3  }
0x33: {  	p0 =	seq.s32 s10, $0x1;
	s10 =	sld [smem:$0x3FB2];
	_ =	sdelay $0x3  }
0x34: {  	[smem:$0x3FB2] =	sst s10  }
0x35: {  	s10 =	sld [smem:$0x3FB1];
	_ =	sdelay $0x3  }
0x36: {  	p1 =	seq.s32 s10, $0x1;
	s10 =	sld [smem:$0x3FB2];
	_ =	sdelay $0x3  }
0x37: {  	[smem:$0x3FB2] =	sst s10  }
0x38: {  	s10 =	sld [smem:$0x3FB3]  }
0x39: {  	_ = 	snop;
	(pc) =	sbr.ind lr, $3  }
0x3a: {  	_ = 	snop  }
0x3b: {  	_ = 	snop  }
0x3c: {  	p2 =	seq.s32 s10, $0x1;
	s10 =	sld [smem:$0x3FB2]  }
0x3d: {  	_ =	shalt  }
0x3e: {  	_ =	shalt  }
0x3f: {  	_ =	shalt  }
0x40: {  	_ =	shalt  }
0x41: {  	_ =	shalt  }
0x42: {  	_ =	shalt  }
0x43: {  	_ =	shalt  }
0x44: {  	_ =	shalt  }
0x45: {  	_ =	shalt  }
0x46: {  	_ =	shalt  }
0x47: {  	_ =	shalt  }
0x48: {  	_ =	shalt  }
0x49: {  	_ =	shalt  }
0x4a: {  	_ =	shalt  }
0x4b: {  	_ =	shalt  }
0x4c: {  	_ =	shalt  }
0x4d: {  	_ =	shalt  }
0x4e: {  	_ =	shalt  }
0x4f: {  	_ =	shalt  }
0x50: {  	_ =	shalt  }
0x51: {  	_ =	shalt  }
0x52: {  	_ =	shalt  }
0x53: {  	_ =	shalt  }
0x54: {  	_ =	shalt  }
0x55: {  	_ =	shalt  }
0x56: {  	_ =	shalt  }
0x57: {  	_ =	shalt  }
0x58: {  	_ =	shalt  }
0x59: {  	_ =	shalt  }
0x5a: {  	_ =	shalt  }
0x5b: {  	_ =	shalt  }
0x5c: {  	_ =	shalt  }
0x5d: {  	_ =	shalt  }
0x5e: {  	_ =	shalt  }
0x5f: {  	_ =	shalt  }
0x60: {  	_ =	shalt  }
0x61: {  	_ =	shalt  }
0x62: {  	_ =	shalt  }
0x63: {  	_ =	shalt  }
0x64: {  	_ =	shalt  }
0x65: {  	_ =	shalt  }
0x66: {  	_ =	shalt  }
0x67: {  	_ =	shalt  }
0x68: {  	_ =	shalt  }
0x69: {  	_ =	shalt  }
0x6a: {  	_ =	shalt  }
0x6b: {  	_ =	shalt  }
0x6c: {  	_ =	shalt  }
0x6d: {  	_ =	shalt  }
0x6e: {  	_ =	shalt  }
0x6f: {  	_ =	shalt  }
0x70: {  	_ =	shalt  }
0x71: {  	_ =	shalt  }
0x72: {  	_ =	shalt  }
0x73: {  	_ =	shalt  }
0x74: {  	_ =	shalt  }
0x75: {  	_ =	shalt  }
0x76: {  	_ =	shalt  }
0x77: {  	_ =	shalt  }
0x78: {  	_ =	shalt  }
0x79: {  	_ =	shalt  }
0x7a: {  	_ =	shalt  }
0x7b: {  	_ =	shalt  }
0x7c: {  	_ =	shalt  }
0x7d: {  	_ =	shalt  }
0x7e: {  	_ =	shalt  }
0x7f: {  	_ =	shalt  }
0x80: {  	_ =	shalt  }
0x81: {  	_ =	shalt  }
0x82: {  	_ =	shalt  }
0x83: {  	_ =	shalt  }
0x84: {  	_ =	shalt  }
0x85: {  	_ =	shalt  }
0x86: {  	_ =	shalt  }
0x87: {  	_ =	shalt  }
.Lfunc_end0:
.L_simem_size_0:
called_computation_lowered:
.L_overlay_start_0:
0x88: {  	s2 =	sld [smem:$0x3FD9]  }
0x89: {  	s3 =	sld [smem:$0x3FFE];
	_ =	sdelay $0x1  }
0x8a: {  	s1 =	srdreg.scid  }
0x8b: {  	s0 =	sand.u32 $0x1, s1  }
0x8c: {  	s16 =	sshll.u32 s0, $0xA;
	s2 =	sadd.s32 s3, s2  }
0x8d: {  	s2 =	sadd.s32 s2, s16  }
0x8e: {  	[smem:$0x3FBE] =	sst s2  }
0x8f: {  	_ = 	snop  }
0x90: {  	(tm) =	ssettm $0x1  }
0x91: {  	s17 =	sld [smem:$0x3FFB];
	_ =	sdelay $0x3  }
0x92: {  	_ =	strace s17  }
0x93: {  	s2 =	sld [smem:$0x3FFC];
	_ =	sdelay $0x3  }
0x94: {  	_ =	strace s2  }
0x95: {  	s2 =	sld [smem:$0x3FFD];
	_ =	sdelay $0x3  }
0x96: {  	_ =	strace s2  }
0x97: {  	_ =	strace $0x8FFFFFFF  }
0x98: {  	s18 =	sld [smem:$0x3FDB];
	_ =	sdelay $0x1  }
0x99: {  	s19 =	simm.s32 $_scs_section_size  }
0x9a: {  	s4 =	simm.s32 $_size__tile_overlayer_lowered;
	s5 =	simm.s32 $_tile_overlayer_lowered  }
0x9b: {  	s22 =	simm.s32 $0x1BFF;
	s21 =	sshll.u32 s5, $0x1;
	s2 =	sadd.s32 s19, s18  }
0x9c: {  	s6 =	simm.s32 $0x0;
	s20 =	sshll.u32 s4, $0x1;
	s4 =	sadd.s32 s21, s2  }
0x9d: {  	[timem:s6], [sflag:s22] =	dma.local [hbm:s4], s20  }
0x9e: {  	_ =	swait.ge [sflag:s22], s20  }
0x9f: {  	s3 =	ssub.s32 $0x0, s20;
	[sflag:s22] =	ssyncset.done $0x0  }
0xa0: {  	[sflag:s22] =	ssyncadd.s32 s3;
	_ =	sdelay $0x1  }
0xa1: {  	s23 =	simm.s32 $0x1B8B  }
0xa2: {  	_ =	swait.ge [sflag:s23], $0x1  }
0xa3: {  	[sflag:s23] =	ssyncset.done $0x0  }
0xa4: {  	s25 =	simm.s32 $0x1B8E;
	s24 =	sld [smem:$0x3FFE];
	[sflag:s23] =	ssyncadd.s32 $0xFFFFFFFF  }
0xa5: {  	s26 =	simm.s32 $execute0_lowered;
	[smem:$0x3FD2] =	sst s25  }
0xa6: {  	s4 =	sshll.u32 s26, $0x1;
	_ =	strace $0x8000004C;
	[dreg:$0x1] =	wrdreg $0xFFFFFFFF  }
0xa7: {  	s28 =	simm.s32 $_size_execute0_lowered;
	s2 =	sadd.s32 s2, s4;
	[dreg:$0x0] =	wrdreg $0x0  }
0xa8: {  	s4 =	sshll.u32 s28, $0x1;
	[dreg:$0x2] =	wrdreg s2  }
0xa9: {  	[dreg:$0x3] =	wrdreg s4  }
0xaa: {  	[dreg:$0x4] =	wrdreg $0xC0  }
0xab: {  	_ =	task [dreg:s6], $0x5FFFF  }
0xac: {  	[dreg:$0x1] =	wrdreg $0xFFFFFFFF  }
0xad: {  	[dreg:$0x0] =	wrdreg $0x60  }
0xae: {  	[dreg:$0x2] =	wrdreg s24  }
0xaf: {  	[dreg:$0x3] =	wrdreg $0x9  }
0xb0: {  	_ =	task.clear_ibuf [dreg:s6], $0x4FFFF;
	_ =	strace $0x9000004C  }
0xb1: {  	s29 =	simm.s32 $0x9;
	_ =	strace $0x8000004E  }
0xb2: {  	_ =	swait.ge [sflag:s29], $0x1  }
0xb3: {  	[sflag:s29] =	ssyncadd.s32 $0xFFFFFFFF  }
0xb4: {  	_ =	strace $0x9000004E  }
0xb5: {  	_ =	sfence  }
0xb6: {  	s30 =	sld [smem:$0x0];
	_ =	sdelay $0x2  }
0xb7: {  	s31 =	sshll.u32 s1, $0xD;
	s1 =	sshrl.u32 s1, $0x2  }
0xb8: {  	s3 =	sand.u32 $0x4000, s31;
	s1 =	sadd.s32 s1, s30  }
0xb9: {  	s0 =	sor.u32 s3, s0;
	s1 =	sshll.u32 s1, $0x11  }
0xba: {  	s0 =	sor.u32 s1, s0  }
0xbb: {  	s0 =	sadd.s32 $0x8F2B, s0  }
0xbc: {  	[sflag:s0] =	ssyncadd.remote.s32 $0x1  }
0xbd: {  	_ =	sfence.sel $0xFFFF  }
0xbe: {  	[dreg:$0x0] =	wrdreg $0xFFFFFFFF;
	(pc) =	sbr.abs _section_cstart, $3  }
0xbf: {  	[dreg:$0x1] =	wrdreg $0xFFFFFFFF  }
0xc0: {  	_ =	task.clear_ibuf [dreg:s6], $0x2FFFF;
	_ =	strace $0x9FFFFFFF  }
0xc1: {  	(tm) =	ssettm $0x7FFFFFFF  }
tec
execute0_lowered:
.L_overlay_start_1:
0x0: {  	(tag) =	ssettag $0x1  }
0x1: {  	s0 =	srdreg.scid  }
0x2: {  	s1 =	sshll.u32 s0, $0x4  }
0x3: {  	s0 =	stileid.u32;
	s1 =	sand.u32 $0x10, s1  }
0x4: {  	s1 =	sor.u32 s0, s1  }
0x5: {  	s2 =	smin.u32 s1, $0x12  }
0x6: {  	s2 =	sadd.s32 s1, s2  }
0x7: {  	p0 =	slt.u32 s1, $0x12;
	s1 =	simm.s32 $0xA0;
	s2 =	smul.u32 $0x50, s2  }
0x8: {  	s1 =	simm.s32 @!p0 $0x50  }
0x9: {  	s1 =	sadd.s32 s1, s2  }
0xa: {  	s3 =	smin.u32 s1, $0xFA0  }
0xb: {  	s7 =	ssub.s32 s3, s2  }
0xc: {  	p0 =	sgt.s32 s7, $0x0  }
0xd: {  	s7 =	simm.s32 @!p0 $0x0  }
0xe: {  	s31 =	smul.u32 $0xCCCD, s7  }
0xf: {  	s9 =	rddreg [dreg:$0x0];
	s6 =	simm.s32 $0x1;
	s11 =	simm.s32 $0x3  }
0x10: {  	s13 =	simm.s32 $0x0;
	s12 =	simm.s32 $0x0;
	s8 =	sshrl.u32 s31, $0x16  }
0x11: {  	s4 =	sadd.s32 $0x1C800, s9;
	s5 =	sadd.s32 $0x1800, s9;
	s10 =	smul.u32 $0x50, s8  }
.Ltmp0:
0x12: {  	s9 =	sadd.s32 $0x10C800, s9;
	s1 =	rddreg [dreg:$0x1];
	(pc) =	sbr.rel .LBB2_1-.Ltmp0, $4  }
0x13: {  	_ =	strace $0x8000004D;
	p0 =	sne.s32 s7, s10;
	s10 =	simm.s32 $0x1  }
0x14: {  	[sflag:s6] =	ssyncpa.u1 $0x0;
	s7 =	simm.s32 $0x2;
	s10 =	simm.s32 @!p0 $0x0  }
0x15: {  	[sflag:s7] =	ssyncpa.u1 $0x0;
	p0 =	por $0x0, $0x0;
	s8 =	sadd.s32 s8, s10  }
0x16: {  	vm0 =	vmmov $0xff;
	vm1 =	vcmask $0x3F20;
	[sflag:s11] =	ssyncpa.u1 $0x0;
	s11 =	smov.u32 s2;
	s10 =	sadd.s32 $0x1, s8  }
.LBB2_6:
0x17: {  	[hbm:s17] =	stream.linear.scatter [tilespmem:s14], [sflag:$0x3], $0x400, $0x38;
	[tilespmem:$0x50A0] =	vst v63  }
.LBB2_7:
0x18: {  	s13 =	sadd.s32 $0x50, s11  }
0x19: {  	s15 =	smov.u32 s2;
	p2 =	slt.s32 s13, s3  }
0x1a: {  	s15 =	smov.u32 @p2 s13;
	p2 =	sne.s32 s12, s10  }
.Ltmp1:
0x1b: {  	p1 =	slt.u32 s12, $0x2;
	(pc) =	sbr.rel @!p2 .LBB2_8-.Ltmp1, $4  }
0x1c: {  	s14 =	simm.s32 @!p1 $0x3  }
0x1d: {  	s16 =	sadd.s32 $0x1, s12;
	_ =	swait.ge @!p1 [sflag:s14], $0x2800  }
0x1e: {  	p0 =	por !p0, !p0;
	s13 =	smov.u32 s11;
	[sflag:s14] =	ssyncset.done @!p1 $0x0  }
0x1f: {  	s12 =	smov.u32 s16;
	s11 =	smov.u32 s15;
	[sflag:s14] =	ssyncadd.s32 @!p1 $0xFFFFD800  }
.LBB2_1:
0x20: {  	p1 =	sge.u32 s12, s8  }
0x21: {  	s14 =	sxor.u32 @!p1 $0xFFFFFFFF, s12  }
0x22: {  	s14 =	sand.u32 @!p1 $0x1, s14  }
0x23: {  	s14 =	smul.u32 @!p1 $0x140, s14  }
0x24: {  	s31 =	sadd.s32 $0xFFFFFFFF, s12;
	s15 =	sshrl.u32 @!p1 s11, $0x3  }
0x25: {  	s16 =	sand.u32 @!p1 $0x7, s11;
	s15 =	sadd.s32 @!p1 s5, s15;
	s14 =	sshrl.u32 @!p1 s14, $0x2  }
0x26: {  	[tilespmem:s14], [sflag:$0x2] =	stream.linear.gather @!p1 [hbm4b:s15+s16], $0x50, $0x38;
	[tilespmem:$0x50A0] =	vst v63  }
0x27: {  	p1 =	sge.u32 s31, s8  }
.Ltmp2:
0x28: {  	_ = 	snop;
	(pc) =	sbr.rel @p1 .LBB2_7-.Ltmp2, $1  }
0x29: {  	_ =	sdelay $0x3  }
0x2a: {  	s14 =	simm.s32 $0x1  }
0x2b: {  	s14 =	simm.s32 @!p0 $0x0  }
0x2c: {  	s15 =	smul.u32 $0x140, s14  }
0x2d: {  	_ =	swait.ge [sflag:s7], $0x50  }
0x2e: {  	[sflag:s7] =	ssyncset.done $0x0;
	s16 =	sshrl.u32 s15, $0x2  }
0x2f: {  	[sflag:s7] =	ssyncadd.s32 $0xFFFFFFB0;
	s15 =	sadd.s32 $0x0, s16  }
0x30: {  	v0 =	vld.msk [tilespmem:s15+$0x0 ss:$0x1], $0xffff;
	_ =	sdelay $0x4  }
0x31: {  	v1 =	vand.u32 $0x3, v0;
	v2 =	vshll.u32 v0, $0x5  }
0x32: {  	vm2 =	veq.s32 v0, $0x80000000;
	v0 =	vmul.u32 $0x180000, v1;
	v1 =	vand.u32 $0x1FFF80, v2  }
0x33: {  	v1 =	vsel vm2, $0xFFFFFF80, v1  }
0x34: {  	v0 =	vsel vm2, $0xFFE80000, v0;
	v2 =	vand.u32 $0xFFFFFC00, v1  }
0x35: {  	v1 =	vand.u32 $0x380, v1;
	v0 =	vadd.s32 v0, v2  }
0x36: {  	v0 =	vor.u32 v1, v0  }
0x37: {  	v0 =	vshrl.u32 v0, $0x3  }
0x38: {  	s14 =	smul.u32 $0xA000, s14;
	_ =	sdelay $0x1  }
0x39: {  	s14 =	sshrl.u32 s14, $0x2  }
0x3a: {  	s14 =	sor.u32 $0xA0, s14  }
0x3b: {  	[tilespmem:s14], [sflag:$0x1] =	stream.indirect_vreg.gather [hbm:s4], $0x80, v0, vm0, $0x38;
	[tilespmem:$0x50A0] =	vst v63  }
0x3c: {  	s17 =	sadd.s32 $0x10, s16;
	s15 =	sadd.s32 $0x400, s14  }
0x3d: {  	[tilespmem:s15], [sflag:$0x1] =	stream.indirect_vreg.gather [hbm:s4], $0x80, v0, vm1, $0x38;
	[tilespmem:$0x50A0] =	vst v63  }
0x3e: {  	s18 =	simm.s32 $0x80;
	v0 =	vld.msk [tilespmem:s17+$0x0 ss:$0x1], $0xffff;
	s17 =	smov.u32 s14  }
.LBB2_3:
0x3f: {  	p1 =	sne.s32 s18, $0x100;
	_ =	sdelay $0x4  }
0x40: {  	v1 =	vand.u32 $0x3, v0;
	v2 =	vshll.u32 v0, $0x5  }
0x41: {  	vm2 =	veq.s32 v0, $0x80000000;
	v0 =	vmul.u32 $0x180000, v1;
	v1 =	vand.u32 $0x1FFF80, v2  }
0x42: {  	v1 =	vsel vm2, $0xFFFFFF80, v1  }
0x43: {  	v0 =	vsel vm2, $0xFFE80000, v0;
	v2 =	vand.u32 $0xFFFFFC00, v1  }
0x44: {  	v1 =	vand.u32 $0x380, v1;
	v0 =	vadd.s32 v0, v2  }
0x45: {  	v0 =	vor.u32 v1, v0  }
0x46: {  	v0 =	vshrl.u32 v0, $0x3;
	_ =	sdelay $0x3  }
.Ltmp3:
0x47: {  	s19 =	sshra.s32 s18, $0x2;
	s17 =	sadd.s32 $0x800, s17;
	(pc) =	sbr.rel @p1 .LBB2_3-.Ltmp3, $4  }
0x48: {  	[tilespmem:s17], [sflag:$0x1] =	stream.indirect_vreg.gather [hbm:s4], $0x80, v0, vm0, $0x38;
	[tilespmem:$0x50A0] =	vst v63  }
0x49: {  	s19 =	sadd.s32 s19, s16;
	s20 =	sadd.s32 $0x400, s17  }
0x4a: {  	[tilespmem:s20], [sflag:$0x1] =	stream.indirect_vreg.gather [hbm:s4], $0x80, v0, vm1, $0x38;
	[tilespmem:$0x50A0] =	vst v63  }
0x4b: {  	s18 =	sadd.s32 $0x40, s18;
	v0 =	vld.msk [tilespmem:s19+$0x0 ss:$0x1], $0xffff  }
0x4c: {  	_ =	sdelay $0x3  }
0x4d: {  	v1 =	vand.u32 $0x3, v0;
	v2 =	vshll.u32 v0, $0x5  }
0x4e: {  	vm2 =	veq.s32 v0, $0x80000000;
	v61 =	vmul.u32 $0x180000, v1;
	v62 =	vand.u32 $0x1FFF80, v2  }
0x4f: {  	v1 =	vsel vm2, $0xFFFFFF80, v62  }
0x50: {  	v0 =	vsel vm2, $0xFFE80000, v61;
	v63 =	vand.u32 $0xFFFFFC00, v1  }
0x51: {  	v1 =	vand.u32 $0x380, v1;
	v0 =	vadd.s32 v0, v63  }
0x52: {  	v0 =	vor.u32 v1, v0  }
0x53: {  	v0 =	vshrl.u32 v0, $0x3;
	_ =	sdelay $0x3  }
0x54: {  	s16 =	sadd.s32 $0x800, s17  }
0x55: {  	[tilespmem:s16], [sflag:$0x1] =	stream.indirect_vreg.gather [hbm:s4], $0x80, v0, vm0, $0x38;
	[tilespmem:$0x50A0] =	vst v63  }
0x56: {  	s16 =	sadd.s32 $0x400, s16  }
0x57: {  	[tilespmem:s16], [sflag:$0x1] =	stream.indirect_vreg.gather [hbm:s4], $0x80, v0, vm1, $0x38;
	[tilespmem:$0x50A0] =	vst v63  }
0x58: {  	s13 =	sshll.u32 s13, $0x4;
	_ =	swait.ge [sflag:s6], $0x2800  }
0x59: {  	s13 =	sadd.s32 s13, s9;
	[sflag:s6] =	ssyncset.done $0x0  }
0x5a: {  	s17 =	sadd.s32 $0x0, s13;
	s16 =	simm.s32 $0x80;
	[sflag:s6] =	ssyncadd.s32 $0xFFFFD800  }
.LBB2_5:
0x5b: {  	[hbm:s17] =	stream.linear.scatter [tilespmem:s14], [sflag:$0x3], $0x400, $0x38;
	[tilespmem:$0x50A0] =	vst v63  }
0x5c: {  	s17 =	smov.u32 s16;
	s14 =	smov.u32 s15;
	p1 =	sne.s32 s16, $0x480  }
.Ltmp4:
0x5d: {  	s16 =	sadd.s32 $0x80, s16;
	(pc) =	sbr.rel @p1 .LBB2_5-.Ltmp4, $2  }
0x5e: {  	_ =	sdelay $0x2  }
0x5f: {  	s15 =	sadd.s32 $0x400, s15;
	s17 =	sadd.s32 s17, s13  }
.Ltmp5:
0x60: {  	_ = 	snop;
	(pc) =	sbr.rel .LBB2_6-.Ltmp5, $1  }
0x61: {  	_ =	sdelay $0x3  }
.LBB2_8:
0x62: {  	_ =	sfence.sel $0x180000  }
0x63: {  	s2 =	simm.s32 $0x2;
	[bflag:$0x0] =	sbarrier.arrive $0xFFFF  }
0x64: {  	s30 =	simm.s32 $0x3;
	[sflag:s2] =	ssyncpa.u1 $0x1  }
0x65: {  	s31 =	simm.s32 $0x1;
	[sflag:s30] =	ssyncpa.u1 $0x1  }
0x66: {  	[sflag:s31] =	ssyncpa.u1 $0x1  }
0x67: {  	p0 =	sne.s32 s0, $0x0;
	_ =	strace $0x9000004D  }
0x68: {  	s0 =	sadd.s32 @!p0 $0x100000, s1;
	[bflag:$0x2] =	sbarrier.arrive $0xFFFF  }
0x69: {  	[sflag:s0] =	ssyncadd.tile.s32 @!p0 $0x1;
	_ =	shalt  }
.Lfunc_end2:
_tile_overlayer_lowered:
.L_overlay_start_2:
0x6a: {  	(tag) =	ssettag $0x2  }
0x6b: {  	s0 =	rddreg [dreg:$0x0];
	s2 =	stileid.u32  }
0x6c: {  	s1 =	rddreg [dreg:$0x1];
	p0 =	sne.s32 s2, $0x0  }
0x6d: {  	s3 =	rddreg [dreg:$0x2];
	[bflag:$0x3] =	sbarrier.arrive $0xFFFF;
	s2 =	simm.s32 @!p0 $0x1C01  }
0x6e: {  	[timem:s3], [sflag:s2] =	dma.local @!p0 [hbm:s0], s1  }
0x6f: {  	s0 =	simm.s32 @!p0 $0x1  }
0x70: {  	_ =	swait.ge @!p0 [sflag:s0], s1  }
0x71: {  	s1 =	ssub.s32 @!p0 $0x0, s1;
	[sflag:s0] =	ssyncset.done @!p0 $0x0  }
0x72: {  	[sflag:s0] =	ssyncadd.s32 @!p0 s1  }
0x73: {  	[bflag:$0x3] =	sbarrier.arrive $0xFFFF  }
0x74: {  	_ =	shalt  }

</sc_bundles>
